<compile_context>
chip_gen: v7x
topology: tpu7x:2x2x1
jax: 0.10.2.dev20260603
libtpu: 0.0.44.dev20260713+nightly
codegen_flags: <defaults>
</compile_context>

<pallas_src>
import functools

import jax
import jax.numpy as jnp
from jax import lax
from jax.experimental import pallas as pl
from jax.experimental.pallas import tpu as pltpu
from jax.experimental.pallas import tpu_sc as plsc

N = 10000
E = 640000
F = 32
FM = 4 * F
NC, NS, LANES = 2, 16, 16
NW = NC * NS
EPW = E // NW
KBLK = 80
NBLK = EPW // KBLK
NPAD = 10240
RPS = NPAD // NS
ZROWS = 128

EB = 2000
NB = 2048
BN = 640


def _coeff_body(d_ref, ii_ref, jj_ref, c_ref, w_ref, out_ref):
    d = d_ref[...]
    dx = d[:, 0:1]
    dy = d[:, 1:2]
    dz = d[:, 2:3]
    r = jnp.sqrt(dx * dx + dy * dy + dz * dz)
    inv = 1.0 / (r + 1e-5)
    mask = (ii_ref[...] != jj_ref[...]).astype(jnp.float32)
    t = r - c_ref[...]
    basis = jnp.exp(-w_ref[...] * t * t) * mask
    out_ref[...] = jnp.concatenate(
        [basis, basis * (dx * inv), basis * (dy * inv), basis * (dz * inv)],
        axis=1,
    )


def _edge_coeffs(dr_vec, idx_i, idx_j, centers, widths):
    grid = E // EB
    return pl.pallas_call(
        _coeff_body,
        grid=(grid,),
        in_specs=[
            pl.BlockSpec((EB, 3), lambda i: (i, 0)),
            pl.BlockSpec((EB, 1), lambda i: (i, 0)),
            pl.BlockSpec((EB, 1), lambda i: (i, 0)),
            pl.BlockSpec((1, F), lambda i: (0, 0)),
            pl.BlockSpec((1, F), lambda i: (0, 0)),
        ],
        out_specs=pl.BlockSpec((EB, FM), lambda i: (i, 0)),
        out_shape=jax.ShapeDtypeStruct((E, FM), jnp.float32),
    )(dr_vec, idx_i.reshape(E, 1), idx_j.reshape(E, 1),
      centers.reshape(1, F), widths.reshape(1, F))


def _embed_body(z_ref, emb_ref, out_ref):
    z = z_ref[...]
    ids = lax.broadcasted_iota(jnp.int32, (NB, 128), 1)
    onehot = (ids == z).astype(jnp.float32)
    out_ref[...] = jnp.dot(onehot, emb_ref[...],
                           preferred_element_type=jnp.float32)


def _embed(Z, embed_table):
    emb_pad = jnp.zeros((128, 128), jnp.float32).at[:100, :F].set(embed_table)
    z_pad = jnp.zeros((NPAD,), jnp.int32).at[:N].set(Z)
    return pl.pallas_call(
        _embed_body,
        grid=(NPAD // NB,),
        in_specs=[
            pl.BlockSpec((NB, 1), lambda i: (i, 0)),
            pl.BlockSpec((128, 128), lambda i: (0, 0)),
        ],
        out_specs=pl.BlockSpec((NB, 128), lambda i: (i, 0)),
        out_shape=jax.ShapeDtypeStruct((NPAD, 128), jnp.float32),
    )(z_pad.reshape(NPAD, 1), emb_pad)


def _sc_moments_body(h_hbm, b4_hbm, ii_hbm, jj_hbm, out_hbm,
                     idxi_v, idxj_v, hrows_v, b4_v, v_v, zbuf_v, acc_sh,
                     sem):
    cid = lax.axis_index("c")
    sid = lax.axis_index("s")
    wid = sid * NC + cid

    def zrow(i, carry):
        for c in range(FM // LANES):
            zbuf_v[i, pl.ds(c * LANES, LANES)] = jnp.zeros((LANES,),
                                                           jnp.float32)
        return carry
    lax.fori_loop(0, ZROWS, zrow, 0)

    def zcopy(j, carry):
        pltpu.sync_copy(zbuf_v,
                        acc_sh.at[pl.ds(sid * RPS + j * ZROWS, ZROWS)])
        return carry
    lax.fori_loop(0, RPS // ZROWS, zcopy, 0)
    plsc.subcore_barrier()

    base = wid * EPW

    def blk(b, carry):
        e0 = base + b * KBLK
        pltpu.sync_copy(ii_hbm.at[pl.ds(e0, KBLK)], idxi_v)
        pltpu.sync_copy(jj_hbm.at[pl.ds(e0, KBLK)], idxj_v)
        pltpu.async_copy(h_hbm.at[idxj_v], hrows_v, sem).wait()
        pltpu.sync_copy(b4_hbm.at[pl.ds(e0, KBLK)], b4_v)

        def edge(k, inner):
            h0 = hrows_v[k, pl.ds(0, LANES)]
            h1 = hrows_v[k, pl.ds(LANES, LANES)]
            for c in range(FM // LANES):
                hh = h0 if (c % 2 == 0) else h1
                v_v[k, pl.ds(c * LANES, LANES)] = (
                    hh * b4_v[k, pl.ds(c * LANES, LANES)])
            return inner
        lax.fori_loop(0, KBLK, edge, 0)

        pltpu.sync_copy(v_v, acc_sh.at[idxi_v], add=True)
        return carry
    lax.fori_loop(0, NBLK, blk, 0)

    plsc.subcore_barrier()
    pltpu.sync_copy(acc_sh.at[pl.ds(sid * RPS, RPS)],
                    out_hbm.at[cid, pl.ds(sid * RPS, RPS)])


def _sc_moments(h, b4, idx_i, idx_j):
    mesh = plsc.VectorSubcoreMesh(core_axis_name="c", subcore_axis_name="s",
                                  num_cores=NC, num_subcores=NS)
    f = pl.kernel(
        _sc_moments_body,
        out_type=jax.ShapeDtypeStruct((NC, NPAD, FM), jnp.float32),
        mesh=mesh,
        scratch_types=[
            pltpu.VMEM((KBLK,), jnp.int32),
            pltpu.VMEM((KBLK,), jnp.int32),
            pltpu.VMEM((KBLK, 128), jnp.float32),
            pltpu.VMEM((KBLK, FM), jnp.float32),
            pltpu.VMEM((KBLK, FM), jnp.float32),
            pltpu.VMEM((ZROWS, FM), jnp.float32),
            pltpu.VMEM_SHARED((NPAD, FM), jnp.float32),
            pltpu.SemaphoreType.DMA,
        ],
    )
    return f(h, b4, idx_i, idx_j)


def _post_proj_body(m_ref, wp_ref, out_ref):
    m = m_ref[0] + m_ref[1]
    m0 = m[:, 0:F]
    mx = m[:, F:2 * F]
    my = m[:, 2 * F:3 * F]
    mz = m[:, 3 * F:4 * F]
    acc = jnp.dot(m0, wp_ref[0:F, :], preferred_element_type=jnp.float32)
    for r in range(F):
        cr = (mx[:, r:r + 1] * mx + my[:, r:r + 1] * my
              + mz[:, r:r + 1] * mz)
        acc = acc + jnp.dot(cr, wp_ref[F + r * F:F + (r + 1) * F, :],
                            preferred_element_type=jnp.float32)
    out_ref[...] = jnp.concatenate(
        [acc, jnp.zeros((BN, 128 - F), jnp.float32)], axis=1)


def _post_proj(moments, w_proj):
    return pl.pallas_call(
        _post_proj_body,
        grid=(NPAD // BN,),
        in_specs=[
            pl.BlockSpec((NC, BN, FM), lambda i: (0, i, 0)),
            pl.BlockSpec((F + F * F, F), lambda i: (0, 0)),
        ],
        out_specs=pl.BlockSpec((BN, 128), lambda i: (i, 0)),
        out_shape=jax.ShapeDtypeStruct((NPAD, 128), jnp.float32),
    )(moments, w_proj)


def _post_out_body(m_ref, out_ref):
    m = m_ref[0] + m_ref[1]
    m0 = m[:, 0:F]
    mx = m[:, F:2 * F]
    my = m[:, 2 * F:3 * F]
    mz = m[:, 3 * F:4 * F]
    out_ref[:, 0:F] = m0
    for r in range(F):
        cr = (mx[:, r:r + 1] * mx + my[:, r:r + 1] * my
              + mz[:, r:r + 1] * mz)
        out_ref[:, F + r * F:F + (r + 1) * F] = cr


def _post_out(moments):
    return pl.pallas_call(
        _post_out_body,
        grid=(NPAD // BN,),
        in_specs=[pl.BlockSpec((NC, BN, FM), lambda i: (0, i, 0))],
        out_specs=pl.BlockSpec((BN, F + F * F), lambda i: (i, 0)),
        out_shape=jax.ShapeDtypeStruct((NPAD, F + F * F), jnp.float32),
    )(moments)


def kernel(dr_vec, Z, neighbor_idxs, embed_table, basis_centers,
           basis_widths, W_proj):
    dr_vec = dr_vec.astype(jnp.float32)
    idx_i = neighbor_idxs[0]
    idx_j = neighbor_idxs[1]

    b4 = _edge_coeffs(dr_vec, idx_i, idx_j, basis_centers, basis_widths)
    h = _embed(Z, embed_table)

    m1 = _sc_moments(h, b4, idx_i, idx_j)
    h1 = _post_proj(m1, W_proj)
    m2 = _sc_moments(h1, b4, idx_i, idx_j)
    return _post_out(m2)[:N]

# --- scband reference (transcript-rebuilt; emitter-appended) ---
"""Pipeline reference for scband-new-model-69776038691503 (READ-ONLY COPY).

The authoritative reference and input builder live on the scoring server;
editing this copy changes nothing except your own understanding.
"""

import jax, jax.numpy as jnp
import numpy as np

N_ATOMS = 10000
N_EDGES = 640000
F = 32
N_SPECIES = 100


def setup_inputs(seed: int = 0) -> dict:
    key = jax.random.key(seed)
    k1, k2, k3, k4, k5 = jax.random.split(key, 5)
    dr_vec = jax.random.normal(k1, (N_EDGES, 3), dtype=jnp.float32) * 2.0
    Z = jax.random.randint(k2, (N_ATOMS,), 0, N_SPECIES, dtype=jnp.int32)
    neighbor_idxs = jax.random.randint(k3, (2, N_EDGES), 0, N_ATOMS, dtype=jnp.int32)
    # learned parameters
    embed_table = jax.random.normal(k4, (N_SPECIES, F), dtype=jnp.float32)
    basis_centers = jnp.linspace(0.0, 5.0, F, dtype=jnp.float32)
    basis_widths = jnp.full((F,), 10.0, dtype=jnp.float32)
    W_proj = jax.random.normal(k5, (F + F * F, F), dtype=jnp.float32) * 0.02
    return {
        'dr_vec': dr_vec,
        'Z': Z,
        'neighbor_idxs': neighbor_idxs,
        'embed_table': embed_table,
        'basis_centers': basis_centers,
        'basis_widths': basis_widths,
        'W_proj': W_proj,
    }


def _interaction(dn, h_s, basis, idx_i, idx_j, n_atoms):
    # gather source-node features, modulate by radial basis (per-edge)
    zero_moment_e = jnp.take(h_s, idx_j, axis=0) * basis            # [E, F]
    first_moment_e = zero_moment_e[:, :, None] * dn[:, None, :]     # [E, F, 3]
    # aggregate moments onto destination atoms
    zero_moment = jax.ops.segment_sum(zero_moment_e, idx_i, n_atoms)   # [N, F]
    first_moment = jax.ops.segment_sum(first_moment_e, idx_i, n_atoms) # [N, F, 3]
    h_s0 = zero_moment
    h_s1 = jnp.einsum('ari,asi->ars', first_moment, first_moment)
    h_s1 = jnp.reshape(h_s1, (n_atoms, -1))                         # [N, F*F]
    h_p = jnp.einsum('ar,asi->airs', zero_moment, first_moment)
    h_p = jnp.reshape(h_p, (n_atoms, 3, -1))                        # [N, 3, F*F]
    h_s_out = jnp.concatenate([h_s0, h_s1], axis=-1)                # [N, F+F*F]
    return h_s_out, h_p


def reference(dr_vec, Z, neighbor_idxs, embed_table, basis_centers, basis_widths, W_proj):
    dr_vec = dr_vec.astype(jnp.float32)
    n_atoms = Z.shape[0]
    idx_i = neighbor_idxs[0]
    idx_j = neighbor_idxs[1]
    # atom embedding
    h_s = jnp.take(embed_table, Z, axis=0)                          # [N, F]
    # distances and unit direction vectors
    dr = jnp.sqrt(jnp.sum(dr_vec * dr_vec, axis=-1))                # [E]
    dr_repeated = (dr + 1e-05)[:, None]
    dn = dr_vec / dr_repeated                                       # [E, 3]
    # Gaussian radial basis
    basis = jnp.exp(-basis_widths[None, :] * (dr[:, None] - basis_centers[None, :]) ** 2)  # [E, F]
    # mask_by_neighbor: zero out self/padding edges
    mask = (idx_i != idx_j).astype(basis.dtype)
    basis = basis * mask[:, None]
    # first interaction
    h_s, h_p = _interaction(dn, h_s, basis, idx_i, idx_j, n_atoms)
    # project concatenated moments back to F channels (omitted Dense in setup)
    h_s = h_s @ W_proj                                              # [N, F]
    # second interaction
    h_s, h_p = _interaction(dn, h_s, basis, idx_i, idx_j, n_atoms)
    return h_s                                                      # [N, F+F*F] = [10000, 1056]

if __name__ == "__main__":
    import jax
    _d = setup_inputs()
    print(jax.jit(kernel)(*tuple(_d.values())))

</pallas_src>

<mosaic_0001>
#map = affine_map<(d0, d1) -> (0, 0)>
#map1 = affine_map<(d0, d1) -> (0)>
#map2 = affine_map<(d0, d1) -> (0, 0, 0)>
module attributes {stable_mosaic.version = 14 : i64} {
  func.func @_sc_moments_body(%arg0: i32, %arg1: i32, %arg2: memref<10240x128xf32, #tpu.memory_space<hbm>>, %arg3: memref<640000x128xf32, #tpu.memory_space<hbm>>, %arg4: memref<640000xi32, #tpu.memory_space<hbm>>, %arg5: memref<640000xi32, #tpu.memory_space<hbm>>, %arg6: memref<2x10240x128xf32, #tpu.memory_space<hbm>>, %arg7: memref<80xi32, #tpu.memory_space<vmem>>, %arg8: memref<80xi32, #tpu.memory_space<vmem>>, %arg9: memref<80x128xf32, #tpu.memory_space<vmem>>, %arg10: memref<80x128xf32, #tpu.memory_space<vmem>>, %arg11: memref<80x128xf32, #tpu.memory_space<vmem>>, %arg12: memref<128x128xf32, #tpu.memory_space<vmem>>, %arg13: memref<10240x128xf32, #tpu.memory_space<vmem_shared>>, %arg14: memref<!tpu.dma_semaphore, #tpu.memory_space<semaphore_mem>>) attributes {dimension_semantics = [#tpu.dimension_semantics<core_parallel>, #tpu.dimension_semantics<subcore_parallel>], iteration_bounds = array<i64: 2, 16>, scalar_prefetch = 0 : i64, scratch_operands = 8 : i64, tpu.core_type = #tpu.core_type<sc_vector_subcore>, window_params = [{transform_indices = #map}, {transform_indices = #map}, {transform_indices = #map1}, {transform_indices = #map1}, {transform_indices = #map2}]} {
    %mul3A = arith.constant 2 : i32
    %mul3A_0 = arith.muli %arg1, %mul3A : i32
    %add3A = arith.addi %mul3A_0, %arg0 : i32
    %scan3A = arith.constant 0 : i32
    %scan3A_1 = arith.constant 0 : i32
    %scan3A_2 = arith.constant 128 : i32
    %scan3A_3 = arith.addi %scan3A_1, %scan3A_2 : i32
    %scan3A_4 = arith.constant 1 : i32
    scf.for %scan3A_25 = %scan3A_1 to %scan3A_3 step %scan3A_4  : i32 {
      %broadcast_in_dim3A = arith.constant 0.000000e+00 : f32
      %broadcast_in_dim3A_26 = vector.broadcast %broadcast_in_dim3A : f32 to vector<16xf32>
      %swap3A = arith.index_cast %scan3A_25 : i32 to index
      %swap3A_27 = arith.constant 0 : index
      %swap3A_28 = tpu.vector_load %arg12[%swap3A, %swap3A_27] {strides = array<i32>} : memref<128x128xf32, #tpu.memory_space<vmem>>, vector<1x16xf32>,
      %swap3A_29 = vector.shape_cast %swap3A_28 : vector<1x16xf32> to vector<16xf32>
      %swap3A_30 = vector.shape_cast %broadcast_in_dim3A_26 : vector<16xf32> to vector<1x16xf32>
      tpu.vector_store %arg12[%swap3A, %swap3A_27], %swap3A_30 {strides = array<i32>} : memref<128x128xf32, #tpu.memory_space<vmem>>, vector<1x16xf32>,
      %broadcast_in_dim3A_31 = arith.constant 0.000000e+00 : f32
      %broadcast_in_dim3A_32 = vector.broadcast %broadcast_in_dim3A_31 : f32 to vector<16xf32>
      %swap3A_33 = arith.index_cast %scan3A_25 : i32 to index
      %swap3A_34 = arith.constant 16 : index
      %swap3A_35 = tpu.vector_load %arg12[%swap3A_33, %swap3A_34] {strides = array<i32>} : memref<128x128xf32, #tpu.memory_space<vmem>>, vector<1x16xf32>,
      %swap3A_36 = vector.shape_cast %swap3A_35 : vector<1x16xf32> to vector<16xf32>
      %swap3A_37 = vector.shape_cast %broadcast_in_dim3A_32 : vector<16xf32> to vector<1x16xf32>
      tpu.vector_store %arg12[%swap3A_33, %swap3A_34], %swap3A_37 {strides = array<i32>} : memref<128x128xf32, #tpu.memory_space<vmem>>, vector<1x16xf32>,
      %broadcast_in_dim3A_38 = arith.constant 0.000000e+00 : f32
      %broadcast_in_dim3A_39 = vector.broadcast %broadcast_in_dim3A_38 : f32 to vector<16xf32>
      %swap3A_40 = arith.index_cast %scan3A_25 : i32 to index
      %swap3A_41 = arith.constant 32 : index
      %swap3A_42 = tpu.vector_load %arg12[%swap3A_40, %swap3A_41] {strides = array<i32>} : memref<128x128xf32, #tpu.memory_space<vmem>>, vector<1x16xf32>,
      %swap3A_43 = vector.shape_cast %swap3A_42 : vector<1x16xf32> to vector<16xf32>
      %swap3A_44 = vector.shape_cast %broadcast_in_dim3A_39 : vector<16xf32> to vector<1x16xf32>
      tpu.vector_store %arg12[%swap3A_40, %swap3A_41], %swap3A_44 {strides = array<i32>} : memref<128x128xf32, #tpu.memory_space<vmem>>, vector<1x16xf32>,
      %broadcast_in_dim3A_45 = arith.constant 0.000000e+00 : f32
      %broadcast_in_dim3A_46 = vector.broadcast %broadcast_in_dim3A_45 : f32 to vector<16xf32>
      %swap3A_47 = arith.index_cast %scan3A_25 : i32 to index
      %swap3A_48 = arith.constant 48 : index
      %swap3A_49 = tpu.vector_load %arg12[%swap3A_47, %swap3A_48] {strides = array<i32>} : memref<128x128xf32, #tpu.memory_space<vmem>>, vector<1x16xf32>,
      %swap3A_50 = vector.shape_cast %swap3A_49 : vector<1x16xf32> to vector<16xf32>
      %swap3A_51 = vector.shape_cast %broadcast_in_dim3A_46 : vector<16xf32> to vector<1x16xf32>
      tpu.vector_store %arg12[%swap3A_47, %swap3A_48], %swap3A_51 {strides = array<i32>} : memref<128x128xf32, #tpu.memory_space<vmem>>, vector<1x16xf32>,
      %broadcast_in_dim3A_52 = arith.constant 0.000000e+00 : f32
      %broadcast_in_dim3A_53 = vector.broadcast %broadcast_in_dim3A_52 : f32 to vector<16xf32>
      %swap3A_54 = arith.index_cast %scan3A_25 : i32 to index
      %swap3A_55 = arith.constant 64 : index
      %swap3A_56 = tpu.vector_load %arg12[%swap3A_54, %swap3A_55] {strides = array<i32>} : memref<128x128xf32, #tpu.memory_space<vmem>>, vector<1x16xf32>,
      %swap3A_57 = vector.shape_cast %swap3A_56 : vector<1x16xf32> to vector<16xf32>
      %swap3A_58 = vector.shape_cast %broadcast_in_dim3A_53 : vector<16xf32> to vector<1x16xf32>
      tpu.vector_store %arg12[%swap3A_54, %swap3A_55], %swap3A_58 {strides = array<i32>} : memref<128x128xf32, #tpu.memory_space<vmem>>, vector<1x16xf32>,
      %broadcast_in_dim3A_59 = arith.constant 0.000000e+00 : f32
      %broadcast_in_dim3A_60 = vector.broadcast %broadcast_in_dim3A_59 : f32 to vector<16xf32>
      %swap3A_61 = arith.index_cast %scan3A_25 : i32 to index
      %swap3A_62 = arith.constant 80 : index
      %swap3A_63 = tpu.vector_load %arg12[%swap3A_61, %swap3A_62] {strides = array<i32>} : memref<128x128xf32, #tpu.memory_space<vmem>>, vector<1x16xf32>,
      %swap3A_64 = vector.shape_cast %swap3A_63 : vector<1x16xf32> to vector<16xf32>
      %swap3A_65 = vector.shape_cast %broadcast_in_dim3A_60 : vector<16xf32> to vector<1x16xf32>
      tpu.vector_store %arg12[%swap3A_61, %swap3A_62], %swap3A_65 {strides = array<i32>} : memref<128x128xf32, #tpu.memory_space<vmem>>, vector<1x16xf32>,
      %broadcast_in_dim3A_66 = arith.constant 0.000000e+00 : f32
      %broadcast_in_dim3A_67 = vector.broadcast %broadcast_in_dim3A_66 : f32 to vector<16xf32>
      %swap3A_68 = arith.index_cast %scan3A_25 : i32 to index
      %swap3A_69 = arith.constant 96 : index
      %swap3A_70 = tpu.vector_load %arg12[%swap3A_68, %swap3A_69] {strides = array<i32>} : memref<128x128xf32, #tpu.memory_space<vmem>>, vector<1x16xf32>,
      %swap3A_71 = vector.shape_cast %swap3A_70 : vector<1x16xf32> to vector<16xf32>
      %swap3A_72 = vector.shape_cast %broadcast_in_dim3A_67 : vector<16xf32> to vector<1x16xf32>
      tpu.vector_store %arg12[%swap3A_68, %swap3A_69], %swap3A_72 {strides = array<i32>} : memref<128x128xf32, #tpu.memory_space<vmem>>, vector<1x16xf32>,
      %broadcast_in_dim3A_73 = arith.constant 0.000000e+00 : f32
      %broadcast_in_dim3A_74 = vector.broadcast %broadcast_in_dim3A_73 : f32 to vector<16xf32>
      %swap3A_75 = arith.index_cast %scan3A_25 : i32 to index
      %swap3A_76 = arith.constant 112 : index
      %swap3A_77 = tpu.vector_load %arg12[%swap3A_75, %swap3A_76] {strides = array<i32>} : memref<128x128xf32, #tpu.memory_space<vmem>>, vector<1x16xf32>,
      %swap3A_78 = vector.shape_cast %swap3A_77 : vector<1x16xf32> to vector<16xf32>
      %swap3A_79 = vector.shape_cast %broadcast_in_dim3A_74 : vector<16xf32> to vector<1x16xf32>
      tpu.vector_store %arg12[%swap3A_75, %swap3A_76], %swap3A_79 {strides = array<i32>} : memref<128x128xf32, #tpu.memory_space<vmem>>, vector<1x16xf32>,
    }
    %scan3A_5 = arith.constant 128 : i32
    %scan3A_6 = arith.constant 0 : i32
    %scan3A_7 = arith.constant 0 : i32
    %scan3A_8 = arith.constant 5 : i32
    %scan3A_9 = arith.addi %scan3A_7, %scan3A_8 : i32
    %scan3A_10 = arith.constant 1 : i32
    scf.for %scan3A_25 = %scan3A_7 to %scan3A_9 step %scan3A_10  : i32 {
      %mul3A_26 = arith.constant 640 : i32
      %mul3A_27 = arith.muli %arg1, %mul3A_26 : i32
      %mul3A_28 = arith.constant 128 : i32
      %mul3A_29 = arith.muli %scan3A_25, %mul3A_28 : i32
      %add3A_30 = arith.addi %mul3A_27, %mul3A_29 : i32
      "tpu.region"() ({
        %run_scoped3A = tpu.sem_alloc : memref<!tpu.dma_semaphore, #tpu.memory_space<semaphore_mem>>
        %dma_start3A = arith.constant 0 : i32
        %dma_start3A_31 = tpu.memref_slice %arg13[%add3A_30, %dma_start3A] : memref<10240x128xf32, #tpu.memory_space<vmem_shared>> -> memref<128x128xf32, #tpu.memory_space<vmem_shared>>
        %dma_start3A_32 = arith.constant 0 : i32
        %dma_start3A_33 = tpu.memref_slice %arg13[%add3A_30, %dma_start3A_32] : memref<10240x128xf32, #tpu.memory_space<vmem_shared>> -> memref<128x128xf32, #tpu.memory_space<vmem_shared>>
        tpu.enqueue_dma source(%arg12 : memref<128x128xf32, #tpu.memory_space<vmem>>) target(%dma_start3A_33 : memref<128x128xf32, #tpu.memory_space<vmem_shared>>) target_semaphore(%run_scoped3A : memref<!tpu.dma_semaphore, #tpu.memory_space<semaphore_mem>>)
        %dma_wait3A = arith.constant 0 : i32
        %dma_wait3A_34 = tpu.memref_slice %arg13[%add3A_30, %dma_wait3A] : memref<10240x128xf32, #tpu.memory_space<vmem_shared>> -> memref<128x128xf32, #tpu.memory_space<vmem_shared>>
        %dma_wait3A_35 = arith.constant 0 : i32
        %dma_wait3A_36 = tpu.memref_slice %arg13[%add3A_30, %dma_wait3A_35] : memref<10240x128xf32, #tpu.memory_space<vmem_shared>> -> memref<128x128xf32, #tpu.memory_space<vmem_shared>>
        tpu.wait_dma2 semaphore(%run_scoped3A : memref<!tpu.dma_semaphore, #tpu.memory_space<semaphore_mem>>) src(%arg12 : memref<128x128xf32, #tpu.memory_space<vmem>>) dst(%dma_wait3A_36 : memref<128x128xf32, #tpu.memory_space<vmem_shared>>)
        tpu.yield
      }) : () -> ()
    }
    %scan3A_11 = arith.constant 5 : i32
    %barrier3A = arith.constant 0 : index
    tpu.barrier barrier_id(%barrier3A)
    %mul3A_12 = arith.constant 20000 : i32
    %mul3A_13 = arith.muli %add3A, %mul3A_12 : i32
    %scan3A_14 = arith.constant 0 : i32
    %scan3A_15 = arith.constant 0 : i32
    %scan3A_16 = arith.constant 250 : i32
    %scan3A_17 = arith.addi %scan3A_15, %scan3A_16 : i32
    %scan3A_18 = arith.constant 1 : i32
    scf.for %scan3A_25 = %scan3A_15 to %scan3A_17 step %scan3A_18  : i32 {
      %mul3A_26 = arith.constant 80 : i32
      %mul3A_27 = arith.muli %scan3A_25, %mul3A_26 : i32
      %add3A_28 = arith.addi %mul3A_13, %mul3A_27 : i32
      "tpu.region"() ({
        %run_scoped3A = tpu.sem_alloc : memref<!tpu.dma_semaphore, #tpu.memory_space<semaphore_mem>>
        %dma_start3A_39 = tpu.memref_slice %arg4[%add3A_28] : memref<640000xi32, #tpu.memory_space<hbm>> -> memref<80xi32, #tpu.memory_space<hbm>>
        %dma_start3A_40 = tpu.memref_slice %arg4[%add3A_28] : memref<640000xi32, #tpu.memory_space<hbm>> -> memref<80xi32, #tpu.memory_space<hbm>>
        tpu.enqueue_dma source(%dma_start3A_40 : memref<80xi32, #tpu.memory_space<hbm>>) target(%arg7 : memref<80xi32, #tpu.memory_space<vmem>>) target_semaphore(%run_scoped3A : memref<!tpu.dma_semaphore, #tpu.memory_space<semaphore_mem>>)
        %dma_wait3A_41 = tpu.memref_slice %arg4[%add3A_28] : memref<640000xi32, #tpu.memory_space<hbm>> -> memref<80xi32, #tpu.memory_space<hbm>>
        %dma_wait3A_42 = tpu.memref_slice %arg4[%add3A_28] : memref<640000xi32, #tpu.memory_space<hbm>> -> memref<80xi32, #tpu.memory_space<hbm>>
        tpu.wait_dma2 semaphore(%run_scoped3A : memref<!tpu.dma_semaphore, #tpu.memory_space<semaphore_mem>>) src(%dma_wait3A_42 : memref<80xi32, #tpu.memory_space<hbm>>) dst(%arg7 : memref<80xi32, #tpu.memory_space<vmem>>)
        tpu.yield
      }) : () -> ()
      "tpu.region"() ({
        %run_scoped3A = tpu.sem_alloc : memref<!tpu.dma_semaphore, #tpu.memory_space<semaphore_mem>>
        %dma_start3A_39 = tpu.memref_slice %arg5[%add3A_28] : memref<640000xi32, #tpu.memory_space<hbm>> -> memref<80xi32, #tpu.memory_space<hbm>>
        %dma_start3A_40 = tpu.memref_slice %arg5[%add3A_28] : memref<640000xi32, #tpu.memory_space<hbm>> -> memref<80xi32, #tpu.memory_space<hbm>>
        tpu.enqueue_dma source(%dma_start3A_40 : memref<80xi32, #tpu.memory_space<hbm>>) target(%arg8 : memref<80xi32, #tpu.memory_space<vmem>>) target_semaphore(%run_scoped3A : memref<!tpu.dma_semaphore, #tpu.memory_space<semaphore_mem>>)
        %dma_wait3A_41 = tpu.memref_slice %arg5[%add3A_28] : memref<640000xi32, #tpu.memory_space<hbm>> -> memref<80xi32, #tpu.memory_space<hbm>>
        %dma_wait3A_42 = tpu.memref_slice %arg5[%add3A_28] : memref<640000xi32, #tpu.memory_space<hbm>> -> memref<80xi32, #tpu.memory_space<hbm>>
        tpu.wait_dma2 semaphore(%run_scoped3A : memref<!tpu.dma_semaphore, #tpu.memory_space<semaphore_mem>>) src(%dma_wait3A_42 : memref<80xi32, #tpu.memory_space<hbm>>) dst(%arg8 : memref<80xi32, #tpu.memory_space<vmem>>)
        tpu.yield
      }) : () -> ()
      %dma_start3A = arith.constant 0 : i32
      %dma_start3A_29 = arith.constant 0 : i32
      %dma_start3A_30 = tpu.memref_slice %arg2[%dma_start3A, %dma_start3A_29] : memref<10240x128xf32, #tpu.memory_space<hbm>> -> memref<10240x128xf32, #tpu.memory_space<hbm>>
      tpu.enqueue_indirect_dma source(%dma_start3A_30 : memref<10240x128xf32, #tpu.memory_space<hbm>>) target(%arg9 : memref<80x128xf32, #tpu.memory_space<vmem>>) offsets(%arg8 : memref<80xi32, #tpu.memory_space<vmem>>) semaphore(%arg14 : memref<!tpu.dma_semaphore, #tpu.memory_space<semaphore_mem>>)
      %dma_wait3A = arith.constant 0 : i32
      %dma_wait3A_31 = arith.constant 0 : i32
      %dma_wait3A_32 = tpu.memref_slice %arg2[%dma_wait3A, %dma_wait3A_31] : memref<10240x128xf32, #tpu.memory_space<hbm>> -> memref<10240x128xf32, #tpu.memory_space<hbm>>
      tpu.wait_indirect_dma semaphore(%arg14 : memref<!tpu.dma_semaphore, #tpu.memory_space<semaphore_mem>>) src(%dma_wait3A_32 : memref<10240x128xf32, #tpu.memory_space<hbm>>) dst(%arg9 : memref<80x128xf32, #tpu.memory_space<vmem>>)
      "tpu.region"() ({
        %run_scoped3A = tpu.sem_alloc : memref<!tpu.dma_semaphore, #tpu.memory_space<semaphore_mem>>
        %dma_start3A_39 = arith.constant 0 : i32
        %dma_start3A_40 = tpu.memref_slice %arg3[%add3A_28, %dma_start3A_39] : memref<640000x128xf32, #tpu.memory_space<hbm>> -> memref<80x128xf32, #tpu.memory_space<hbm>>
        %dma_start3A_41 = arith.constant 0 : i32
        %dma_start3A_42 = tpu.memref_slice %arg3[%add3A_28, %dma_start3A_41] : memref<640000x128xf32, #tpu.memory_space<hbm>> -> memref<80x128xf32, #tpu.memory_space<hbm>>
        tpu.enqueue_dma source(%dma_start3A_42 : memref<80x128xf32, #tpu.memory_space<hbm>>) target(%arg10 : memref<80x128xf32, #tpu.memory_space<vmem>>) target_semaphore(%run_scoped3A : memref<!tpu.dma_semaphore, #tpu.memory_space<semaphore_mem>>)
        %dma_wait3A_43 = arith.constant 0 : i32
        %dma_wait3A_44 = tpu.memref_slice %arg3[%add3A_28, %dma_wait3A_43] : memref<640000x128xf32, #tpu.memory_space<hbm>> -> memref<80x128xf32, #tpu.memory_space<hbm>>
        %dma_wait3A_45 = arith.constant 0 : i32
        %dma_wait3A_46 = tpu.memref_slice %arg3[%add3A_28, %dma_wait3A_45] : memref<640000x128xf32, #tpu.memory_space<hbm>> -> memref<80x128xf32, #tpu.memory_space<hbm>>
        tpu.wait_dma2 semaphore(%run_scoped3A : memref<!tpu.dma_semaphore, #tpu.memory_space<semaphore_mem>>) src(%dma_wait3A_46 : memref<80x128xf32, #tpu.memory_space<hbm>>) dst(%arg10 : memref<80x128xf32, #tpu.memory_space<vmem>>)
        tpu.yield
      }) : () -> ()
      %scan3A_33 = arith.constant 0 : i32
      %scan3A_34 = arith.constant 0 : i32
      %scan3A_35 = arith.constant 80 : i32
      %scan3A_36 = arith.addi %scan3A_34, %scan3A_35 : i32
      %scan3A_37 = arith.constant 1 : i32
      scf.for %scan3A_39 = %scan3A_34 to %scan3A_36 step %scan3A_37  : i32 {
        %get3A = arith.index_cast %scan3A_39 : i32 to index
        %get3A_40 = arith.constant 0 : index
        %get3A_41 = tpu.vector_load %arg9[%get3A, %get3A_40] {strides = array<i32>} : memref<80x128xf32, #tpu.memory_space<vmem>>, vector<1x16xf32>,
        %get3A_42 = vector.shape_cast %get3A_41 : vector<1x16xf32> to vector<16xf32>
        %get3A_43 = arith.index_cast %scan3A_39 : i32 to index
        %get3A_44 = arith.constant 16 : index
        %get3A_45 = tpu.vector_load %arg9[%get3A_43, %get3A_44] {strides = array<i32>} : memref<80x128xf32, #tpu.memory_space<vmem>>, vector<1x16xf32>,
        %get3A_46 = vector.shape_cast %get3A_45 : vector<1x16xf32> to vector<16xf32>
        %get3A_47 = arith.index_cast %scan3A_39 : i32 to index
        %get3A_48 = arith.constant 0 : index
        %get3A_49 = tpu.vector_load %arg10[%get3A_47, %get3A_48] {strides = array<i32>} : memref<80x128xf32, #tpu.memory_space<vmem>>, vector<1x16xf32>,
        %get3A_50 = vector.shape_cast %get3A_49 : vector<1x16xf32> to vector<16xf32>
        %mul3A_51 = arith.mulf %get3A_42, %get3A_50 : vector<16xf32>
        %swap3A = arith.index_cast %scan3A_39 : i32 to index
        %swap3A_52 = arith.constant 0 : index
        %swap3A_53 = tpu.vector_load %arg11[%swap3A, %swap3A_52] {strides = array<i32>} : memref<80x128xf32, #tpu.memory_space<vmem>>, vector<1x16xf32>,
        %swap3A_54 = vector.shape_cast %swap3A_53 : vector<1x16xf32> to vector<16xf32>
        %swap3A_55 = vector.shape_cast %mul3A_51 : vector<16xf32> to vector<1x16xf32>
        tpu.vector_store %arg11[%swap3A, %swap3A_52], %swap3A_55 {strides = array<i32>} : memref<80x128xf32, #tpu.memory_space<vmem>>, vector<1x16xf32>,
        %get3A_56 = arith.index_cast %scan3A_39 : i32 to index
        %get3A_57 = arith.constant 16 : index
        %get3A_58 = tpu.vector_load %arg10[%get3A_56, %get3A_57] {strides = array<i32>} : memref<80x128xf32, #tpu.memory_space<vmem>>, vector<1x16xf32>,
        %get3A_59 = vector.shape_cast %get3A_58 : vector<1x16xf32> to vector<16xf32>
        %mul3A_60 = arith.mulf %get3A_46, %get3A_59 : vector<16xf32>
        %swap3A_61 = arith.index_cast %scan3A_39 : i32 to index
        %swap3A_62 = arith.constant 16 : index
        %swap3A_63 = tpu.vector_load %arg11[%swap3A_61, %swap3A_62] {strides = array<i32>} : memref<80x128xf32, #tpu.memory_space<vmem>>, vector<1x16xf32>,
        %swap3A_64 = vector.shape_cast %swap3A_63 : vector<1x16xf32> to vector<16xf32>
        %swap3A_65 = vector.shape_cast %mul3A_60 : vector<16xf32> to vector<1x16xf32>
        tpu.vector_store %arg11[%swap3A_61, %swap3A_62], %swap3A_65 {strides = array<i32>} : memref<80x128xf32, #tpu.memory_space<vmem>>, vector<1x16xf32>,
        %get3A_66 = arith.index_cast %scan3A_39 : i32 to index
        %get3A_67 = arith.constant 32 : index
        %get3A_68 = tpu.vector_load %arg10[%get3A_66, %get3A_67] {strides = array<i32>} : memref<80x128xf32, #tpu.memory_space<vmem>>, vector<1x16xf32>,
        %get3A_69 = vector.shape_cast %get3A_68 : vector<1x16xf32> to vector<16xf32>
        %mul3A_70 = arith.mulf %get3A_42, %get3A_69 : vector<16xf32>
        %swap3A_71 = arith.index_cast %scan3A_39 : i32 to index
        %swap3A_72 = arith.constant 32 : index
        %swap3A_73 = tpu.vector_load %arg11[%swap3A_71, %swap3A_72] {strides = array<i32>} : memref<80x128xf32, #tpu.memory_space<vmem>>, vector<1x16xf32>,
        %swap3A_74 = vector.shape_cast %swap3A_73 : vector<1x16xf32> to vector<16xf32>
        %swap3A_75 = vector.shape_cast %mul3A_70 : vector<16xf32> to vector<1x16xf32>
        tpu.vector_store %arg11[%swap3A_71, %swap3A_72], %swap3A_75 {strides = array<i32>} : memref<80x128xf32, #tpu.memory_space<vmem>>, vector<1x16xf32>,
        %get3A_76 = arith.index_cast %scan3A_39 : i32 to index
        %get3A_77 = arith.constant 48 : index
        %get3A_78 = tpu.vector_load %arg10[%get3A_76, %get3A_77] {strides = array<i32>} : memref<80x128xf32, #tpu.memory_space<vmem>>, vector<1x16xf32>,
        %get3A_79 = vector.shape_cast %get3A_78 : vector<1x16xf32> to vector<16xf32>
        %mul3A_80 = arith.mulf %get3A_46, %get3A_79 : vector<16xf32>
        %swap3A_81 = arith.index_cast %scan3A_39 : i32 to index
        %swap3A_82 = arith.constant 48 : index
        %swap3A_83 = tpu.vector_load %arg11[%swap3A_81, %swap3A_82] {strides = array<i32>} : memref<80x128xf32, #tpu.memory_space<vmem>>, vector<1x16xf32>,
        %swap3A_84 = vector.shape_cast %swap3A_83 : vector<1x16xf32> to vector<16xf32>
        %swap3A_85 = vector.shape_cast %mul3A_80 : vector<16xf32> to vector<1x16xf32>
        tpu.vector_store %arg11[%swap3A_81, %swap3A_82], %swap3A_85 {strides = array<i32>} : memref<80x128xf32, #tpu.memory_space<vmem>>, vector<1x16xf32>,
        %get3A_86 = arith.index_cast %scan3A_39 : i32 to index
        %get3A_87 = arith.constant 64 : index
        %get3A_88 = tpu.vector_load %arg10[%get3A_86, %get3A_87] {strides = array<i32>} : memref<80x128xf32, #tpu.memory_space<vmem>>, vector<1x16xf32>,
        %get3A_89 = vector.shape_cast %get3A_88 : vector<1x16xf32> to vector<16xf32>
        %mul3A_90 = arith.mulf %get3A_42, %get3A_89 : vector<16xf32>
        %swap3A_91 = arith.index_cast %scan3A_39 : i32 to index
        %swap3A_92 = arith.constant 64 : index
        %swap3A_93 = tpu.vector_load %arg11[%swap3A_91, %swap3A_92] {strides = array<i32>} : memref<80x128xf32, #tpu.memory_space<vmem>>, vector<1x16xf32>,
        %swap3A_94 = vector.shape_cast %swap3A_93 : vector<1x16xf32> to vector<16xf32>
        %swap3A_95 = vector.shape_cast %mul3A_90 : vector<16xf32> to vector<1x16xf32>
        tpu.vector_store %arg11[%swap3A_91, %swap3A_92], %swap3A_95 {strides = array<i32>} : memref<80x128xf32, #tpu.memory_space<vmem>>, vector<1x16xf32>,
        %get3A_96 = arith.index_cast %scan3A_39 : i32 to index
        %get3A_97 = arith.constant 80 : index
        %get3A_98 = tpu.vector_load %arg10[%get3A_96, %get3A_97] {strides = array<i32>} : memref<80x128xf32, #tpu.memory_space<vmem>>, vector<1x16xf32>,
        %get3A_99 = vector.shape_cast %get3A_98 : vector<1x16xf32> to vector<16xf32>
        %mul3A_100 = arith.mulf %get3A_46, %get3A_99 : vector<16xf32>
        %swap3A_101 = arith.index_cast %scan3A_39 : i32 to index
        %swap3A_102 = arith.constant 80 : index
        %swap3A_103 = tpu.vector_load %arg11[%swap3A_101, %swap3A_102] {strides = array<i32>} : memref<80x128xf32, #tpu.memory_space<vmem>>, vector<1x16xf32>,
        %swap3A_104 = vector.shape_cast %swap3A_103 : vector<1x16xf32> to vector<16xf32>
        %swap3A_105 = vector.shape_cast %mul3A_100 : vector<16xf32> to vector<1x16xf32>
        tpu.vector_store %arg11[%swap3A_101, %swap3A_102], %swap3A_105 {strides = array<i32>} : memref<80x128xf32, #tpu.memory_space<vmem>>, vector<1x16xf32>,
        %get3A_106 = arith.index_cast %scan3A_39 : i32 to index
        %get3A_107 = arith.constant 96 : index
        %get3A_108 = tpu.vector_load %arg10[%get3A_106, %get3A_107] {strides = array<i32>} : memref<80x128xf32, #tpu.memory_space<vmem>>, vector<1x16xf32>,
        %get3A_109 = vector.shape_cast %get3A_108 : vector<1x16xf32> to vector<16xf32>
        %mul3A_110 = arith.mulf %get3A_42, %get3A_109 : vector<16xf32>
        %swap3A_111 = arith.index_cast %scan3A_39 : i32 to index
        %swap3A_112 = arith.constant 96 : index
        %swap3A_113 = tpu.vector_load %arg11[%swap3A_111, %swap3A_112] {strides = array<i32>} : memref<80x128xf32, #tpu.memory_space<vmem>>, vector<1x16xf32>,
        %swap3A_114 = vector.shape_cast %swap3A_113 : vector<1x16xf32> to vector<16xf32>
        %swap3A_115 = vector.shape_cast %mul3A_110 : vector<16xf32> to vector<1x16xf32>
        tpu.vector_store %arg11[%swap3A_111, %swap3A_112], %swap3A_115 {strides = array<i32>} : memref<80x128xf32, #tpu.memory_space<vmem>>, vector<1x16xf32>,
        %get3A_116 = arith.index_cast %scan3A_39 : i32 to index
        %get3A_117 = arith.constant 112 : index
        %get3A_118 = tpu.vector_load %arg10[%get3A_116, %get3A_117] {strides = array<i32>} : memref<80x128xf32, #tpu.memory_space<vmem>>, vector<1x16xf32>,
        %get3A_119 = vector.shape_cast %get3A_118 : vector<1x16xf32> to vector<16xf32>
        %mul3A_120 = arith.mulf %get3A_46, %get3A_119 : vector<16xf32>
        %swap3A_121 = arith.index_cast %scan3A_39 : i32 to index
        %swap3A_122 = arith.constant 112 : index
        %swap3A_123 = tpu.vector_load %arg11[%swap3A_121, %swap3A_122] {strides = array<i32>} : memref<80x128xf32, #tpu.memory_space<vmem>>, vector<1x16xf32>,
        %swap3A_124 = vector.shape_cast %swap3A_123 : vector<1x16xf32> to vector<16xf32>
        %swap3A_125 = vector.shape_cast %mul3A_120 : vector<16xf32> to vector<1x16xf32>
        tpu.vector_store %arg11[%swap3A_121, %swap3A_122], %swap3A_125 {strides = array<i32>} : memref<80x128xf32, #tpu.memory_space<vmem>>, vector<1x16xf32>,
      }
      %scan3A_38 = arith.constant 80 : i32
      "tpu.region"() ({
        %run_scoped3A = tpu.sem_alloc : memref<!tpu.dma_semaphore, #tpu.memory_space<semaphore_mem>>
        %dma_start3A_39 = arith.constant 0 : i32
        %dma_start3A_40 = arith.constant 0 : i32
        %dma_start3A_41 = tpu.memref_slice %arg13[%dma_start3A_39, %dma_start3A_40] : memref<10240x128xf32, #tpu.memory_space<vmem_shared>> -> memref<10240x128xf32, #tpu.memory_space<vmem_shared>>
        tpu.enqueue_indirect_dma source(%arg11 : memref<80x128xf32, #tpu.memory_space<vmem>>) target(%dma_start3A_41 : memref<10240x128xf32, #tpu.memory_space<vmem_shared>>) offsets(%arg7 : memref<80xi32, #tpu.memory_space<vmem>>) semaphore(%run_scoped3A : memref<!tpu.dma_semaphore, #tpu.memory_space<semaphore_mem>>) {add = true}
        %dma_wait3A_42 = arith.constant 0 : i32
        %dma_wait3A_43 = arith.constant 0 : i32
        %dma_wait3A_44 = tpu.memref_slice %arg13[%dma_wait3A_42, %dma_wait3A_43] : memref<10240x128xf32, #tpu.memory_space<vmem_shared>> -> memref<10240x128xf32, #tpu.memory_space<vmem_shared>>
        tpu.wait_indirect_dma semaphore(%run_scoped3A : memref<!tpu.dma_semaphore, #tpu.memory_space<semaphore_mem>>) src(%arg11 : memref<80x128xf32, #tpu.memory_space<vmem>>) dst(%dma_wait3A_44 : memref<10240x128xf32, #tpu.memory_space<vmem_shared>>)
        tpu.yield
      }) : () -> ()
    }
    %scan3A_19 = arith.constant 250 : i32
    %barrier3A_20 = arith.constant 0 : index
    tpu.barrier barrier_id(%barrier3A_20)
    %mul3A_21 = arith.constant 640 : i32
    %mul3A_22 = arith.muli %arg1, %mul3A_21 : i32
    %mul3A_23 = arith.constant 640 : i32
    %mul3A_24 = arith.muli %arg1, %mul3A_23 : i32
    "tpu.region"() ({
      %run_scoped3A = tpu.sem_alloc : memref<!tpu.dma_semaphore, #tpu.memory_space<semaphore_mem>>
      %dma_start3A = arith.constant 0 : i32
      %dma_start3A_25 = tpu.memref_slice %arg6[%arg0, %mul3A_24, %dma_start3A] : memref<2x10240x128xf32, #tpu.memory_space<hbm>> -> memref<1x640x128xf32, #tpu.memory_space<hbm>>
      %dma_start3A_26 = tpu.memref_squeeze %dma_start3A_25 : memref<1x640x128xf32, #tpu.memory_space<hbm>> -> memref<640x128xf32, #tpu.memory_space<hbm>>
      %dma_start3A_27 = arith.constant 0 : i32
      %dma_start3A_28 = tpu.memref_slice %arg13[%mul3A_22, %dma_start3A_27] : memref<10240x128xf32, #tpu.memory_space<vmem_shared>> -> memref<640x128xf32, #tpu.memory_space<vmem_shared>>
      tpu.enqueue_dma source(%dma_start3A_28 : memref<640x128xf32, #tpu.memory_space<vmem_shared>>) target(%dma_start3A_26 : memref<640x128xf32, #tpu.memory_space<hbm>>) target_semaphore(%run_scoped3A : memref<!tpu.dma_semaphore, #tpu.memory_space<semaphore_mem>>)
      %dma_wait3A = arith.constant 0 : i32
      %dma_wait3A_29 = tpu.memref_slice %arg6[%arg0, %mul3A_24, %dma_wait3A] : memref<2x10240x128xf32, #tpu.memory_space<hbm>> -> memref<1x640x128xf32, #tpu.memory_space<hbm>>
      %dma_wait3A_30 = tpu.memref_squeeze %dma_wait3A_29 : memref<1x640x128xf32, #tpu.memory_space<hbm>> -> memref<640x128xf32, #tpu.memory_space<hbm>>
      %dma_wait3A_31 = arith.constant 0 : i32
      %dma_wait3A_32 = tpu.memref_slice %arg13[%mul3A_22, %dma_wait3A_31] : memref<10240x128xf32, #tpu.memory_space<vmem_shared>> -> memref<640x128xf32, #tpu.memory_space<vmem_shared>>
      tpu.wait_dma2 semaphore(%run_scoped3A : memref<!tpu.dma_semaphore, #tpu.memory_space<semaphore_mem>>) src(%dma_wait3A_32 : memref<640x128xf32, #tpu.memory_space<vmem_shared>>) dst(%dma_wait3A_30 : memref<640x128xf32, #tpu.memory_space<hbm>>)
      tpu.yield
    }) : () -> ()
    return
  }
}

#map = affine_map<(d0, d1) -> (0, 0)>
#map1 = affine_map<(d0, d1) -> (0)>
#map2 = affine_map<(d0, d1) -> (0, 0, 0)>
module attributes {stable_mosaic.version = 14 : i64} {
  func.func @_sc_moments_body(%arg0: i32, %arg1: i32, %arg2: memref<10240x128xf32, #tpu.memory_space<hbm>>, %arg3: memref<640000x128xf32, #tpu.memory_space<hbm>>, %arg4: memref<640000xi32, #tpu.memory_space<hbm>>, %arg5: memref<640000xi32, #tpu.memory_space<hbm>>, %arg6: memref<2x10240x128xf32, #tpu.memory_space<hbm>>, %arg7: memref<80xi32, #tpu.memory_space<vmem>>, %arg8: memref<80xi32, #tpu.memory_space<vmem>>, %arg9: memref<80x128xf32, #tpu.memory_space<vmem>>, %arg10: memref<80x128xf32, #tpu.memory_space<vmem>>, %arg11: memref<80x128xf32, #tpu.memory_space<vmem>>, %arg12: memref<128x128xf32, #tpu.memory_space<vmem>>, %arg13: memref<10240x128xf32, #tpu.memory_space<vmem_shared>>, %arg14: memref<!tpu.dma_semaphore, #tpu.memory_space<semaphore_mem>>) attributes {dimension_semantics = [#tpu.dimension_semantics<core_parallel>, #tpu.dimension_semantics<subcore_parallel>], iteration_bounds = array<i64: 2, 16>, scalar_prefetch = 0 : i64, scratch_operands = 8 : i64, tpu.core_type = #tpu.core_type<sc_vector_subcore>, window_params = [{transform_indices = #map}, {transform_indices = #map}, {transform_indices = #map1}, {transform_indices = #map1}, {transform_indices = #map2}]} {
    %mul3A = arith.constant 2 : i32
    %mul3A_0 = arith.muli %arg1, %mul3A : i32
    %add3A = arith.addi %mul3A_0, %arg0 : i32
    %scan3A = arith.constant 0 : i32
    %scan3A_1 = arith.constant 0 : i32
    %scan3A_2 = arith.constant 128 : i32
    %scan3A_3 = arith.addi %scan3A_1, %scan3A_2 : i32
    %scan3A_4 = arith.constant 1 : i32
    scf.for %scan3A_25 = %scan3A_1 to %scan3A_3 step %scan3A_4  : i32 {
      %broadcast_in_dim3A = arith.constant 0.000000e+00 : f32
      %broadcast_in_dim3A_26 = vector.broadcast %broadcast_in_dim3A : f32 to vector<16xf32>
      %swap3A = arith.index_cast %scan3A_25 : i32 to index
      %swap3A_27 = arith.constant 0 : index
      %swap3A_28 = tpu.vector_load %arg12[%swap3A, %swap3A_27] {strides = array<i32>} : memref<128x128xf32, #tpu.memory_space<vmem>>, vector<1x16xf32>,
      %swap3A_29 = vector.shape_cast %swap3A_28 : vector<1x16xf32> to vector<16xf32>
      %swap3A_30 = vector.shape_cast %broadcast_in_dim3A_26 : vector<16xf32> to vector<1x16xf32>
      tpu.vector_store %arg12[%swap3A, %swap3A_27], %swap3A_30 {strides = array<i32>} : memref<128x128xf32, #tpu.memory_space<vmem>>, vector<1x16xf32>,
      %broadcast_in_dim3A_31 = arith.constant 0.000000e+00 : f32
      %broadcast_in_dim3A_32 = vector.broadcast %broadcast_in_dim3A_31 : f32 to vector<16xf32>
      %swap3A_33 = arith.index_cast %scan3A_25 : i32 to index
      %swap3A_34 = arith.constant 16 : index
      %swap3A_35 = tpu.vector_load %arg12[%swap3A_33, %swap3A_34] {strides = array<i32>} : memref<128x128xf32, #tpu.memory_space<vmem>>, vector<1x16xf32>,
      %swap3A_36 = vector.shape_cast %swap3A_35 : vector<1x16xf32> to vector<16xf32>
      %swap3A_37 = vector.shape_cast %broadcast_in_dim3A_32 : vector<16xf32> to vector<1x16xf32>
      tpu.vector_store %arg12[%swap3A_33, %swap3A_34], %swap3A_37 {strides = array<i32>} : memref<128x128xf32, #tpu.memory_space<vmem>>, vector<1x16xf32>,
      %broadcast_in_dim3A_38 = arith.constant 0.000000e+00 : f32
      %broadcast_in_dim3A_39 = vector.broadcast %broadcast_in_dim3A_38 : f32 to vector<16xf32>
      %swap3A_40 = arith.index_cast %scan3A_25 : i32 to index
      %swap3A_41 = arith.constant 32 : index
      %swap3A_42 = tpu.vector_load %arg12[%swap3A_40, %swap3A_41] {strides = array<i32>} : memref<128x128xf32, #tpu.memory_space<vmem>>, vector<1x16xf32>,
      %swap3A_43 = vector.shape_cast %swap3A_42 : vector<1x16xf32> to vector<16xf32>
      %swap3A_44 = vector.shape_cast %broadcast_in_dim3A_39 : vector<16xf32> to vector<1x16xf32>
      tpu.vector_store %arg12[%swap3A_40, %swap3A_41], %swap3A_44 {strides = array<i32>} : memref<128x128xf32, #tpu.memory_space<vmem>>, vector<1x16xf32>,
      %broadcast_in_dim3A_45 = arith.constant 0.000000e+00 : f32
      %broadcast_in_dim3A_46 = vector.broadcast %broadcast_in_dim3A_45 : f32 to vector<16xf32>
      %swap3A_47 = arith.index_cast %scan3A_25 : i32 to index
      %swap3A_48 = arith.constant 48 : index
      %swap3A_49 = tpu.vector_load %arg12[%swap3A_47, %swap3A_48] {strides = array<i32>} : memref<128x128xf32, #tpu.memory_space<vmem>>, vector<1x16xf32>,
      %swap3A_50 = vector.shape_cast %swap3A_49 : vector<1x16xf32> to vector<16xf32>
      %swap3A_51 = vector.shape_cast %broadcast_in_dim3A_46 : vector<16xf32> to vector<1x16xf32>
      tpu.vector_store %arg12[%swap3A_47, %swap3A_48], %swap3A_51 {strides = array<i32>} : memref<128x128xf32, #tpu.memory_space<vmem>>, vector<1x16xf32>,
      %broadcast_in_dim3A_52 = arith.constant 0.000000e+00 : f32
      %broadcast_in_dim3A_53 = vector.broadcast %broadcast_in_dim3A_52 : f32 to vector<16xf32>
      %swap3A_54 = arith.index_cast %scan3A_25 : i32 to index
      %swap3A_55 = arith.constant 64 : index
      %swap3A_56 = tpu.vector_load %arg12[%swap3A_54, %swap3A_55] {strides = array<i32>} : memref<128x128xf32, #tpu.memory_space<vmem>>, vector<1x16xf32>,
      %swap3A_57 = vector.shape_cast %swap3A_56 : vector<1x16xf32> to vector<16xf32>
      %swap3A_58 = vector.shape_cast %broadcast_in_dim3A_53 : vector<16xf32> to vector<1x16xf32>
      tpu.vector_store %arg12[%swap3A_54, %swap3A_55], %swap3A_58 {strides = array<i32>} : memref<128x128xf32, #tpu.memory_space<vmem>>, vector<1x16xf32>,
      %broadcast_in_dim3A_59 = arith.constant 0.000000e+00 : f32
      %broadcast_in_dim3A_60 = vector.broadcast %broadcast_in_dim3A_59 : f32 to vector<16xf32>
      %swap3A_61 = arith.index_cast %scan3A_25 : i32 to index
      %swap3A_62 = arith.constant 80 : index
      %swap3A_63 = tpu.vector_load %arg12[%swap3A_61, %swap3A_62] {strides = array<i32>} : memref<128x128xf32, #tpu.memory_space<vmem>>, vector<1x16xf32>,
      %swap3A_64 = vector.shape_cast %swap3A_63 : vector<1x16xf32> to vector<16xf32>
      %swap3A_65 = vector.shape_cast %broadcast_in_dim3A_60 : vector<16xf32> to vector<1x16xf32>
      tpu.vector_store %arg12[%swap3A_61, %swap3A_62], %swap3A_65 {strides = array<i32>} : memref<128x128xf32, #tpu.memory_space<vmem>>, vector<1x16xf32>,
      %broadcast_in_dim3A_66 = arith.constant 0.000000e+00 : f32
      %broadcast_in_dim3A_67 = vector.broadcast %broadcast_in_dim3A_66 : f32 to vector<16xf32>
      %swap3A_68 = arith.index_cast %scan3A_25 : i32 to index
      %swap3A_69 = arith.constant 96 : index
      %swap3A_70 = tpu.vector_load %arg12[%swap3A_68, %swap3A_69] {strides = array<i32>} : memref<128x128xf32, #tpu.memory_space<vmem>>, vector<1x16xf32>,
      %swap3A_71 = vector.shape_cast %swap3A_70 : vector<1x16xf32> to vector<16xf32>
      %swap3A_72 = vector.shape_cast %broadcast_in_dim3A_67 : vector<16xf32> to vector<1x16xf32>
      tpu.vector_store %arg12[%swap3A_68, %swap3A_69], %swap3A_72 {strides = array<i32>} : memref<128x128xf32, #tpu.memory_space<vmem>>, vector<1x16xf32>,
      %broadcast_in_dim3A_73 = arith.constant 0.000000e+00 : f32
      %broadcast_in_dim3A_74 = vector.broadcast %broadcast_in_dim3A_73 : f32 to vector<16xf32>
      %swap3A_75 = arith.index_cast %scan3A_25 : i32 to index
      %swap3A_76 = arith.constant 112 : index
      %swap3A_77 = tpu.vector_load %arg12[%swap3A_75, %swap3A_76] {strides = array<i32>} : memref<128x128xf32, #tpu.memory_space<vmem>>, vector<1x16xf32>,
      %swap3A_78 = vector.shape_cast %swap3A_77 : vector<1x16xf32> to vector<16xf32>
      %swap3A_79 = vector.shape_cast %broadcast_in_dim3A_74 : vector<16xf32> to vector<1x16xf32>
      tpu.vector_store %arg12[%swap3A_75, %swap3A_76], %swap3A_79 {strides = array<i32>} : memref<128x128xf32, #tpu.memory_space<vmem>>, vector<1x16xf32>,
    }
    %scan3A_5 = arith.constant 128 : i32
    %scan3A_6 = arith.constant 0 : i32
    %scan3A_7 = arith.constant 0 : i32
    %scan3A_8 = arith.constant 5 : i32
    %scan3A_9 = arith.addi %scan3A_7, %scan3A_8 : i32
    %scan3A_10 = arith.constant 1 : i32
    scf.for %scan3A_25 = %scan3A_7 to %scan3A_9 step %scan3A_10  : i32 {
      %mul3A_26 = arith.constant 640 : i32
      %mul3A_27 = arith.muli %arg1, %mul3A_26 : i32
      %mul3A_28 = arith.constant 128 : i32
      %mul3A_29 = arith.muli %scan3A_25, %mul3A_28 : i32
      %add3A_30 = arith.addi %mul3A_27, %mul3A_29 : i32
      "tpu.region"() ({
        %run_scoped3A = tpu.sem_alloc : memref<!tpu.dma_semaphore, #tpu.memory_space<semaphore_mem>>
        %dma_start3A = arith.constant 0 : i32
        %dma_start3A_31 = tpu.memref_slice %arg13[%add3A_30, %dma_start3A] : memref<10240x128xf32, #tpu.memory_space<vmem_shared>> -> memref<128x128xf32, #tpu.memory_space<vmem_shared>>
        %dma_start3A_32 = arith.constant 0 : i32
        %dma_start3A_33 = tpu.memref_slice %arg13[%add3A_30, %dma_start3A_32] : memref<10240x128xf32, #tpu.memory_space<vmem_shared>> -> memref<128x128xf32, #tpu.memory_space<vmem_shared>>
        tpu.enqueue_dma source(%arg12 : memref<128x128xf32, #tpu.memory_space<vmem>>) target(%dma_start3A_33 : memref<128x128xf32, #tpu.memory_space<vmem_shared>>) target_semaphore(%run_scoped3A : memref<!tpu.dma_semaphore, #tpu.memory_space<semaphore_mem>>)
        %dma_wait3A = arith.constant 0 : i32
        %dma_wait3A_34 = tpu.memref_slice %arg13[%add3A_30, %dma_wait3A] : memref<10240x128xf32, #tpu.memory_space<vmem_shared>> -> memref<128x128xf32, #tpu.memory_space<vmem_shared>>
        %dma_wait3A_35 = arith.constant 0 : i32
        %dma_wait3A_36 = tpu.memref_slice %arg13[%add3A_30, %dma_wait3A_35] : memref<10240x128xf32, #tpu.memory_space<vmem_shared>> -> memref<128x128xf32, #tpu.memory_space<vmem_shared>>
        tpu.wait_dma2 semaphore(%run_scoped3A : memref<!tpu.dma_semaphore, #tpu.memory_space<semaphore_mem>>) src(%arg12 : memref<128x128xf32, #tpu.memory_space<vmem>>) dst(%dma_wait3A_36 : memref<128x128xf32, #tpu.memory_space<vmem_shared>>)
        tpu.yield
      }) : () -> ()
    }
    %scan3A_11 = arith.constant 5 : i32
    %barrier3A = arith.constant 0 : index
    tpu.barrier barrier_id(%barrier3A)
    %mul3A_12 = arith.constant 20000 : i32
    %mul3A_13 = arith.muli %add3A, %mul3A_12 : i32
    %scan3A_14 = arith.constant 0 : i32
    %scan3A_15 = arith.constant 0 : i32
    %scan3A_16 = arith.constant 250 : i32
    %scan3A_17 = arith.addi %scan3A_15, %scan3A_16 : i32
    %scan3A_18 = arith.constant 1 : i32
    scf.for %scan3A_25 = %scan3A_15 to %scan3A_17 step %scan3A_18  : i32 {
      %mul3A_26 = arith.constant 80 : i32
      %mul3A_27 = arith.muli %scan3A_25, %mul3A_26 : i32
      %add3A_28 = arith.addi %mul3A_13, %mul3A_27 : i32
      "tpu.region"() ({
        %run_scoped3A = tpu.sem_alloc : memref<!tpu.dma_semaphore, #tpu.memory_space<semaphore_mem>>
        %dma_start3A_39 = tpu.memref_slice %arg4[%add3A_28] : memref<640000xi32, #tpu.memory_space<hbm>> -> memref<80xi32, #tpu.memory_space<hbm>>
        %dma_start3A_40 = tpu.memref_slice %arg4[%add3A_28] : memref<640000xi32, #tpu.memory_space<hbm>> -> memref<80xi32, #tpu.memory_space<hbm>>
        tpu.enqueue_dma source(%dma_start3A_40 : memref<80xi32, #tpu.memory_space<hbm>>) target(%arg7 : memref<80xi32, #tpu.memory_space<vmem>>) target_semaphore(%run_scoped3A : memref<!tpu.dma_semaphore, #tpu.memory_space<semaphore_mem>>)
        %dma_wait3A_41 = tpu.memref_slice %arg4[%add3A_28] : memref<640000xi32, #tpu.memory_space<hbm>> -> memref<80xi32, #tpu.memory_space<hbm>>
        %dma_wait3A_42 = tpu.memref_slice %arg4[%add3A_28] : memref<640000xi32, #tpu.memory_space<hbm>> -> memref<80xi32, #tpu.memory_space<hbm>>
        tpu.wait_dma2 semaphore(%run_scoped3A : memref<!tpu.dma_semaphore, #tpu.memory_space<semaphore_mem>>) src(%dma_wait3A_42 : memref<80xi32, #tpu.memory_space<hbm>>) dst(%arg7 : memref<80xi32, #tpu.memory_space<vmem>>)
        tpu.yield
      }) : () -> ()
      "tpu.region"() ({
        %run_scoped3A = tpu.sem_alloc : memref<!tpu.dma_semaphore, #tpu.memory_space<semaphore_mem>>
        %dma_start3A_39 = tpu.memref_slice %arg5[%add3A_28] : memref<640000xi32, #tpu.memory_space<hbm>> -> memref<80xi32, #tpu.memory_space<hbm>>
        %dma_start3A_40 = tpu.memref_slice %arg5[%add3A_28] : memref<640000xi32, #tpu.memory_space<hbm>> -> memref<80xi32, #tpu.memory_space<hbm>>
        tpu.enqueue_dma source(%dma_start3A_40 : memref<80xi32, #tpu.memory_space<hbm>>) target(%arg8 : memref<80xi32, #tpu.memory_space<vmem>>) target_semaphore(%run_scoped3A : memref<!tpu.dma_semaphore, #tpu.memory_space<semaphore_mem>>)
        %dma_wait3A_41 = tpu.memref_slice %arg5[%add3A_28] : memref<640000xi32, #tpu.memory_space<hbm>> -> memref<80xi32, #tpu.memory_space<hbm>>
        %dma_wait3A_42 = tpu.memref_slice %arg5[%add3A_28] : memref<640000xi32, #tpu.memory_space<hbm>> -> memref<80xi32, #tpu.memory_space<hbm>>
        tpu.wait_dma2 semaphore(%run_scoped3A : memref<!tpu.dma_semaphore, #tpu.memory_space<semaphore_mem>>) src(%dma_wait3A_42 : memref<80xi32, #tpu.memory_space<hbm>>) dst(%arg8 : memref<80xi32, #tpu.memory_space<vmem>>)
        tpu.yield
      }) : () -> ()
      %dma_start3A = arith.constant 0 : i32
      %dma_start3A_29 = arith.constant 0 : i32
      %dma_start3A_30 = tpu.memref_slice %arg2[%dma_start3A, %dma_start3A_29] : memref<10240x128xf32, #tpu.memory_space<hbm>> -> memref<10240x128xf32, #tpu.memory_space<hbm>>
      tpu.enqueue_indirect_dma source(%dma_start3A_30 : memref<10240x128xf32, #tpu.memory_space<hbm>>) target(%arg9 : memref<80x128xf32, #tpu.memory_space<vmem>>) offsets(%arg8 : memref<80xi32, #tpu.memory_space<vmem>>) semaphore(%arg14 : memref<!tpu.dma_semaphore, #tpu.memory_space<semaphore_mem>>)
      %dma_wait3A = arith.constant 0 : i32
      %dma_wait3A_31 = arith.constant 0 : i32
      %dma_wait3A_32 = tpu.memref_slice %arg2[%dma_wait3A, %dma_wait3A_31] : memref<10240x128xf32, #tpu.memory_space<hbm>> -> memref<10240x128xf32, #tpu.memory_space<hbm>>
      tpu.wait_indirect_dma semaphore(%arg14 : memref<!tpu.dma_semaphore, #tpu.memory_space<semaphore_mem>>) src(%dma_wait3A_32 : memref<10240x128xf32, #tpu.memory_space<hbm>>) dst(%arg9 : memref<80x128xf32, #tpu.memory_space<vmem>>)
      "tpu.region"() ({
        %run_scoped3A = tpu.sem_alloc : memref<!tpu.dma_semaphore, #tpu.memory_space<semaphore_mem>>
        %dma_start3A_39 = arith.constant 0 : i32
        %dma_start3A_40 = tpu.memref_slice %arg3[%add3A_28, %dma_start3A_39] : memref<640000x128xf32, #tpu.memory_space<hbm>> -> memref<80x128xf32, #tpu.memory_space<hbm>>
        %dma_start3A_41 = arith.constant 0 : i32
        %dma_start3A_42 = tpu.memref_slice %arg3[%add3A_28, %dma_start3A_41] : memref<640000x128xf32, #tpu.memory_space<hbm>> -> memref<80x128xf32, #tpu.memory_space<hbm>>
        tpu.enqueue_dma source(%dma_start3A_42 : memref<80x128xf32, #tpu.memory_space<hbm>>) target(%arg10 : memref<80x128xf32, #tpu.memory_space<vmem>>) target_semaphore(%run_scoped3A : memref<!tpu.dma_semaphore, #tpu.memory_space<semaphore_mem>>)
        %dma_wait3A_43 = arith.constant 0 : i32
        %dma_wait3A_44 = tpu.memref_slice %arg3[%add3A_28, %dma_wait3A_43] : memref<640000x128xf32, #tpu.memory_space<hbm>> -> memref<80x128xf32, #tpu.memory_space<hbm>>
        %dma_wait3A_45 = arith.constant 0 : i32
        %dma_wait3A_46 = tpu.memref_slice %arg3[%add3A_28, %dma_wait3A_45] : memref<640000x128xf32, #tpu.memory_space<hbm>> -> memref<80x128xf32, #tpu.memory_space<hbm>>
        tpu.wait_dma2 semaphore(%run_scoped3A : memref<!tpu.dma_semaphore, #tpu.memory_space<semaphore_mem>>) src(%dma_wait3A_46 : memref<80x128xf32, #tpu.memory_space<hbm>>) dst(%arg10 : memref<80x128xf32, #tpu.memory_space<vmem>>)
        tpu.yield
      }) : () -> ()
      %scan3A_33 = arith.constant 0 : i32
      %scan3A_34 = arith.constant 0 : i32
      %scan3A_35 = arith.constant 80 : i32
      %scan3A_36 = arith.addi %scan3A_34, %scan3A_35 : i32
      %scan3A_37 = arith.constant 1 : i32
      scf.for %scan3A_39 = %scan3A_34 to %scan3A_36 step %scan3A_37  : i32 {
        %get3A = arith.index_cast %scan3A_39 : i32 to index
        %get3A_40 = arith.constant 0 : index
        %get3A_41 = tpu.vector_load %arg9[%get3A, %get3A_40] {strides = array<i32>} : memref<80x128xf32, #tpu.memory_space<vmem>>, vector<1x16xf32>,
        %get3A_42 = vector.shape_cast %get3A_41 : vector<1x16xf32> to vector<16xf32>
        %get3A_43 = arith.index_cast %scan3A_39 : i32 to index
        %get3A_44 = arith.constant 16 : index
        %get3A_45 = tpu.vector_load %arg9[%get3A_43, %get3A_44] {strides = array<i32>} : memref<80x128xf32, #tpu.memory_space<vmem>>, vector<1x16xf32>,
        %get3A_46 = vector.shape_cast %get3A_45 : vector<1x16xf32> to vector<16xf32>
        %get3A_47 = arith.index_cast %scan3A_39 : i32 to index
        %get3A_48 = arith.constant 0 : index
        %get3A_49 = tpu.vector_load %arg10[%get3A_47, %get3A_48] {strides = array<i32>} : memref<80x128xf32, #tpu.memory_space<vmem>>, vector<1x16xf32>,
        %get3A_50 = vector.shape_cast %get3A_49 : vector<1x16xf32> to vector<16xf32>
        %mul3A_51 = arith.mulf %get3A_42, %get3A_50 : vector<16xf32>
        %swap3A = arith.index_cast %scan3A_39 : i32 to index
        %swap3A_52 = arith.constant 0 : index
        %swap3A_53 = tpu.vector_load %arg11[%swap3A, %swap3A_52] {strides = array<i32>} : memref<80x128xf32, #tpu.memory_space<vmem>>, vector<1x16xf32>,
        %swap3A_54 = vector.shape_cast %swap3A_53 : vector<1x16xf32> to vector<16xf32>
        %swap3A_55 = vector.shape_cast %mul3A_51 : vector<16xf32> to vector<1x16xf32>
        tpu.vector_store %arg11[%swap3A, %swap3A_52], %swap3A_55 {strides = array<i32>} : memref<80x128xf32, #tpu.memory_space<vmem>>, vector<1x16xf32>,
        %get3A_56 = arith.index_cast %scan3A_39 : i32 to index
        %get3A_57 = arith.constant 16 : index
        %get3A_58 = tpu.vector_load %arg10[%get3A_56, %get3A_57] {strides = array<i32>} : memref<80x128xf32, #tpu.memory_space<vmem>>, vector<1x16xf32>,
        %get3A_59 = vector.shape_cast %get3A_58 : vector<1x16xf32> to vector<16xf32>
        %mul3A_60 = arith.mulf %get3A_46, %get3A_59 : vector<16xf32>
        %swap3A_61 = arith.index_cast %scan3A_39 : i32 to index
        %swap3A_62 = arith.constant 16 : index
        %swap3A_63 = tpu.vector_load %arg11[%swap3A_61, %swap3A_62] {strides = array<i32>} : memref<80x128xf32, #tpu.memory_space<vmem>>, vector<1x16xf32>,
        %swap3A_64 = vector.shape_cast %swap3A_63 : vector<1x16xf32> to vector<16xf32>
        %swap3A_65 = vector.shape_cast %mul3A_60 : vector<16xf32> to vector<1x16xf32>
        tpu.vector_store %arg11[%swap3A_61, %swap3A_62], %swap3A_65 {strides = array<i32>} : memref<80x128xf32, #tpu.memory_space<vmem>>, vector<1x16xf32>,
        %get3A_66 = arith.index_cast %scan3A_39 : i32 to index
        %get3A_67 = arith.constant 32 : index
        %get3A_68 = tpu.vector_load %arg10[%get3A_66, %get3A_67] {strides = array<i32>} : memref<80x128xf32, #tpu.memory_space<vmem>>, vector<1x16xf32>,
        %get3A_69 = vector.shape_cast %get3A_68 : vector<1x16xf32> to vector<16xf32>
        %mul3A_70 = arith.mulf %get3A_42, %get3A_69 : vector<16xf32>
        %swap3A_71 = arith.index_cast %scan3A_39 : i32 to index
        %swap3A_72 = arith.constant 32 : index
        %swap3A_73 = tpu.vector_load %arg11[%swap3A_71, %swap3A_72] {strides = array<i32>} : memref<80x128xf32, #tpu.memory_space<vmem>>, vector<1x16xf32>,
        %swap3A_74 = vector.shape_cast %swap3A_73 : vector<1x16xf32> to vector<16xf32>
        %swap3A_75 = vector.shape_cast %mul3A_70 : vector<16xf32> to vector<1x16xf32>
        tpu.vector_store %arg11[%swap3A_71, %swap3A_72], %swap3A_75 {strides = array<i32>} : memref<80x128xf32, #tpu.memory_space<vmem>>, vector<1x16xf32>,
        %get3A_76 = arith.index_cast %scan3A_39 : i32 to index
        %get3A_77 = arith.constant 48 : index
        %get3A_78 = tpu.vector_load %arg10[%get3A_76, %get3A_77] {strides = array<i32>} : memref<80x128xf32, #tpu.memory_space<vmem>>, vector<1x16xf32>,
        %get3A_79 = vector.shape_cast %get3A_78 : vector<1x16xf32> to vector<16xf32>
        %mul3A_80 = arith.mulf %get3A_46, %get3A_79 : vector<16xf32>
        %swap3A_81 = arith.index_cast %scan3A_39 : i32 to index
        %swap3A_82 = arith.constant 48 : index
        %swap3A_83 = tpu.vector_load %arg11[%swap3A_81, %swap3A_82] {strides = array<i32>} : memref<80x128xf32, #tpu.memory_space<vmem>>, vector<1x16xf32>,
        %swap3A_84 = vector.shape_cast %swap3A_83 : vector<1x16xf32> to vector<16xf32>
        %swap3A_85 = vector.shape_cast %mul3A_80 : vector<16xf32> to vector<1x16xf32>
        tpu.vector_store %arg11[%swap3A_81, %swap3A_82], %swap3A_85 {strides = array<i32>} : memref<80x128xf32, #tpu.memory_space<vmem>>, vector<1x16xf32>,
        %get3A_86 = arith.index_cast %scan3A_39 : i32 to index
        %get3A_87 = arith.constant 64 : index
        %get3A_88 = tpu.vector_load %arg10[%get3A_86, %get3A_87] {strides = array<i32>} : memref<80x128xf32, #tpu.memory_space<vmem>>, vector<1x16xf32>,
        %get3A_89 = vector.shape_cast %get3A_88 : vector<1x16xf32> to vector<16xf32>
        %mul3A_90 = arith.mulf %get3A_42, %get3A_89 : vector<16xf32>
        %swap3A_91 = arith.index_cast %scan3A_39 : i32 to index
        %swap3A_92 = arith.constant 64 : index
        %swap3A_93 = tpu.vector_load %arg11[%swap3A_91, %swap3A_92] {strides = array<i32>} : memref<80x128xf32, #tpu.memory_space<vmem>>, vector<1x16xf32>,
        %swap3A_94 = vector.shape_cast %swap3A_93 : vector<1x16xf32> to vector<16xf32>
        %swap3A_95 = vector.shape_cast %mul3A_90 : vector<16xf32> to vector<1x16xf32>
        tpu.vector_store %arg11[%swap3A_91, %swap3A_92], %swap3A_95 {strides = array<i32>} : memref<80x128xf32, #tpu.memory_space<vmem>>, vector<1x16xf32>,
        %get3A_96 = arith.index_cast %scan3A_39 : i32 to index
        %get3A_97 = arith.constant 80 : index
        %get3A_98 = tpu.vector_load %arg10[%get3A_96, %get3A_97] {strides = array<i32>} : memref<80x128xf32, #tpu.memory_space<vmem>>, vector<1x16xf32>,
        %get3A_99 = vector.shape_cast %get3A_98 : vector<1x16xf32> to vector<16xf32>
        %mul3A_100 = arith.mulf %get3A_46, %get3A_99 : vector<16xf32>
        %swap3A_101 = arith.index_cast %scan3A_39 : i32 to index
        %swap3A_102 = arith.constant 80 : index
        %swap3A_103 = tpu.vector_load %arg11[%swap3A_101, %swap3A_102] {strides = array<i32>} : memref<80x128xf32, #tpu.memory_space<vmem>>, vector<1x16xf32>,
        %swap3A_104 = vector.shape_cast %swap3A_103 : vector<1x16xf32> to vector<16xf32>
        %swap3A_105 = vector.shape_cast %mul3A_100 : vector<16xf32> to vector<1x16xf32>
        tpu.vector_store %arg11[%swap3A_101, %swap3A_102], %swap3A_105 {strides = array<i32>} : memref<80x128xf32, #tpu.memory_space<vmem>>, vector<1x16xf32>,
        %get3A_106 = arith.index_cast %scan3A_39 : i32 to index
        %get3A_107 = arith.constant 96 : index
        %get3A_108 = tpu.vector_load %arg10[%get3A_106, %get3A_107] {strides = array<i32>} : memref<80x128xf32, #tpu.memory_space<vmem>>, vector<1x16xf32>,
        %get3A_109 = vector.shape_cast %get3A_108 : vector<1x16xf32> to vector<16xf32>
        %mul3A_110 = arith.mulf %get3A_42, %get3A_109 : vector<16xf32>
        %swap3A_111 = arith.index_cast %scan3A_39 : i32 to index
        %swap3A_112 = arith.constant 96 : index
        %swap3A_113 = tpu.vector_load %arg11[%swap3A_111, %swap3A_112] {strides = array<i32>} : memref<80x128xf32, #tpu.memory_space<vmem>>, vector<1x16xf32>,
        %swap3A_114 = vector.shape_cast %swap3A_113 : vector<1x16xf32> to vector<16xf32>
        %swap3A_115 = vector.shape_cast %mul3A_110 : vector<16xf32> to vector<1x16xf32>
        tpu.vector_store %arg11[%swap3A_111, %swap3A_112], %swap3A_115 {strides = array<i32>} : memref<80x128xf32, #tpu.memory_space<vmem>>, vector<1x16xf32>,
        %get3A_116 = arith.index_cast %scan3A_39 : i32 to index
        %get3A_117 = arith.constant 112 : index
        %get3A_118 = tpu.vector_load %arg10[%get3A_116, %get3A_117] {strides = array<i32>} : memref<80x128xf32, #tpu.memory_space<vmem>>, vector<1x16xf32>,
        %get3A_119 = vector.shape_cast %get3A_118 : vector<1x16xf32> to vector<16xf32>
        %mul3A_120 = arith.mulf %get3A_46, %get3A_119 : vector<16xf32>
        %swap3A_121 = arith.index_cast %scan3A_39 : i32 to index
        %swap3A_122 = arith.constant 112 : index
        %swap3A_123 = tpu.vector_load %arg11[%swap3A_121, %swap3A_122] {strides = array<i32>} : memref<80x128xf32, #tpu.memory_space<vmem>>, vector<1x16xf32>,
        %swap3A_124 = vector.shape_cast %swap3A_123 : vector<1x16xf32> to vector<16xf32>
        %swap3A_125 = vector.shape_cast %mul3A_120 : vector<16xf32> to vector<1x16xf32>
        tpu.vector_store %arg11[%swap3A_121, %swap3A_122], %swap3A_125 {strides = array<i32>} : memref<80x128xf32, #tpu.memory_space<vmem>>, vector<1x16xf32>,
      }
      %scan3A_38 = arith.constant 80 : i32
      "tpu.region"() ({
        %run_scoped3A = tpu.sem_alloc : memref<!tpu.dma_semaphore, #tpu.memory_space<semaphore_mem>>
        %dma_start3A_39 = arith.constant 0 : i32
        %dma_start3A_40 = arith.constant 0 : i32
        %dma_start3A_41 = tpu.memref_slice %arg13[%dma_start3A_39, %dma_start3A_40] : memref<10240x128xf32, #tpu.memory_space<vmem_shared>> -> memref<10240x128xf32, #tpu.memory_space<vmem_shared>>
        tpu.enqueue_indirect_dma source(%arg11 : memref<80x128xf32, #tpu.memory_space<vmem>>) target(%dma_start3A_41 : memref<10240x128xf32, #tpu.memory_space<vmem_shared>>) offsets(%arg7 : memref<80xi32, #tpu.memory_space<vmem>>) semaphore(%run_scoped3A : memref<!tpu.dma_semaphore, #tpu.memory_space<semaphore_mem>>) {add = true}
        %dma_wait3A_42 = arith.constant 0 : i32
        %dma_wait3A_43 = arith.constant 0 : i32
        %dma_wait3A_44 = tpu.memref_slice %arg13[%dma_wait3A_42, %dma_wait3A_43] : memref<10240x128xf32, #tpu.memory_space<vmem_shared>> -> memref<10240x128xf32, #tpu.memory_space<vmem_shared>>
        tpu.wait_indirect_dma semaphore(%run_scoped3A : memref<!tpu.dma_semaphore, #tpu.memory_space<semaphore_mem>>) src(%arg11 : memref<80x128xf32, #tpu.memory_space<vmem>>) dst(%dma_wait3A_44 : memref<10240x128xf32, #tpu.memory_space<vmem_shared>>)
        tpu.yield
      }) : () -> ()
    }
    %scan3A_19 = arith.constant 250 : i32
    %barrier3A_20 = arith.constant 0 : index
    tpu.barrier barrier_id(%barrier3A_20)
    %mul3A_21 = arith.constant 640 : i32
    %mul3A_22 = arith.muli %arg1, %mul3A_21 : i32
    %mul3A_23 = arith.constant 640 : i32
    %mul3A_24 = arith.muli %arg1, %mul3A_23 : i32
    "tpu.region"() ({
      %run_scoped3A = tpu.sem_alloc : memref<!tpu.dma_semaphore, #tpu.memory_space<semaphore_mem>>
      %dma_start3A = arith.constant 0 : i32
      %dma_start3A_25 = tpu.memref_slice %arg6[%arg0, %mul3A_24, %dma_start3A] : memref<2x10240x128xf32, #tpu.memory_space<hbm>> -> memref<1x640x128xf32, #tpu.memory_space<hbm>>
      %dma_start3A_26 = tpu.memref_squeeze %dma_start3A_25 : memref<1x640x128xf32, #tpu.memory_space<hbm>> -> memref<640x128xf32, #tpu.memory_space<hbm>>
      %dma_start3A_27 = arith.constant 0 : i32
      %dma_start3A_28 = tpu.memref_slice %arg13[%mul3A_22, %dma_start3A_27] : memref<10240x128xf32, #tpu.memory_space<vmem_shared>> -> memref<640x128xf32, #tpu.memory_space<vmem_shared>>
      tpu.enqueue_dma source(%dma_start3A_28 : memref<640x128xf32, #tpu.memory_space<vmem_shared>>) target(%dma_start3A_26 : memref<640x128xf32, #tpu.memory_space<hbm>>) target_semaphore(%run_scoped3A : memref<!tpu.dma_semaphore, #tpu.memory_space<semaphore_mem>>)
      %dma_wait3A = arith.constant 0 : i32
      %dma_wait3A_29 = tpu.memref_slice %arg6[%arg0, %mul3A_24, %dma_wait3A] : memref<2x10240x128xf32, #tpu.memory_space<hbm>> -> memref<1x640x128xf32, #tpu.memory_space<hbm>>
      %dma_wait3A_30 = tpu.memref_squeeze %dma_wait3A_29 : memref<1x640x128xf32, #tpu.memory_space<hbm>> -> memref<640x128xf32, #tpu.memory_space<hbm>>
      %dma_wait3A_31 = arith.constant 0 : i32
      %dma_wait3A_32 = tpu.memref_slice %arg13[%mul3A_22, %dma_wait3A_31] : memref<10240x128xf32, #tpu.memory_space<vmem_shared>> -> memref<640x128xf32, #tpu.memory_space<vmem_shared>>
      tpu.wait_dma2 semaphore(%run_scoped3A : memref<!tpu.dma_semaphore, #tpu.memory_space<semaphore_mem>>) src(%dma_wait3A_32 : memref<640x128xf32, #tpu.memory_space<vmem_shared>>) dst(%dma_wait3A_30 : memref<640x128xf32, #tpu.memory_space<hbm>>)
      tpu.yield
    }) : () -> ()
    return
  }
}

module attributes {stable_mosaic.version = 14 : i64} {
  func.func @_embed_body(%arg0: i32, %arg1: memref<2048x1xi32, #tpu.memory_space<vmem>>, %arg2: memref<128x128xf32, #tpu.memory_space<vmem>>, %arg3: memref<2048x128xf32, #tpu.memory_space<vmem>>) attributes {dimension_semantics = [#tpu.dimension_semantics<arbitrary>], iteration_bounds = array<i64: 5>, scalar_prefetch = 0 : i64, scratch_operands = 0 : i64, tpu.core_type = #tpu.core_type<tc>, window_params = [{transform_indices = @transform_0, window_bounds = array<i64: 2048, 1>}, {pipeline_mode = #tpu.pipeline_mode<synchronous>, transform_indices = @transform_1, window_bounds = array<i64: 128, 128>}, {transform_indices = @transform_2, window_bounds = array<i64: 2048, 128>}]} {
    %get3A = arith.constant 0 : index
    %get3A_0 = arith.constant 0 : index
    %get3A_1 = vector.load %arg1[%get3A, %get3A_0] : memref<2048x1xi32, #tpu.memory_space<vmem>>, vector<2048x1xi32>
    %iota3A = tpu.iota {dimensions = array<i32: 1>} : vector<2048x128xi32>
    %eq3A = vector.broadcast %get3A_1 : vector<2048x1xi32> to vector<2048x128xi32>
    %eq3A_2 = arith.cmpi eq, %iota3A, %eq3A : vector<2048x128xi32>
    %convert_element_type3A = arith.extui %eq3A_2 : vector<2048x128xi1> to vector<2048x128xi32>
    %convert_element_type3A_3 = arith.sitofp %convert_element_type3A : vector<2048x128xi32> to vector<2048x128xf32>
    %get3A_4 = arith.constant 0 : index
    %get3A_5 = arith.constant 0 : index
    %get3A_6 = vector.load %arg2[%get3A_4, %get3A_5] : memref<128x128xf32, #tpu.memory_space<vmem>>, vector<128x128xf32>
    %dot_general3A = arith.constant dense<0.000000e+00> : vector<2048x128xf32>
    %dot_general3A_7 = tpu.matmul %convert_element_type3A_3, %get3A_6, %dot_general3A {dimension_numbers = #tpu.dot_dimension_numbers<[1], [0], [0], [1], [0, 0, 1, 1], [], []>, transpose_lhs_hint = false} : vector<2048x128xf32>, vector<128x128xf32>, vector<2048x128xf32> -> vector<2048x128xf32>
    %swap3A = arith.constant 0 : index
    %swap3A_8 = arith.constant 0 : index
    %swap3A_9 = vector.load %arg3[%swap3A, %swap3A_8] : memref<2048x128xf32, #tpu.memory_space<vmem>>, vector<2048x128xf32>
    tpu.vector_store %arg3[%swap3A, %swap3A_8], %dot_general3A_7 {strides = array<i32>} : memref<2048x128xf32, #tpu.memory_space<vmem>>, vector<2048x128xf32>,
    return
  }
  func.func @transform_0(%arg0: i32) -> (i32, i32) {
    %c0_i32 = arith.constant 0 : i32
    %c0_i32_0 = arith.constant 0 : i32
    return %arg0, %c0_i32 : i32, i32
  }
  func.func @transform_1(%arg0: i32) -> (i32, i32) {
    %c0_i32 = arith.constant 0 : i32
    %c0_i32_0 = arith.constant 0 : i32
    %c0_i32_1 = arith.constant 0 : i32
    return %c0_i32, %c0_i32_0 : i32, i32
  }
  func.func @transform_2(%arg0: i32) -> (i32, i32) {
    %c0_i32 = arith.constant 0 : i32
    %c0_i32_0 = arith.constant 0 : i32
    return %arg0, %c0_i32 : i32, i32
  }
}

module attributes {stable_mosaic.version = 14 : i64} {
  func.func @_coeff_body(%arg0: i32, %arg1: memref<2000x3xf32, #tpu.memory_space<vmem>>, %arg2: memref<2000x1xi32, #tpu.memory_space<vmem>>, %arg3: memref<2000x1xi32, #tpu.memory_space<vmem>>, %arg4: memref<1x32xf32, #tpu.memory_space<vmem>>, %arg5: memref<1x32xf32, #tpu.memory_space<vmem>>, %arg6: memref<2000x128xf32, #tpu.memory_space<vmem>>) attributes {dimension_semantics = [#tpu.dimension_semantics<arbitrary>], iteration_bounds = array<i64: 320>, scalar_prefetch = 0 : i64, scratch_operands = 0 : i64, tpu.core_type = #tpu.core_type<tc>, window_params = [{transform_indices = @transform_0, window_bounds = array<i64: 2000, 3>}, {transform_indices = @transform_1, window_bounds = array<i64: 2000, 1>}, {transform_indices = @transform_2, window_bounds = array<i64: 2000, 1>}, {pipeline_mode = #tpu.pipeline_mode<synchronous>, transform_indices = @transform_3, window_bounds = array<i64: 1, 32>}, {pipeline_mode = #tpu.pipeline_mode<synchronous>, transform_indices = @transform_4, window_bounds = array<i64: 1, 32>}, {transform_indices = @transform_5, window_bounds = array<i64: 2000, 128>}]} {
    %get3A = arith.constant 0 : index
    %get3A_0 = arith.constant 0 : index
    %get3A_1 = vector.load %arg1[%get3A, %get3A_0] : memref<2000x3xf32, #tpu.memory_space<vmem>>, vector<2000x3xf32>
    %slice3A = vector.extract_strided_slice %get3A_1 {offsets = [0, 0], sizes = [2000, 1], strides = [1, 1]} : vector<2000x3xf32> to vector<2000x1xf32>
    %slice3A_2 = vector.extract_strided_slice %get3A_1 {offsets = [0, 1], sizes = [2000, 1], strides = [1, 1]} : vector<2000x3xf32> to vector<2000x1xf32>
    %slice3A_3 = vector.extract_strided_slice %get3A_1 {offsets = [0, 2], sizes = [2000, 1], strides = [1, 1]} : vector<2000x3xf32> to vector<2000x1xf32>
    %mul3A = arith.mulf %slice3A, %slice3A : vector<2000x1xf32>
    %mul3A_4 = arith.mulf %slice3A_2, %slice3A_2 : vector<2000x1xf32>
    %add3A = arith.addf %mul3A, %mul3A_4 : vector<2000x1xf32>
    %mul3A_5 = arith.mulf %slice3A_3, %slice3A_3 : vector<2000x1xf32>
    %add3A_6 = arith.addf %add3A, %mul3A_5 : vector<2000x1xf32>
    %sqrt3A = math.sqrt %add3A_6 : vector<2000x1xf32>
    %add3A_7 = arith.constant 9.99999974E-6 : f32
    %add3A_8 = vector.broadcast %add3A_7 : f32 to vector<2000x1xf32>
    %add3A_9 = arith.addf %sqrt3A, %add3A_8 : vector<2000x1xf32>
    %div3A = arith.constant 1.000000e+00 : f32
    %div3A_10 = vector.broadcast %div3A : f32 to vector<2000x1xf32>
    %div3A_11 = arith.divf %div3A_10, %add3A_9 : vector<2000x1xf32>
    %get3A_12 = arith.constant 0 : index
    %get3A_13 = arith.constant 0 : index
    %get3A_14 = vector.load %arg2[%get3A_12, %get3A_13] : memref<2000x1xi32, #tpu.memory_space<vmem>>, vector<2000x1xi32>
    %get3A_15 = arith.constant 0 : index
    %get3A_16 = arith.constant 0 : index
    %get3A_17 = vector.load %arg3[%get3A_15, %get3A_16] : memref<2000x1xi32, #tpu.memory_space<vmem>>, vector<2000x1xi32>
    %ne3A = arith.cmpi ne, %get3A_14, %get3A_17 : vector<2000x1xi32>
    %convert_element_type3A = arith.extui %ne3A : vector<2000x1xi1> to vector<2000x1xi32>
    %convert_element_type3A_18 = arith.sitofp %convert_element_type3A : vector<2000x1xi32> to vector<2000x1xf32>
    %get3A_19 = arith.constant 0 : index
    %get3A_20 = arith.constant 0 : index
    %get3A_21 = vector.load %arg4[%get3A_19, %get3A_20] : memref<1x32xf32, #tpu.memory_space<vmem>>, vector<1x32xf32>
    %sub3A = vector.broadcast %sqrt3A : vector<2000x1xf32> to vector<2000x32xf32>
    %sub3A_22 = vector.broadcast %get3A_21 : vector<1x32xf32> to vector<2000x32xf32>
    %sub3A_23 = arith.subf %sub3A, %sub3A_22 : vector<2000x32xf32>
    %get3A_24 = arith.constant 0 : index
    %get3A_25 = arith.constant 0 : index
    %get3A_26 = vector.load %arg5[%get3A_24, %get3A_25] : memref<1x32xf32, #tpu.memory_space<vmem>>, vector<1x32xf32>
    %neg3A = arith.constant 0.000000e+00 : f32
    %neg3A_27 = vector.broadcast %neg3A : f32 to vector<1x32xf32>
    %neg3A_28 = arith.subf %neg3A_27, %get3A_26 : vector<1x32xf32>
    %mul3A_29 = vector.broadcast %neg3A_28 : vector<1x32xf32> to vector<2000x32xf32>
    %mul3A_30 = arith.mulf %mul3A_29, %sub3A_23 : vector<2000x32xf32>
    %mul3A_31 = arith.mulf %mul3A_30, %sub3A_23 : vector<2000x32xf32>
    %exp3A = math.exp %mul3A_31 : vector<2000x32xf32>
    %mul3A_32 = vector.broadcast %convert_element_type3A_18 : vector<2000x1xf32> to vector<2000x32xf32>
    %mul3A_33 = arith.mulf %exp3A, %mul3A_32 : vector<2000x32xf32>
    %mul3A_34 = arith.mulf %slice3A, %div3A_11 : vector<2000x1xf32>
    %mul3A_35 = vector.broadcast %mul3A_34 : vector<2000x1xf32> to vector<2000x32xf32>
    %mul3A_36 = arith.mulf %mul3A_33, %mul3A_35 : vector<2000x32xf32>
    %mul3A_37 = arith.mulf %slice3A_2, %div3A_11 : vector<2000x1xf32>
    %mul3A_38 = vector.broadcast %mul3A_37 : vector<2000x1xf32> to vector<2000x32xf32>
    %mul3A_39 = arith.mulf %mul3A_33, %mul3A_38 : vector<2000x32xf32>
    %mul3A_40 = arith.mulf %slice3A_3, %div3A_11 : vector<2000x1xf32>
    %mul3A_41 = vector.broadcast %mul3A_40 : vector<2000x1xf32> to vector<2000x32xf32>
    %mul3A_42 = arith.mulf %mul3A_33, %mul3A_41 : vector<2000x32xf32>
    %concatenate3A = tpu.concatenate %mul3A_33, %mul3A_36, %mul3A_39, %mul3A_42 in 1 : vector<2000x32xf32>, vector<2000x32xf32>, vector<2000x32xf32>, vector<2000x32xf32> -> vector<2000x128xf32>
    %swap3A = arith.constant 0 : index
    %swap3A_43 = arith.constant 0 : index
    %swap3A_44 = vector.load %arg6[%swap3A, %swap3A_43] : memref<2000x128xf32, #tpu.memory_space<vmem>>, vector<2000x128xf32>
    tpu.vector_store %arg6[%swap3A, %swap3A_43], %concatenate3A {strides = array<i32>} : memref<2000x128xf32, #tpu.memory_space<vmem>>, vector<2000x128xf32>,
    return
  }
  func.func @transform_0(%arg0: i32) -> (i32, i32) {
    %c0_i32 = arith.constant 0 : i32
    %c0_i32_0 = arith.constant 0 : i32
    return %arg0, %c0_i32 : i32, i32
  }
  func.func @transform_1(%arg0: i32) -> (i32, i32) {
    %c0_i32 = arith.constant 0 : i32
    %c0_i32_0 = arith.constant 0 : i32
    return %arg0, %c0_i32 : i32, i32
  }
  func.func @transform_2(%arg0: i32) -> (i32, i32) {
    %c0_i32 = arith.constant 0 : i32
    %c0_i32_0 = arith.constant 0 : i32
    return %arg0, %c0_i32 : i32, i32
  }
  func.func @transform_3(%arg0: i32) -> (i32, i32) {
    %c0_i32 = arith.constant 0 : i32
    %c0_i32_0 = arith.constant 0 : i32
    %c0_i32_1 = arith.constant 0 : i32
    return %c0_i32, %c0_i32_0 : i32, i32
  }
  func.func @transform_4(%arg0: i32) -> (i32, i32) {
    %c0_i32 = arith.constant 0 : i32
    %c0_i32_0 = arith.constant 0 : i32
    %c0_i32_1 = arith.constant 0 : i32
    return %c0_i32, %c0_i32_0 : i32, i32
  }
  func.func @transform_5(%arg0: i32) -> (i32, i32) {
    %c0_i32 = arith.constant 0 : i32
    %c0_i32_0 = arith.constant 0 : i32
    return %arg0, %c0_i32 : i32, i32
  }
}

module attributes {stable_mosaic.version = 14 : i64} {
  func.func @_post_proj_body(%arg0: i32, %arg1: memref<2x640x128xf32, #tpu.memory_space<vmem>>, %arg2: memref<1056x32xf32, #tpu.memory_space<vmem>>, %arg3: memref<640x128xf32, #tpu.memory_space<vmem>>) attributes {dimension_semantics = [#tpu.dimension_semantics<arbitrary>], iteration_bounds = array<i64: 16>, scalar_prefetch = 0 : i64, scratch_operands = 0 : i64, tpu.core_type = #tpu.core_type<tc>, window_params = [{transform_indices = @transform_0, window_bounds = array<i64: 2, 640, 128>}, {pipeline_mode = #tpu.pipeline_mode<synchronous>, transform_indices = @transform_1, window_bounds = array<i64: 1056, 32>}, {transform_indices = @transform_2, window_bounds = array<i64: 640, 128>}]} {
    %get3A = arith.constant 0 : index
    %get3A_0 = arith.constant 0 : index
    %get3A_1 = arith.constant 0 : index
    %get3A_2 = vector.load %arg1[%get3A, %get3A_0, %get3A_1] : memref<2x640x128xf32, #tpu.memory_space<vmem>>, vector<1x640x128xf32>
    %get3A_3 = vector.shape_cast %get3A_2 : vector<1x640x128xf32> to vector<640x128xf32>
    %get3A_4 = arith.constant 1 : index
    %get3A_5 = arith.constant 0 : index
    %get3A_6 = arith.constant 0 : index
    %get3A_7 = vector.load %arg1[%get3A_4, %get3A_5, %get3A_6] : memref<2x640x128xf32, #tpu.memory_space<vmem>>, vector<1x640x128xf32>
    %get3A_8 = vector.shape_cast %get3A_7 : vector<1x640x128xf32> to vector<640x128xf32>
    %add3A = arith.addf %get3A_3, %get3A_8 : vector<640x128xf32>
    %slice3A = vector.extract_strided_slice %add3A {offsets = [0, 0], sizes = [640, 32], strides = [1, 1]} : vector<640x128xf32> to vector<640x32xf32>
    %slice3A_9 = vector.extract_strided_slice %add3A {offsets = [0, 32], sizes = [640, 32], strides = [1, 1]} : vector<640x128xf32> to vector<640x32xf32>
    %slice3A_10 = vector.extract_strided_slice %add3A {offsets = [0, 64], sizes = [640, 32], strides = [1, 1]} : vector<640x128xf32> to vector<640x32xf32>
    %slice3A_11 = vector.extract_strided_slice %add3A {offsets = [0, 96], sizes = [640, 32], strides = [1, 1]} : vector<640x128xf32> to vector<640x32xf32>
    %get3A_12 = arith.constant 0 : index
    %get3A_13 = arith.constant 0 : index
    %get3A_14 = vector.load %arg2[%get3A_12, %get3A_13] : memref<1056x32xf32, #tpu.memory_space<vmem>>, vector<32x32xf32>
    %dot_general3A = arith.constant dense<0.000000e+00> : vector<640x32xf32>
    %dot_general3A_15 = tpu.matmul %slice3A, %get3A_14, %dot_general3A {dimension_numbers = #tpu.dot_dimension_numbers<[1], [0], [0], [1], [0, 0, 1, 1], [], []>, transpose_lhs_hint = false} : vector<640x32xf32>, vector<32x32xf32>, vector<640x32xf32> -> vector<640x32xf32>
    %slice3A_16 = vector.extract_strided_slice %slice3A_9 {offsets = [0, 0], sizes = [640, 1], strides = [1, 1]} : vector<640x32xf32> to vector<640x1xf32>
    %mul3A = vector.broadcast %slice3A_16 : vector<640x1xf32> to vector<640x32xf32>
    %mul3A_17 = arith.mulf %mul3A, %slice3A_9 : vector<640x32xf32>
    %slice3A_18 = vector.extract_strided_slice %slice3A_10 {offsets = [0, 0], sizes = [640, 1], strides = [1, 1]} : vector<640x32xf32> to vector<640x1xf32>
    %mul3A_19 = vector.broadcast %slice3A_18 : vector<640x1xf32> to vector<640x32xf32>
    %mul3A_20 = arith.mulf %mul3A_19, %slice3A_10 : vector<640x32xf32>
    %add3A_21 = arith.addf %mul3A_17, %mul3A_20 : vector<640x32xf32>
    %slice3A_22 = vector.extract_strided_slice %slice3A_11 {offsets = [0, 0], sizes = [640, 1], strides = [1, 1]} : vector<640x32xf32> to vector<640x1xf32>
    %mul3A_23 = vector.broadcast %slice3A_22 : vector<640x1xf32> to vector<640x32xf32>
    %mul3A_24 = arith.mulf %mul3A_23, %slice3A_11 : vector<640x32xf32>
    %add3A_25 = arith.addf %add3A_21, %mul3A_24 : vector<640x32xf32>
    %get3A_26 = arith.constant 32 : index
    %get3A_27 = arith.constant 0 : index
    %get3A_28 = vector.load %arg2[%get3A_26, %get3A_27] : memref<1056x32xf32, #tpu.memory_space<vmem>>, vector<32x32xf32>
    %dot_general3A_29 = arith.constant dense<0.000000e+00> : vector<640x32xf32>
    %dot_general3A_30 = tpu.matmul %add3A_25, %get3A_28, %dot_general3A_29 {dimension_numbers = #tpu.dot_dimension_numbers<[1], [0], [0], [1], [0, 0, 1, 1], [], []>, transpose_lhs_hint = false} : vector<640x32xf32>, vector<32x32xf32>, vector<640x32xf32> -> vector<640x32xf32>
    %add3A_31 = arith.addf %dot_general3A_15, %dot_general3A_30 : vector<640x32xf32>
    %slice3A_32 = vector.extract_strided_slice %slice3A_9 {offsets = [0, 1], sizes = [640, 1], strides = [1, 1]} : vector<640x32xf32> to vector<640x1xf32>
    %mul3A_33 = vector.broadcast %slice3A_32 : vector<640x1xf32> to vector<640x32xf32>
    %mul3A_34 = arith.mulf %mul3A_33, %slice3A_9 : vector<640x32xf32>
    %slice3A_35 = vector.extract_strided_slice %slice3A_10 {offsets = [0, 1], sizes = [640, 1], strides = [1, 1]} : vector<640x32xf32> to vector<640x1xf32>
    %mul3A_36 = vector.broadcast %slice3A_35 : vector<640x1xf32> to vector<640x32xf32>
    %mul3A_37 = arith.mulf %mul3A_36, %slice3A_10 : vector<640x32xf32>
    %add3A_38 = arith.addf %mul3A_34, %mul3A_37 : vector<640x32xf32>
    %slice3A_39 = vector.extract_strided_slice %slice3A_11 {offsets = [0, 1], sizes = [640, 1], strides = [1, 1]} : vector<640x32xf32> to vector<640x1xf32>
    %mul3A_40 = vector.broadcast %slice3A_39 : vector<640x1xf32> to vector<640x32xf32>
    %mul3A_41 = arith.mulf %mul3A_40, %slice3A_11 : vector<640x32xf32>
    %add3A_42 = arith.addf %add3A_38, %mul3A_41 : vector<640x32xf32>
    %get3A_43 = arith.constant 64 : index
    %get3A_44 = arith.constant 0 : index
    %get3A_45 = vector.load %arg2[%get3A_43, %get3A_44] : memref<1056x32xf32, #tpu.memory_space<vmem>>, vector<32x32xf32>
    %dot_general3A_46 = arith.constant dense<0.000000e+00> : vector<640x32xf32>
    %dot_general3A_47 = tpu.matmul %add3A_42, %get3A_45, %dot_general3A_46 {dimension_numbers = #tpu.dot_dimension_numbers<[1], [0], [0], [1], [0, 0, 1, 1], [], []>, transpose_lhs_hint = false} : vector<640x32xf32>, vector<32x32xf32>, vector<640x32xf32> -> vector<640x32xf32>
    %add3A_48 = arith.addf %add3A_31, %dot_general3A_47 : vector<640x32xf32>
    %slice3A_49 = vector.extract_strided_slice %slice3A_9 {offsets = [0, 2], sizes = [640, 1], strides = [1, 1]} : vector<640x32xf32> to vector<640x1xf32>
    %mul3A_50 = vector.broadcast %slice3A_49 : vector<640x1xf32> to vector<640x32xf32>
    %mul3A_51 = arith.mulf %mul3A_50, %slice3A_9 : vector<640x32xf32>
    %slice3A_52 = vector.extract_strided_slice %slice3A_10 {offsets = [0, 2], sizes = [640, 1], strides = [1, 1]} : vector<640x32xf32> to vector<640x1xf32>
    %mul3A_53 = vector.broadcast %slice3A_52 : vector<640x1xf32> to vector<640x32xf32>
    %mul3A_54 = arith.mulf %mul3A_53, %slice3A_10 : vector<640x32xf32>
    %add3A_55 = arith.addf %mul3A_51, %mul3A_54 : vector<640x32xf32>
    %slice3A_56 = vector.extract_strided_slice %slice3A_11 {offsets = [0, 2], sizes = [640, 1], strides = [1, 1]} : vector<640x32xf32> to vector<640x1xf32>
    %mul3A_57 = vector.broadcast %slice3A_56 : vector<640x1xf32> to vector<640x32xf32>
    %mul3A_58 = arith.mulf %mul3A_57, %slice3A_11 : vector<640x32xf32>
    %add3A_59 = arith.addf %add3A_55, %mul3A_58 : vector<640x32xf32>
    %get3A_60 = arith.constant 96 : index
    %get3A_61 = arith.constant 0 : index
    %get3A_62 = vector.load %arg2[%get3A_60, %get3A_61] : memref<1056x32xf32, #tpu.memory_space<vmem>>, vector<32x32xf32>
    %dot_general3A_63 = arith.constant dense<0.000000e+00> : vector<640x32xf32>
    %dot_general3A_64 = tpu.matmul %add3A_59, %get3A_62, %dot_general3A_63 {dimension_numbers = #tpu.dot_dimension_numbers<[1], [0], [0], [1], [0, 0, 1, 1], [], []>, transpose_lhs_hint = false} : vector<640x32xf32>, vector<32x32xf32>, vector<640x32xf32> -> vector<640x32xf32>
    %add3A_65 = arith.addf %add3A_48, %dot_general3A_64 : vector<640x32xf32>
    %slice3A_66 = vector.extract_strided_slice %slice3A_9 {offsets = [0, 3], sizes = [640, 1], strides = [1, 1]} : vector<640x32xf32> to vector<640x1xf32>
    %mul3A_67 = vector.broadcast %slice3A_66 : vector<640x1xf32> to vector<640x32xf32>
    %mul3A_68 = arith.mulf %mul3A_67, %slice3A_9 : vector<640x32xf32>
    %slice3A_69 = vector.extract_strided_slice %slice3A_10 {offsets = [0, 3], sizes = [640, 1], strides = [1, 1]} : vector<640x32xf32> to vector<640x1xf32>
    %mul3A_70 = vector.broadcast %slice3A_69 : vector<640x1xf32> to vector<640x32xf32>
    %mul3A_71 = arith.mulf %mul3A_70, %slice3A_10 : vector<640x32xf32>
    %add3A_72 = arith.addf %mul3A_68, %mul3A_71 : vector<640x32xf32>
    %slice3A_73 = vector.extract_strided_slice %slice3A_11 {offsets = [0, 3], sizes = [640, 1], strides = [1, 1]} : vector<640x32xf32> to vector<640x1xf32>
    %mul3A_74 = vector.broadcast %slice3A_73 : vector<640x1xf32> to vector<640x32xf32>
    %mul3A_75 = arith.mulf %mul3A_74, %slice3A_11 : vector<640x32xf32>
    %add3A_76 = arith.addf %add3A_72, %mul3A_75 : vector<640x32xf32>
    %get3A_77 = arith.constant 128 : index
    %get3A_78 = arith.constant 0 : index
    %get3A_79 = vector.load %arg2[%get3A_77, %get3A_78] : memref<1056x32xf32, #tpu.memory_space<vmem>>, vector<32x32xf32>
    %dot_general3A_80 = arith.constant dense<0.000000e+00> : vector<640x32xf32>
    %dot_general3A_81 = tpu.matmul %add3A_76, %get3A_79, %dot_general3A_80 {dimension_numbers = #tpu.dot_dimension_numbers<[1], [0], [0], [1], [0, 0, 1, 1], [], []>, transpose_lhs_hint = false} : vector<640x32xf32>, vector<32x32xf32>, vector<640x32xf32> -> vector<640x32xf32>
    %add3A_82 = arith.addf %add3A_65, %dot_general3A_81 : vector<640x32xf32>
    %slice3A_83 = vector.extract_strided_slice %slice3A_9 {offsets = [0, 4], sizes = [640, 1], strides = [1, 1]} : vector<640x32xf32> to vector<640x1xf32>
    %mul3A_84 = vector.broadcast %slice3A_83 : vector<640x1xf32> to vector<640x32xf32>
    %mul3A_85 = arith.mulf %mul3A_84, %slice3A_9 : vector<640x32xf32>
    %slice3A_86 = vector.extract_strided_slice %slice3A_10 {offsets = [0, 4], sizes = [640, 1], strides = [1, 1]} : vector<640x32xf32> to vector<640x1xf32>
    %mul3A_87 = vector.broadcast %slice3A_86 : vector<640x1xf32> to vector<640x32xf32>
    %mul3A_88 = arith.mulf %mul3A_87, %slice3A_10 : vector<640x32xf32>
    %add3A_89 = arith.addf %mul3A_85, %mul3A_88 : vector<640x32xf32>
    %slice3A_90 = vector.extract_strided_slice %slice3A_11 {offsets = [0, 4], sizes = [640, 1], strides = [1, 1]} : vector<640x32xf32> to vector<640x1xf32>
    %mul3A_91 = vector.broadcast %slice3A_90 : vector<640x1xf32> to vector<640x32xf32>
    %mul3A_92 = arith.mulf %mul3A_91, %slice3A_11 : vector<640x32xf32>
    %add3A_93 = arith.addf %add3A_89, %mul3A_92 : vector<640x32xf32>
    %get3A_94 = arith.constant 160 : index
    %get3A_95 = arith.constant 0 : index
    %get3A_96 = vector.load %arg2[%get3A_94, %get3A_95] : memref<1056x32xf32, #tpu.memory_space<vmem>>, vector<32x32xf32>
    %dot_general3A_97 = arith.constant dense<0.000000e+00> : vector<640x32xf32>
    %dot_general3A_98 = tpu.matmul %add3A_93, %get3A_96, %dot_general3A_97 {dimension_numbers = #tpu.dot_dimension_numbers<[1], [0], [0], [1], [0, 0, 1, 1], [], []>, transpose_lhs_hint = false} : vector<640x32xf32>, vector<32x32xf32>, vector<640x32xf32> -> vector<640x32xf32>
    %add3A_99 = arith.addf %add3A_82, %dot_general3A_98 : vector<640x32xf32>
    %slice3A_100 = vector.extract_strided_slice %slice3A_9 {offsets = [0, 5], sizes = [640, 1], strides = [1, 1]} : vector<640x32xf32> to vector<640x1xf32>
    %mul3A_101 = vector.broadcast %slice3A_100 : vector<640x1xf32> to vector<640x32xf32>
    %mul3A_102 = arith.mulf %mul3A_101, %slice3A_9 : vector<640x32xf32>
    %slice3A_103 = vector.extract_strided_slice %slice3A_10 {offsets = [0, 5], sizes = [640, 1], strides = [1, 1]} : vector<640x32xf32> to vector<640x1xf32>
    %mul3A_104 = vector.broadcast %slice3A_103 : vector<640x1xf32> to vector<640x32xf32>
    %mul3A_105 = arith.mulf %mul3A_104, %slice3A_10 : vector<640x32xf32>
    %add3A_106 = arith.addf %mul3A_102, %mul3A_105 : vector<640x32xf32>
    %slice3A_107 = vector.extract_strided_slice %slice3A_11 {offsets = [0, 5], sizes = [640, 1], strides = [1, 1]} : vector<640x32xf32> to vector<640x1xf32>
    %mul3A_108 = vector.broadcast %slice3A_107 : vector<640x1xf32> to vector<640x32xf32>
    %mul3A_109 = arith.mulf %mul3A_108, %slice3A_11 : vector<640x32xf32>
    %add3A_110 = arith.addf %add3A_106, %mul3A_109 : vector<640x32xf32>
    %get3A_111 = arith.constant 192 : index
    %get3A_112 = arith.constant 0 : index
    %get3A_113 = vector.load %arg2[%get3A_111, %get3A_112] : memref<1056x32xf32, #tpu.memory_space<vmem>>, vector<32x32xf32>
    %dot_general3A_114 = arith.constant dense<0.000000e+00> : vector<640x32xf32>
    %dot_general3A_115 = tpu.matmul %add3A_110, %get3A_113, %dot_general3A_114 {dimension_numbers = #tpu.dot_dimension_numbers<[1], [0], [0], [1], [0, 0, 1, 1], [], []>, transpose_lhs_hint = false} : vector<640x32xf32>, vector<32x32xf32>, vector<640x32xf32> -> vector<640x32xf32>
    %add3A_116 = arith.addf %add3A_99, %dot_general3A_115 : vector<640x32xf32>
    %slice3A_117 = vector.extract_strided_slice %slice3A_9 {offsets = [0, 6], sizes = [640, 1], strides = [1, 1]} : vector<640x32xf32> to vector<640x1xf32>
    %mul3A_118 = vector.broadcast %slice3A_117 : vector<640x1xf32> to vector<640x32xf32>
    %mul3A_119 = arith.mulf %mul3A_118, %slice3A_9 : vector<640x32xf32>
    %slice3A_120 = vector.extract_strided_slice %slice3A_10 {offsets = [0, 6], sizes = [640, 1], strides = [1, 1]} : vector<640x32xf32> to vector<640x1xf32>
    %mul3A_121 = vector.broadcast %slice3A_120 : vector<640x1xf32> to vector<640x32xf32>
    %mul3A_122 = arith.mulf %mul3A_121, %slice3A_10 : vector<640x32xf32>
    %add3A_123 = arith.addf %mul3A_119, %mul3A_122 : vector<640x32xf32>
    %slice3A_124 = vector.extract_strided_slice %slice3A_11 {offsets = [0, 6], sizes = [640, 1], strides = [1, 1]} : vector<640x32xf32> to vector<640x1xf32>
    %mul3A_125 = vector.broadcast %slice3A_124 : vector<640x1xf32> to vector<640x32xf32>
    %mul3A_126 = arith.mulf %mul3A_125, %slice3A_11 : vector<640x32xf32>
    %add3A_127 = arith.addf %add3A_123, %mul3A_126 : vector<640x32xf32>
    %get3A_128 = arith.constant 224 : index
    %get3A_129 = arith.constant 0 : index
    %get3A_130 = vector.load %arg2[%get3A_128, %get3A_129] : memref<1056x32xf32, #tpu.memory_space<vmem>>, vector<32x32xf32>
    %dot_general3A_131 = arith.constant dense<0.000000e+00> : vector<640x32xf32>
    %dot_general3A_132 = tpu.matmul %add3A_127, %get3A_130, %dot_general3A_131 {dimension_numbers = #tpu.dot_dimension_numbers<[1], [0], [0], [1], [0, 0, 1, 1], [], []>, transpose_lhs_hint = false} : vector<640x32xf32>, vector<32x32xf32>, vector<640x32xf32> -> vector<640x32xf32>
    %add3A_133 = arith.addf %add3A_116, %dot_general3A_132 : vector<640x32xf32>
    %slice3A_134 = vector.extract_strided_slice %slice3A_9 {offsets = [0, 7], sizes = [640, 1], strides = [1, 1]} : vector<640x32xf32> to vector<640x1xf32>
    %mul3A_135 = vector.broadcast %slice3A_134 : vector<640x1xf32> to vector<640x32xf32>
    %mul3A_136 = arith.mulf %mul3A_135, %slice3A_9 : vector<640x32xf32>
    %slice3A_137 = vector.extract_strided_slice %slice3A_10 {offsets = [0, 7], sizes = [640, 1], strides = [1, 1]} : vector<640x32xf32> to vector<640x1xf32>
    %mul3A_138 = vector.broadcast %slice3A_137 : vector<640x1xf32> to vector<640x32xf32>
    %mul3A_139 = arith.mulf %mul3A_138, %slice3A_10 : vector<640x32xf32>
    %add3A_140 = arith.addf %mul3A_136, %mul3A_139 : vector<640x32xf32>
    %slice3A_141 = vector.extract_strided_slice %slice3A_11 {offsets = [0, 7], sizes = [640, 1], strides = [1, 1]} : vector<640x32xf32> to vector<640x1xf32>
    %mul3A_142 = vector.broadcast %slice3A_141 : vector<640x1xf32> to vector<640x32xf32>
    %mul3A_143 = arith.mulf %mul3A_142, %slice3A_11 : vector<640x32xf32>
    %add3A_144 = arith.addf %add3A_140, %mul3A_143 : vector<640x32xf32>
    %get3A_145 = arith.constant 256 : index
    %get3A_146 = arith.constant 0 : index
    %get3A_147 = vector.load %arg2[%get3A_145, %get3A_146] : memref<1056x32xf32, #tpu.memory_space<vmem>>, vector<32x32xf32>
    %dot_general3A_148 = arith.constant dense<0.000000e+00> : vector<640x32xf32>
    %dot_general3A_149 = tpu.matmul %add3A_144, %get3A_147, %dot_general3A_148 {dimension_numbers = #tpu.dot_dimension_numbers<[1], [0], [0], [1], [0, 0, 1, 1], [], []>, transpose_lhs_hint = false} : vector<640x32xf32>, vector<32x32xf32>, vector<640x32xf32> -> vector<640x32xf32>
    %add3A_150 = arith.addf %add3A_133, %dot_general3A_149 : vector<640x32xf32>
    %slice3A_151 = vector.extract_strided_slice %slice3A_9 {offsets = [0, 8], sizes = [640, 1], strides = [1, 1]} : vector<640x32xf32> to vector<640x1xf32>
    %mul3A_152 = vector.broadcast %slice3A_151 : vector<640x1xf32> to vector<640x32xf32>
    %mul3A_153 = arith.mulf %mul3A_152, %slice3A_9 : vector<640x32xf32>
    %slice3A_154 = vector.extract_strided_slice %slice3A_10 {offsets = [0, 8], sizes = [640, 1], strides = [1, 1]} : vector<640x32xf32> to vector<640x1xf32>
    %mul3A_155 = vector.broadcast %slice3A_154 : vector<640x1xf32> to vector<640x32xf32>
    %mul3A_156 = arith.mulf %mul3A_155, %slice3A_10 : vector<640x32xf32>
    %add3A_157 = arith.addf %mul3A_153, %mul3A_156 : vector<640x32xf32>
    %slice3A_158 = vector.extract_strided_slice %slice3A_11 {offsets = [0, 8], sizes = [640, 1], strides = [1, 1]} : vector<640x32xf32> to vector<640x1xf32>
    %mul3A_159 = vector.broadcast %slice3A_158 : vector<640x1xf32> to vector<640x32xf32>
    %mul3A_160 = arith.mulf %mul3A_159, %slice3A_11 : vector<640x32xf32>
    %add3A_161 = arith.addf %add3A_157, %mul3A_160 : vector<640x32xf32>
    %get3A_162 = arith.constant 288 : index
    %get3A_163 = arith.constant 0 : index
    %get3A_164 = vector.load %arg2[%get3A_162, %get3A_163] : memref<1056x32xf32, #tpu.memory_space<vmem>>, vector<32x32xf32>
    %dot_general3A_165 = arith.constant dense<0.000000e+00> : vector<640x32xf32>
    %dot_general3A_166 = tpu.matmul %add3A_161, %get3A_164, %dot_general3A_165 {dimension_numbers = #tpu.dot_dimension_numbers<[1], [0], [0], [1], [0, 0, 1, 1], [], []>, transpose_lhs_hint = false} : vector<640x32xf32>, vector<32x32xf32>, vector<640x32xf32> -> vector<640x32xf32>
    %add3A_167 = arith.addf %add3A_150, %dot_general3A_166 : vector<640x32xf32>
    %slice3A_168 = vector.extract_strided_slice %slice3A_9 {offsets = [0, 9], sizes = [640, 1], strides = [1, 1]} : vector<640x32xf32> to vector<640x1xf32>
    %mul3A_169 = vector.broadcast %slice3A_168 : vector<640x1xf32> to vector<640x32xf32>
    %mul3A_170 = arith.mulf %mul3A_169, %slice3A_9 : vector<640x32xf32>
    %slice3A_171 = vector.extract_strided_slice %slice3A_10 {offsets = [0, 9], sizes = [640, 1], strides = [1, 1]} : vector<640x32xf32> to vector<640x1xf32>
    %mul3A_172 = vector.broadcast %slice3A_171 : vector<640x1xf32> to vector<640x32xf32>
    %mul3A_173 = arith.mulf %mul3A_172, %slice3A_10 : vector<640x32xf32>
    %add3A_174 = arith.addf %mul3A_170, %mul3A_173 : vector<640x32xf32>
    %slice3A_175 = vector.extract_strided_slice %slice3A_11 {offsets = [0, 9], sizes = [640, 1], strides = [1, 1]} : vector<640x32xf32> to vector<640x1xf32>
    %mul3A_176 = vector.broadcast %slice3A_175 : vector<640x1xf32> to vector<640x32xf32>
    %mul3A_177 = arith.mulf %mul3A_176, %slice3A_11 : vector<640x32xf32>
    %add3A_178 = arith.addf %add3A_174, %mul3A_177 : vector<640x32xf32>
    %get3A_179 = arith.constant 320 : index
    %get3A_180 = arith.constant 0 : index
    %get3A_181 = vector.load %arg2[%get3A_179, %get3A_180] : memref<1056x32xf32, #tpu.memory_space<vmem>>, vector<32x32xf32>
    %dot_general3A_182 = arith.constant dense<0.000000e+00> : vector<640x32xf32>
    %dot_general3A_183 = tpu.matmul %add3A_178, %get3A_181, %dot_general3A_182 {dimension_numbers = #tpu.dot_dimension_numbers<[1], [0], [0], [1], [0, 0, 1, 1], [], []>, transpose_lhs_hint = false} : vector<640x32xf32>, vector<32x32xf32>, vector<640x32xf32> -> vector<640x32xf32>
    %add3A_184 = arith.addf %add3A_167, %dot_general3A_183 : vector<640x32xf32>
    %slice3A_185 = vector.extract_strided_slice %slice3A_9 {offsets = [0, 10], sizes = [640, 1], strides = [1, 1]} : vector<640x32xf32> to vector<640x1xf32>
    %mul3A_186 = vector.broadcast %slice3A_185 : vector<640x1xf32> to vector<640x32xf32>
    %mul3A_187 = arith.mulf %mul3A_186, %slice3A_9 : vector<640x32xf32>
    %slice3A_188 = vector.extract_strided_slice %slice3A_10 {offsets = [0, 10], sizes = [640, 1], strides = [1, 1]} : vector<640x32xf32> to vector<640x1xf32>
    %mul3A_189 = vector.broadcast %slice3A_188 : vector<640x1xf32> to vector<640x32xf32>
    %mul3A_190 = arith.mulf %mul3A_189, %slice3A_10 : vector<640x32xf32>
    %add3A_191 = arith.addf %mul3A_187, %mul3A_190 : vector<640x32xf32>
    %slice3A_192 = vector.extract_strided_slice %slice3A_11 {offsets = [0, 10], sizes = [640, 1], strides = [1, 1]} : vector<640x32xf32> to vector<640x1xf32>
    %mul3A_193 = vector.broadcast %slice3A_192 : vector<640x1xf32> to vector<640x32xf32>
    %mul3A_194 = arith.mulf %mul3A_193, %slice3A_11 : vector<640x32xf32>
    %add3A_195 = arith.addf %add3A_191, %mul3A_194 : vector<640x32xf32>
    %get3A_196 = arith.constant 352 : index
    %get3A_197 = arith.constant 0 : index
    %get3A_198 = vector.load %arg2[%get3A_196, %get3A_197] : memref<1056x32xf32, #tpu.memory_space<vmem>>, vector<32x32xf32>
    %dot_general3A_199 = arith.constant dense<0.000000e+00> : vector<640x32xf32>
    %dot_general3A_200 = tpu.matmul %add3A_195, %get3A_198, %dot_general3A_199 {dimension_numbers = #tpu.dot_dimension_numbers<[1], [0], [0], [1], [0, 0, 1, 1], [], []>, transpose_lhs_hint = false} : vector<640x32xf32>, vector<32x32xf32>, vector<640x32xf32> -> vector<640x32xf32>
    %add3A_201 = arith.addf %add3A_184, %dot_general3A_200 : vector<640x32xf32>
    %slice3A_202 = vector.extract_strided_slice %slice3A_9 {offsets = [0, 11], sizes = [640, 1], strides = [1, 1]} : vector<640x32xf32> to vector<640x1xf32>
    %mul3A_203 = vector.broadcast %slice3A_202 : vector<640x1xf32> to vector<640x32xf32>
    %mul3A_204 = arith.mulf %mul3A_203, %slice3A_9 : vector<640x32xf32>
    %slice3A_205 = vector.extract_strided_slice %slice3A_10 {offsets = [0, 11], sizes = [640, 1], strides = [1, 1]} : vector<640x32xf32> to vector<640x1xf32>
    %mul3A_206 = vector.broadcast %slice3A_205 : vector<640x1xf32> to vector<640x32xf32>
    %mul3A_207 = arith.mulf %mul3A_206, %slice3A_10 : vector<640x32xf32>
    %add3A_208 = arith.addf %mul3A_204, %mul3A_207 : vector<640x32xf32>
    %slice3A_209 = vector.extract_strided_slice %slice3A_11 {offsets = [0, 11], sizes = [640, 1], strides = [1, 1]} : vector<640x32xf32> to vector<640x1xf32>
    %mul3A_210 = vector.broadcast %slice3A_209 : vector<640x1xf32> to vector<640x32xf32>
    %mul3A_211 = arith.mulf %mul3A_210, %slice3A_11 : vector<640x32xf32>
    %add3A_212 = arith.addf %add3A_208, %mul3A_211 : vector<640x32xf32>
    %get3A_213 = arith.constant 384 : index
    %get3A_214 = arith.constant 0 : index
    %get3A_215 = vector.load %arg2[%get3A_213, %get3A_214] : memref<1056x32xf32, #tpu.memory_space<vmem>>, vector<32x32xf32>
    %dot_general3A_216 = arith.constant dense<0.000000e+00> : vector<640x32xf32>
    %dot_general3A_217 = tpu.matmul %add3A_212, %get3A_215, %dot_general3A_216 {dimension_numbers = #tpu.dot_dimension_numbers<[1], [0], [0], [1], [0, 0, 1, 1], [], []>, transpose_lhs_hint = false} : vector<640x32xf32>, vector<32x32xf32>, vector<640x32xf32> -> vector<640x32xf32>
    %add3A_218 = arith.addf %add3A_201, %dot_general3A_217 : vector<640x32xf32>
    %slice3A_219 = vector.extract_strided_slice %slice3A_9 {offsets = [0, 12], sizes = [640, 1], strides = [1, 1]} : vector<640x32xf32> to vector<640x1xf32>
    %mul3A_220 = vector.broadcast %slice3A_219 : vector<640x1xf32> to vector<640x32xf32>
    %mul3A_221 = arith.mulf %mul3A_220, %slice3A_9 : vector<640x32xf32>
    %slice3A_222 = vector.extract_strided_slice %slice3A_10 {offsets = [0, 12], sizes = [640, 1], strides = [1, 1]} : vector<640x32xf32> to vector<640x1xf32>
    %mul3A_223 = vector.broadcast %slice3A_222 : vector<640x1xf32> to vector<640x32xf32>
    %mul3A_224 = arith.mulf %mul3A_223, %slice3A_10 : vector<640x32xf32>
    %add3A_225 = arith.addf %mul3A_221, %mul3A_224 : vector<640x32xf32>
    %slice3A_226 = vector.extract_strided_slice %slice3A_11 {offsets = [0, 12], sizes = [640, 1], strides = [1, 1]} : vector<640x32xf32> to vector<640x1xf32>
    %mul3A_227 = vector.broadcast %slice3A_226 : vector<640x1xf32> to vector<640x32xf32>
    %mul3A_228 = arith.mulf %mul3A_227, %slice3A_11 : vector<640x32xf32>
    %add3A_229 = arith.addf %add3A_225, %mul3A_228 : vector<640x32xf32>
    %get3A_230 = arith.constant 416 : index
    %get3A_231 = arith.constant 0 : index
    %get3A_232 = vector.load %arg2[%get3A_230, %get3A_231] : memref<1056x32xf32, #tpu.memory_space<vmem>>, vector<32x32xf32>
    %dot_general3A_233 = arith.constant dense<0.000000e+00> : vector<640x32xf32>
    %dot_general3A_234 = tpu.matmul %add3A_229, %get3A_232, %dot_general3A_233 {dimension_numbers = #tpu.dot_dimension_numbers<[1], [0], [0], [1], [0, 0, 1, 1], [], []>, transpose_lhs_hint = false} : vector<640x32xf32>, vector<32x32xf32>, vector<640x32xf32> -> vector<640x32xf32>
    %add3A_235 = arith.addf %add3A_218, %dot_general3A_234 : vector<640x32xf32>
    %slice3A_236 = vector.extract_strided_slice %slice3A_9 {offsets = [0, 13], sizes = [640, 1], strides = [1, 1]} : vector<640x32xf32> to vector<640x1xf32>
    %mul3A_237 = vector.broadcast %slice3A_236 : vector<640x1xf32> to vector<640x32xf32>
    %mul3A_238 = arith.mulf %mul3A_237, %slice3A_9 : vector<640x32xf32>
    %slice3A_239 = vector.extract_strided_slice %slice3A_10 {offsets = [0, 13], sizes = [640, 1], strides = [1, 1]} : vector<640x32xf32> to vector<640x1xf32>
    %mul3A_240 = vector.broadcast %slice3A_239 : vector<640x1xf32> to vector<640x32xf32>
    %mul3A_241 = arith.mulf %mul3A_240, %slice3A_10 : vector<640x32xf32>
    %add3A_242 = arith.addf %mul3A_238, %mul3A_241 : vector<640x32xf32>
    %slice3A_243 = vector.extract_strided_slice %slice3A_11 {offsets = [0, 13], sizes = [640, 1], strides = [1, 1]} : vector<640x32xf32> to vector<640x1xf32>
    %mul3A_244 = vector.broadcast %slice3A_243 : vector<640x1xf32> to vector<640x32xf32>
    %mul3A_245 = arith.mulf %mul3A_244, %slice3A_11 : vector<640x32xf32>
    %add3A_246 = arith.addf %add3A_242, %mul3A_245 : vector<640x32xf32>
    %get3A_247 = arith.constant 448 : index
    %get3A_248 = arith.constant 0 : index
    %get3A_249 = vector.load %arg2[%get3A_247, %get3A_248] : memref<1056x32xf32, #tpu.memory_space<vmem>>, vector<32x32xf32>
    %dot_general3A_250 = arith.constant dense<0.000000e+00> : vector<640x32xf32>
    %dot_general3A_251 = tpu.matmul %add3A_246, %get3A_249, %dot_general3A_250 {dimension_numbers = #tpu.dot_dimension_numbers<[1], [0], [0], [1], [0, 0, 1, 1], [], []>, transpose_lhs_hint = false} : vector<640x32xf32>, vector<32x32xf32>, vector<640x32xf32> -> vector<640x32xf32>
    %add3A_252 = arith.addf %add3A_235, %dot_general3A_251 : vector<640x32xf32>
    %slice3A_253 = vector.extract_strided_slice %slice3A_9 {offsets = [0, 14], sizes = [640, 1], strides = [1, 1]} : vector<640x32xf32> to vector<640x1xf32>
    %mul3A_254 = vector.broadcast %slice3A_253 : vector<640x1xf32> to vector<640x32xf32>
    %mul3A_255 = arith.mulf %mul3A_254, %slice3A_9 : vector<640x32xf32>
    %slice3A_256 = vector.extract_strided_slice %slice3A_10 {offsets = [0, 14], sizes = [640, 1], strides = [1, 1]} : vector<640x32xf32> to vector<640x1xf32>
    %mul3A_257 = vector.broadcast %slice3A_256 : vector<640x1xf32> to vector<640x32xf32>
    %mul3A_258 = arith.mulf %mul3A_257, %slice3A_10 : vector<640x32xf32>
    %add3A_259 = arith.addf %mul3A_255, %mul3A_258 : vector<640x32xf32>
    %slice3A_260 = vector.extract_strided_slice %slice3A_11 {offsets = [0, 14], sizes = [640, 1], strides = [1, 1]} : vector<640x32xf32> to vector<640x1xf32>
    %mul3A_261 = vector.broadcast %slice3A_260 : vector<640x1xf32> to vector<640x32xf32>
    %mul3A_262 = arith.mulf %mul3A_261, %slice3A_11 : vector<640x32xf32>
    %add3A_263 = arith.addf %add3A_259, %mul3A_262 : vector<640x32xf32>
    %get3A_264 = arith.constant 480 : index
    %get3A_265 = arith.constant 0 : index
    %get3A_266 = vector.load %arg2[%get3A_264, %get3A_265] : memref<1056x32xf32, #tpu.memory_space<vmem>>, vector<32x32xf32>
    %dot_general3A_267 = arith.constant dense<0.000000e+00> : vector<640x32xf32>
    %dot_general3A_268 = tpu.matmul %add3A_263, %get3A_266, %dot_general3A_267 {dimension_numbers = #tpu.dot_dimension_numbers<[1], [0], [0], [1], [0, 0, 1, 1], [], []>, transpose_lhs_hint = false} : vector<640x32xf32>, vector<32x32xf32>, vector<640x32xf32> -> vector<640x32xf32>
    %add3A_269 = arith.addf %add3A_252, %dot_general3A_268 : vector<640x32xf32>
    %slice3A_270 = vector.extract_strided_slice %slice3A_9 {offsets = [0, 15], sizes = [640, 1], strides = [1, 1]} : vector<640x32xf32> to vector<640x1xf32>
    %mul3A_271 = vector.broadcast %slice3A_270 : vector<640x1xf32> to vector<640x32xf32>
    %mul3A_272 = arith.mulf %mul3A_271, %slice3A_9 : vector<640x32xf32>
    %slice3A_273 = vector.extract_strided_slice %slice3A_10 {offsets = [0, 15], sizes = [640, 1], strides = [1, 1]} : vector<640x32xf32> to vector<640x1xf32>
    %mul3A_274 = vector.broadcast %slice3A_273 : vector<640x1xf32> to vector<640x32xf32>
    %mul3A_275 = arith.mulf %mul3A_274, %slice3A_10 : vector<640x32xf32>
    %add3A_276 = arith.addf %mul3A_272, %mul3A_275 : vector<640x32xf32>
    %slice3A_277 = vector.extract_strided_slice %slice3A_11 {offsets = [0, 15], sizes = [640, 1], strides = [1, 1]} : vector<640x32xf32> to vector<640x1xf32>
    %mul3A_278 = vector.broadcast %slice3A_277 : vector<640x1xf32> to vector<640x32xf32>
    %mul3A_279 = arith.mulf %mul3A_278, %slice3A_11 : vector<640x32xf32>
    %add3A_280 = arith.addf %add3A_276, %mul3A_279 : vector<640x32xf32>
    %get3A_281 = arith.constant 512 : index
    %get3A_282 = arith.constant 0 : index
    %get3A_283 = vector.load %arg2[%get3A_281, %get3A_282] : memref<1056x32xf32, #tpu.memory_space<vmem>>, vector<32x32xf32>
    %dot_general3A_284 = arith.constant dense<0.000000e+00> : vector<640x32xf32>
    %dot_general3A_285 = tpu.matmul %add3A_280, %get3A_283, %dot_general3A_284 {dimension_numbers = #tpu.dot_dimension_numbers<[1], [0], [0], [1], [0, 0, 1, 1], [], []>, transpose_lhs_hint = false} : vector<640x32xf32>, vector<32x32xf32>, vector<640x32xf32> -> vector<640x32xf32>
    %add3A_286 = arith.addf %add3A_269, %dot_general3A_285 : vector<640x32xf32>
    %slice3A_287 = vector.extract_strided_slice %slice3A_9 {offsets = [0, 16], sizes = [640, 1], strides = [1, 1]} : vector<640x32xf32> to vector<640x1xf32>
    %mul3A_288 = vector.broadcast %slice3A_287 : vector<640x1xf32> to vector<640x32xf32>
    %mul3A_289 = arith.mulf %mul3A_288, %slice3A_9 : vector<640x32xf32>
    %slice3A_290 = vector.extract_strided_slice %slice3A_10 {offsets = [0, 16], sizes = [640, 1], strides = [1, 1]} : vector<640x32xf32> to vector<640x1xf32>
    %mul3A_291 = vector.broadcast %slice3A_290 : vector<640x1xf32> to vector<640x32xf32>
    %mul3A_292 = arith.mulf %mul3A_291, %slice3A_10 : vector<640x32xf32>
    %add3A_293 = arith.addf %mul3A_289, %mul3A_292 : vector<640x32xf32>
    %slice3A_294 = vector.extract_strided_slice %slice3A_11 {offsets = [0, 16], sizes = [640, 1], strides = [1, 1]} : vector<640x32xf32> to vector<640x1xf32>
    %mul3A_295 = vector.broadcast %slice3A_294 : vector<640x1xf32> to vector<640x32xf32>
    %mul3A_296 = arith.mulf %mul3A_295, %slice3A_11 : vector<640x32xf32>
    %add3A_297 = arith.addf %add3A_293, %mul3A_296 : vector<640x32xf32>
    %get3A_298 = arith.constant 544 : index
    %get3A_299 = arith.constant 0 : index
    %get3A_300 = vector.load %arg2[%get3A_298, %get3A_299] : memref<1056x32xf32, #tpu.memory_space<vmem>>, vector<32x32xf32>
    %dot_general3A_301 = arith.constant dense<0.000000e+00> : vector<640x32xf32>
    %dot_general3A_302 = tpu.matmul %add3A_297, %get3A_300, %dot_general3A_301 {dimension_numbers = #tpu.dot_dimension_numbers<[1], [0], [0], [1], [0, 0, 1, 1], [], []>, transpose_lhs_hint = false} : vector<640x32xf32>, vector<32x32xf32>, vector<640x32xf32> -> vector<640x32xf32>
    %add3A_303 = arith.addf %add3A_286, %dot_general3A_302 : vector<640x32xf32>
    %slice3A_304 = vector.extract_strided_slice %slice3A_9 {offsets = [0, 17], sizes = [640, 1], strides = [1, 1]} : vector<640x32xf32> to vector<640x1xf32>
    %mul3A_305 = vector.broadcast %slice3A_304 : vector<640x1xf32> to vector<640x32xf32>
    %mul3A_306 = arith.mulf %mul3A_305, %slice3A_9 : vector<640x32xf32>
    %slice3A_307 = vector.extract_strided_slice %slice3A_10 {offsets = [0, 17], sizes = [640, 1], strides = [1, 1]} : vector<640x32xf32> to vector<640x1xf32>
    %mul3A_308 = vector.broadcast %slice3A_307 : vector<640x1xf32> to vector<640x32xf32>
    %mul3A_309 = arith.mulf %mul3A_308, %slice3A_10 : vector<640x32xf32>
    %add3A_310 = arith.addf %mul3A_306, %mul3A_309 : vector<640x32xf32>
    %slice3A_311 = vector.extract_strided_slice %slice3A_11 {offsets = [0, 17], sizes = [640, 1], strides = [1, 1]} : vector<640x32xf32> to vector<640x1xf32>
    %mul3A_312 = vector.broadcast %slice3A_311 : vector<640x1xf32> to vector<640x32xf32>
    %mul3A_313 = arith.mulf %mul3A_312, %slice3A_11 : vector<640x32xf32>
    %add3A_314 = arith.addf %add3A_310, %mul3A_313 : vector<640x32xf32>
    %get3A_315 = arith.constant 576 : index
    %get3A_316 = arith.constant 0 : index
    %get3A_317 = vector.load %arg2[%get3A_315, %get3A_316] : memref<1056x32xf32, #tpu.memory_space<vmem>>, vector<32x32xf32>
    %dot_general3A_318 = arith.constant dense<0.000000e+00> : vector<640x32xf32>
    %dot_general3A_319 = tpu.matmul %add3A_314, %get3A_317, %dot_general3A_318 {dimension_numbers = #tpu.dot_dimension_numbers<[1], [0], [0], [1], [0, 0, 1, 1], [], []>, transpose_lhs_hint = false} : vector<640x32xf32>, vector<32x32xf32>, vector<640x32xf32> -> vector<640x32xf32>
    %add3A_320 = arith.addf %add3A_303, %dot_general3A_319 : vector<640x32xf32>
    %slice3A_321 = vector.extract_strided_slice %slice3A_9 {offsets = [0, 18], sizes = [640, 1], strides = [1, 1]} : vector<640x32xf32> to vector<640x1xf32>
    %mul3A_322 = vector.broadcast %slice3A_321 : vector<640x1xf32> to vector<640x32xf32>
    %mul3A_323 = arith.mulf %mul3A_322, %slice3A_9 : vector<640x32xf32>
    %slice3A_324 = vector.extract_strided_slice %slice3A_10 {offsets = [0, 18], sizes = [640, 1], strides = [1, 1]} : vector<640x32xf32> to vector<640x1xf32>
    %mul3A_325 = vector.broadcast %slice3A_324 : vector<640x1xf32> to vector<640x32xf32>
    %mul3A_326 = arith.mulf %mul3A_325, %slice3A_10 : vector<640x32xf32>
    %add3A_327 = arith.addf %mul3A_323, %mul3A_326 : vector<640x32xf32>
    %slice3A_328 = vector.extract_strided_slice %slice3A_11 {offsets = [0, 18], sizes = [640, 1], strides = [1, 1]} : vector<640x32xf32> to vector<640x1xf32>
    %mul3A_329 = vector.broadcast %slice3A_328 : vector<640x1xf32> to vector<640x32xf32>
    %mul3A_330 = arith.mulf %mul3A_329, %slice3A_11 : vector<640x32xf32>
    %add3A_331 = arith.addf %add3A_327, %mul3A_330 : vector<640x32xf32>
    %get3A_332 = arith.constant 608 : index
    %get3A_333 = arith.constant 0 : index
    %get3A_334 = vector.load %arg2[%get3A_332, %get3A_333] : memref<1056x32xf32, #tpu.memory_space<vmem>>, vector<32x32xf32>
    %dot_general3A_335 = arith.constant dense<0.000000e+00> : vector<640x32xf32>
    %dot_general3A_336 = tpu.matmul %add3A_331, %get3A_334, %dot_general3A_335 {dimension_numbers = #tpu.dot_dimension_numbers<[1], [0], [0], [1], [0, 0, 1, 1], [], []>, transpose_lhs_hint = false} : vector<640x32xf32>, vector<32x32xf32>, vector<640x32xf32> -> vector<640x32xf32>
    %add3A_337 = arith.addf %add3A_320, %dot_general3A_336 : vector<640x32xf32>
    %slice3A_338 = vector.extract_strided_slice %slice3A_9 {offsets = [0, 19], sizes = [640, 1], strides = [1, 1]} : vector<640x32xf32> to vector<640x1xf32>
    %mul3A_339 = vector.broadcast %slice3A_338 : vector<640x1xf32> to vector<640x32xf32>
    %mul3A_340 = arith.mulf %mul3A_339, %slice3A_9 : vector<640x32xf32>
    %slice3A_341 = vector.extract_strided_slice %slice3A_10 {offsets = [0, 19], sizes = [640, 1], strides = [1, 1]} : vector<640x32xf32> to vector<640x1xf32>
    %mul3A_342 = vector.broadcast %slice3A_341 : vector<640x1xf32> to vector<640x32xf32>
    %mul3A_343 = arith.mulf %mul3A_342, %slice3A_10 : vector<640x32xf32>
    %add3A_344 = arith.addf %mul3A_340, %mul3A_343 : vector<640x32xf32>
    %slice3A_345 = vector.extract_strided_slice %slice3A_11 {offsets = [0, 19], sizes = [640, 1], strides = [1, 1]} : vector<640x32xf32> to vector<640x1xf32>
    %mul3A_346 = vector.broadcast %slice3A_345 : vector<640x1xf32> to vector<640x32xf32>
    %mul3A_347 = arith.mulf %mul3A_346, %slice3A_11 : vector<640x32xf32>
    %add3A_348 = arith.addf %add3A_344, %mul3A_347 : vector<640x32xf32>
    %get3A_349 = arith.constant 640 : index
    %get3A_350 = arith.constant 0 : index
    %get3A_351 = vector.load %arg2[%get3A_349, %get3A_350] : memref<1056x32xf32, #tpu.memory_space<vmem>>, vector<32x32xf32>
    %dot_general3A_352 = arith.constant dense<0.000000e+00> : vector<640x32xf32>
    %dot_general3A_353 = tpu.matmul %add3A_348, %get3A_351, %dot_general3A_352 {dimension_numbers = #tpu.dot_dimension_numbers<[1], [0], [0], [1], [0, 0, 1, 1], [], []>, transpose_lhs_hint = false} : vector<640x32xf32>, vector<32x32xf32>, vector<640x32xf32> -> vector<640x32xf32>
    %add3A_354 = arith.addf %add3A_337, %dot_general3A_353 : vector<640x32xf32>
    %slice3A_355 = vector.extract_strided_slice %slice3A_9 {offsets = [0, 20], sizes = [640, 1], strides = [1, 1]} : vector<640x32xf32> to vector<640x1xf32>
    %mul3A_356 = vector.broadcast %slice3A_355 : vector<640x1xf32> to vector<640x32xf32>
    %mul3A_357 = arith.mulf %mul3A_356, %slice3A_9 : vector<640x32xf32>
    %slice3A_358 = vector.extract_strided_slice %slice3A_10 {offsets = [0, 20], sizes = [640, 1], strides = [1, 1]} : vector<640x32xf32> to vector<640x1xf32>
    %mul3A_359 = vector.broadcast %slice3A_358 : vector<640x1xf32> to vector<640x32xf32>
    %mul3A_360 = arith.mulf %mul3A_359, %slice3A_10 : vector<640x32xf32>
    %add3A_361 = arith.addf %mul3A_357, %mul3A_360 : vector<640x32xf32>
    %slice3A_362 = vector.extract_strided_slice %slice3A_11 {offsets = [0, 20], sizes = [640, 1], strides = [1, 1]} : vector<640x32xf32> to vector<640x1xf32>
    %mul3A_363 = vector.broadcast %slice3A_362 : vector<640x1xf32> to vector<640x32xf32>
    %mul3A_364 = arith.mulf %mul3A_363, %slice3A_11 : vector<640x32xf32>
    %add3A_365 = arith.addf %add3A_361, %mul3A_364 : vector<640x32xf32>
    %get3A_366 = arith.constant 672 : index
    %get3A_367 = arith.constant 0 : index
    %get3A_368 = vector.load %arg2[%get3A_366, %get3A_367] : memref<1056x32xf32, #tpu.memory_space<vmem>>, vector<32x32xf32>
    %dot_general3A_369 = arith.constant dense<0.000000e+00> : vector<640x32xf32>
    %dot_general3A_370 = tpu.matmul %add3A_365, %get3A_368, %dot_general3A_369 {dimension_numbers = #tpu.dot_dimension_numbers<[1], [0], [0], [1], [0, 0, 1, 1], [], []>, transpose_lhs_hint = false} : vector<640x32xf32>, vector<32x32xf32>, vector<640x32xf32> -> vector<640x32xf32>
    %add3A_371 = arith.addf %add3A_354, %dot_general3A_370 : vector<640x32xf32>
    %slice3A_372 = vector.extract_strided_slice %slice3A_9 {offsets = [0, 21], sizes = [640, 1], strides = [1, 1]} : vector<640x32xf32> to vector<640x1xf32>
    %mul3A_373 = vector.broadcast %slice3A_372 : vector<640x1xf32> to vector<640x32xf32>
    %mul3A_374 = arith.mulf %mul3A_373, %slice3A_9 : vector<640x32xf32>
    %slice3A_375 = vector.extract_strided_slice %slice3A_10 {offsets = [0, 21], sizes = [640, 1], strides = [1, 1]} : vector<640x32xf32> to vector<640x1xf32>
    %mul3A_376 = vector.broadcast %slice3A_375 : vector<640x1xf32> to vector<640x32xf32>
    %mul3A_377 = arith.mulf %mul3A_376, %slice3A_10 : vector<640x32xf32>
    %add3A_378 = arith.addf %mul3A_374, %mul3A_377 : vector<640x32xf32>
    %slice3A_379 = vector.extract_strided_slice %slice3A_11 {offsets = [0, 21], sizes = [640, 1], strides = [1, 1]} : vector<640x32xf32> to vector<640x1xf32>
    %mul3A_380 = vector.broadcast %slice3A_379 : vector<640x1xf32> to vector<640x32xf32>
    %mul3A_381 = arith.mulf %mul3A_380, %slice3A_11 : vector<640x32xf32>
    %add3A_382 = arith.addf %add3A_378, %mul3A_381 : vector<640x32xf32>
    %get3A_383 = arith.constant 704 : index
    %get3A_384 = arith.constant 0 : index
    %get3A_385 = vector.load %arg2[%get3A_383, %get3A_384] : memref<1056x32xf32, #tpu.memory_space<vmem>>, vector<32x32xf32>
    %dot_general3A_386 = arith.constant dense<0.000000e+00> : vector<640x32xf32>
    %dot_general3A_387 = tpu.matmul %add3A_382, %get3A_385, %dot_general3A_386 {dimension_numbers = #tpu.dot_dimension_numbers<[1], [0], [0], [1], [0, 0, 1, 1], [], []>, transpose_lhs_hint = false} : vector<640x32xf32>, vector<32x32xf32>, vector<640x32xf32> -> vector<640x32xf32>
    %add3A_388 = arith.addf %add3A_371, %dot_general3A_387 : vector<640x32xf32>
    %slice3A_389 = vector.extract_strided_slice %slice3A_9 {offsets = [0, 22], sizes = [640, 1], strides = [1, 1]} : vector<640x32xf32> to vector<640x1xf32>
    %mul3A_390 = vector.broadcast %slice3A_389 : vector<640x1xf32> to vector<640x32xf32>
    %mul3A_391 = arith.mulf %mul3A_390, %slice3A_9 : vector<640x32xf32>
    %slice3A_392 = vector.extract_strided_slice %slice3A_10 {offsets = [0, 22], sizes = [640, 1], strides = [1, 1]} : vector<640x32xf32> to vector<640x1xf32>
    %mul3A_393 = vector.broadcast %slice3A_392 : vector<640x1xf32> to vector<640x32xf32>
    %mul3A_394 = arith.mulf %mul3A_393, %slice3A_10 : vector<640x32xf32>
    %add3A_395 = arith.addf %mul3A_391, %mul3A_394 : vector<640x32xf32>
    %slice3A_396 = vector.extract_strided_slice %slice3A_11 {offsets = [0, 22], sizes = [640, 1], strides = [1, 1]} : vector<640x32xf32> to vector<640x1xf32>
    %mul3A_397 = vector.broadcast %slice3A_396 : vector<640x1xf32> to vector<640x32xf32>
    %mul3A_398 = arith.mulf %mul3A_397, %slice3A_11 : vector<640x32xf32>
    %add3A_399 = arith.addf %add3A_395, %mul3A_398 : vector<640x32xf32>
    %get3A_400 = arith.constant 736 : index
    %get3A_401 = arith.constant 0 : index
    %get3A_402 = vector.load %arg2[%get3A_400, %get3A_401] : memref<1056x32xf32, #tpu.memory_space<vmem>>, vector<32x32xf32>
    %dot_general3A_403 = arith.constant dense<0.000000e+00> : vector<640x32xf32>
    %dot_general3A_404 = tpu.matmul %add3A_399, %get3A_402, %dot_general3A_403 {dimension_numbers = #tpu.dot_dimension_numbers<[1], [0], [0], [1], [0, 0, 1, 1], [], []>, transpose_lhs_hint = false} : vector<640x32xf32>, vector<32x32xf32>, vector<640x32xf32> -> vector<640x32xf32>
    %add3A_405 = arith.addf %add3A_388, %dot_general3A_404 : vector<640x32xf32>
    %slice3A_406 = vector.extract_strided_slice %slice3A_9 {offsets = [0, 23], sizes = [640, 1], strides = [1, 1]} : vector<640x32xf32> to vector<640x1xf32>
    %mul3A_407 = vector.broadcast %slice3A_406 : vector<640x1xf32> to vector<640x32xf32>
    %mul3A_408 = arith.mulf %mul3A_407, %slice3A_9 : vector<640x32xf32>
    %slice3A_409 = vector.extract_strided_slice %slice3A_10 {offsets = [0, 23], sizes = [640, 1], strides = [1, 1]} : vector<640x32xf32> to vector<640x1xf32>
    %mul3A_410 = vector.broadcast %slice3A_409 : vector<640x1xf32> to vector<640x32xf32>
    %mul3A_411 = arith.mulf %mul3A_410, %slice3A_10 : vector<640x32xf32>
    %add3A_412 = arith.addf %mul3A_408, %mul3A_411 : vector<640x32xf32>
    %slice3A_413 = vector.extract_strided_slice %slice3A_11 {offsets = [0, 23], sizes = [640, 1], strides = [1, 1]} : vector<640x32xf32> to vector<640x1xf32>
    %mul3A_414 = vector.broadcast %slice3A_413 : vector<640x1xf32> to vector<640x32xf32>
    %mul3A_415 = arith.mulf %mul3A_414, %slice3A_11 : vector<640x32xf32>
    %add3A_416 = arith.addf %add3A_412, %mul3A_415 : vector<640x32xf32>
    %get3A_417 = arith.constant 768 : index
    %get3A_418 = arith.constant 0 : index
    %get3A_419 = vector.load %arg2[%get3A_417, %get3A_418] : memref<1056x32xf32, #tpu.memory_space<vmem>>, vector<32x32xf32>
    %dot_general3A_420 = arith.constant dense<0.000000e+00> : vector<640x32xf32>
    %dot_general3A_421 = tpu.matmul %add3A_416, %get3A_419, %dot_general3A_420 {dimension_numbers = #tpu.dot_dimension_numbers<[1], [0], [0], [1], [0, 0, 1, 1], [], []>, transpose_lhs_hint = false} : vector<640x32xf32>, vector<32x32xf32>, vector<640x32xf32> -> vector<640x32xf32>
    %add3A_422 = arith.addf %add3A_405, %dot_general3A_421 : vector<640x32xf32>
    %slice3A_423 = vector.extract_strided_slice %slice3A_9 {offsets = [0, 24], sizes = [640, 1], strides = [1, 1]} : vector<640x32xf32> to vector<640x1xf32>
    %mul3A_424 = vector.broadcast %slice3A_423 : vector<640x1xf32> to vector<640x32xf32>
    %mul3A_425 = arith.mulf %mul3A_424, %slice3A_9 : vector<640x32xf32>
    %slice3A_426 = vector.extract_strided_slice %slice3A_10 {offsets = [0, 24], sizes = [640, 1], strides = [1, 1]} : vector<640x32xf32> to vector<640x1xf32>
    %mul3A_427 = vector.broadcast %slice3A_426 : vector<640x1xf32> to vector<640x32xf32>
    %mul3A_428 = arith.mulf %mul3A_427, %slice3A_10 : vector<640x32xf32>
    %add3A_429 = arith.addf %mul3A_425, %mul3A_428 : vector<640x32xf32>
    %slice3A_430 = vector.extract_strided_slice %slice3A_11 {offsets = [0, 24], sizes = [640, 1], strides = [1, 1]} : vector<640x32xf32> to vector<640x1xf32>
    %mul3A_431 = vector.broadcast %slice3A_430 : vector<640x1xf32> to vector<640x32xf32>
    %mul3A_432 = arith.mulf %mul3A_431, %slice3A_11 : vector<640x32xf32>
    %add3A_433 = arith.addf %add3A_429, %mul3A_432 : vector<640x32xf32>
    %get3A_434 = arith.constant 800 : index
    %get3A_435 = arith.constant 0 : index
    %get3A_436 = vector.load %arg2[%get3A_434, %get3A_435] : memref<1056x32xf32, #tpu.memory_space<vmem>>, vector<32x32xf32>
    %dot_general3A_437 = arith.constant dense<0.000000e+00> : vector<640x32xf32>
    %dot_general3A_438 = tpu.matmul %add3A_433, %get3A_436, %dot_general3A_437 {dimension_numbers = #tpu.dot_dimension_numbers<[1], [0], [0], [1], [0, 0, 1, 1], [], []>, transpose_lhs_hint = false} : vector<640x32xf32>, vector<32x32xf32>, vector<640x32xf32> -> vector<640x32xf32>
    %add3A_439 = arith.addf %add3A_422, %dot_general3A_438 : vector<640x32xf32>
    %slice3A_440 = vector.extract_strided_slice %slice3A_9 {offsets = [0, 25], sizes = [640, 1], strides = [1, 1]} : vector<640x32xf32> to vector<640x1xf32>
    %mul3A_441 = vector.broadcast %slice3A_440 : vector<640x1xf32> to vector<640x32xf32>
    %mul3A_442 = arith.mulf %mul3A_441, %slice3A_9 : vector<640x32xf32>
    %slice3A_443 = vector.extract_strided_slice %slice3A_10 {offsets = [0, 25], sizes = [640, 1], strides = [1, 1]} : vector<640x32xf32> to vector<640x1xf32>
    %mul3A_444 = vector.broadcast %slice3A_443 : vector<640x1xf32> to vector<640x32xf32>
    %mul3A_445 = arith.mulf %mul3A_444, %slice3A_10 : vector<640x32xf32>
    %add3A_446 = arith.addf %mul3A_442, %mul3A_445 : vector<640x32xf32>
    %slice3A_447 = vector.extract_strided_slice %slice3A_11 {offsets = [0, 25], sizes = [640, 1], strides = [1, 1]} : vector<640x32xf32> to vector<640x1xf32>
    %mul3A_448 = vector.broadcast %slice3A_447 : vector<640x1xf32> to vector<640x32xf32>
    %mul3A_449 = arith.mulf %mul3A_448, %slice3A_11 : vector<640x32xf32>
    %add3A_450 = arith.addf %add3A_446, %mul3A_449 : vector<640x32xf32>
    %get3A_451 = arith.constant 832 : index
    %get3A_452 = arith.constant 0 : index
    %get3A_453 = vector.load %arg2[%get3A_451, %get3A_452] : memref<1056x32xf32, #tpu.memory_space<vmem>>, vector<32x32xf32>
    %dot_general3A_454 = arith.constant dense<0.000000e+00> : vector<640x32xf32>
    %dot_general3A_455 = tpu.matmul %add3A_450, %get3A_453, %dot_general3A_454 {dimension_numbers = #tpu.dot_dimension_numbers<[1], [0], [0], [1], [0, 0, 1, 1], [], []>, transpose_lhs_hint = false} : vector<640x32xf32>, vector<32x32xf32>, vector<640x32xf32> -> vector<640x32xf32>
    %add3A_456 = arith.addf %add3A_439, %dot_general3A_455 : vector<640x32xf32>
    %slice3A_457 = vector.extract_strided_slice %slice3A_9 {offsets = [0, 26], sizes = [640, 1], strides = [1, 1]} : vector<640x32xf32> to vector<640x1xf32>
    %mul3A_458 = vector.broadcast %slice3A_457 : vector<640x1xf32> to vector<640x32xf32>
    %mul3A_459 = arith.mulf %mul3A_458, %slice3A_9 : vector<640x32xf32>
    %slice3A_460 = vector.extract_strided_slice %slice3A_10 {offsets = [0, 26], sizes = [640, 1], strides = [1, 1]} : vector<640x32xf32> to vector<640x1xf32>
    %mul3A_461 = vector.broadcast %slice3A_460 : vector<640x1xf32> to vector<640x32xf32>
    %mul3A_462 = arith.mulf %mul3A_461, %slice3A_10 : vector<640x32xf32>
    %add3A_463 = arith.addf %mul3A_459, %mul3A_462 : vector<640x32xf32>
    %slice3A_464 = vector.extract_strided_slice %slice3A_11 {offsets = [0, 26], sizes = [640, 1], strides = [1, 1]} : vector<640x32xf32> to vector<640x1xf32>
    %mul3A_465 = vector.broadcast %slice3A_464 : vector<640x1xf32> to vector<640x32xf32>
    %mul3A_466 = arith.mulf %mul3A_465, %slice3A_11 : vector<640x32xf32>
    %add3A_467 = arith.addf %add3A_463, %mul3A_466 : vector<640x32xf32>
    %get3A_468 = arith.constant 864 : index
    %get3A_469 = arith.constant 0 : index
    %get3A_470 = vector.load %arg2[%get3A_468, %get3A_469] : memref<1056x32xf32, #tpu.memory_space<vmem>>, vector<32x32xf32>
    %dot_general3A_471 = arith.constant dense<0.000000e+00> : vector<640x32xf32>
    %dot_general3A_472 = tpu.matmul %add3A_467, %get3A_470, %dot_general3A_471 {dimension_numbers = #tpu.dot_dimension_numbers<[1], [0], [0], [1], [0, 0, 1, 1], [], []>, transpose_lhs_hint = false} : vector<640x32xf32>, vector<32x32xf32>, vector<640x32xf32> -> vector<640x32xf32>
    %add3A_473 = arith.addf %add3A_456, %dot_general3A_472 : vector<640x32xf32>
    %slice3A_474 = vector.extract_strided_slice %slice3A_9 {offsets = [0, 27], sizes = [640, 1], strides = [1, 1]} : vector<640x32xf32> to vector<640x1xf32>
    %mul3A_475 = vector.broadcast %slice3A_474 : vector<640x1xf32> to vector<640x32xf32>
    %mul3A_476 = arith.mulf %mul3A_475, %slice3A_9 : vector<640x32xf32>
    %slice3A_477 = vector.extract_strided_slice %slice3A_10 {offsets = [0, 27], sizes = [640, 1], strides = [1, 1]} : vector<640x32xf32> to vector<640x1xf32>
    %mul3A_478 = vector.broadcast %slice3A_477 : vector<640x1xf32> to vector<640x32xf32>
    %mul3A_479 = arith.mulf %mul3A_478, %slice3A_10 : vector<640x32xf32>
    %add3A_480 = arith.addf %mul3A_476, %mul3A_479 : vector<640x32xf32>
    %slice3A_481 = vector.extract_strided_slice %slice3A_11 {offsets = [0, 27], sizes = [640, 1], strides = [1, 1]} : vector<640x32xf32> to vector<640x1xf32>
    %mul3A_482 = vector.broadcast %slice3A_481 : vector<640x1xf32> to vector<640x32xf32>
    %mul3A_483 = arith.mulf %mul3A_482, %slice3A_11 : vector<640x32xf32>
    %add3A_484 = arith.addf %add3A_480, %mul3A_483 : vector<640x32xf32>
    %get3A_485 = arith.constant 896 : index
    %get3A_486 = arith.constant 0 : index
    %get3A_487 = vector.load %arg2[%get3A_485, %get3A_486] : memref<1056x32xf32, #tpu.memory_space<vmem>>, vector<32x32xf32>
    %dot_general3A_488 = arith.constant dense<0.000000e+00> : vector<640x32xf32>
    %dot_general3A_489 = tpu.matmul %add3A_484, %get3A_487, %dot_general3A_488 {dimension_numbers = #tpu.dot_dimension_numbers<[1], [0], [0], [1], [0, 0, 1, 1], [], []>, transpose_lhs_hint = false} : vector<640x32xf32>, vector<32x32xf32>, vector<640x32xf32> -> vector<640x32xf32>
    %add3A_490 = arith.addf %add3A_473, %dot_general3A_489 : vector<640x32xf32>
    %slice3A_491 = vector.extract_strided_slice %slice3A_9 {offsets = [0, 28], sizes = [640, 1], strides = [1, 1]} : vector<640x32xf32> to vector<640x1xf32>
    %mul3A_492 = vector.broadcast %slice3A_491 : vector<640x1xf32> to vector<640x32xf32>
    %mul3A_493 = arith.mulf %mul3A_492, %slice3A_9 : vector<640x32xf32>
    %slice3A_494 = vector.extract_strided_slice %slice3A_10 {offsets = [0, 28], sizes = [640, 1], strides = [1, 1]} : vector<640x32xf32> to vector<640x1xf32>
    %mul3A_495 = vector.broadcast %slice3A_494 : vector<640x1xf32> to vector<640x32xf32>
    %mul3A_496 = arith.mulf %mul3A_495, %slice3A_10 : vector<640x32xf32>
    %add3A_497 = arith.addf %mul3A_493, %mul3A_496 : vector<640x32xf32>
    %slice3A_498 = vector.extract_strided_slice %slice3A_11 {offsets = [0, 28], sizes = [640, 1], strides = [1, 1]} : vector<640x32xf32> to vector<640x1xf32>
    %mul3A_499 = vector.broadcast %slice3A_498 : vector<640x1xf32> to vector<640x32xf32>
    %mul3A_500 = arith.mulf %mul3A_499, %slice3A_11 : vector<640x32xf32>
    %add3A_501 = arith.addf %add3A_497, %mul3A_500 : vector<640x32xf32>
    %get3A_502 = arith.constant 928 : index
    %get3A_503 = arith.constant 0 : index
    %get3A_504 = vector.load %arg2[%get3A_502, %get3A_503] : memref<1056x32xf32, #tpu.memory_space<vmem>>, vector<32x32xf32>
    %dot_general3A_505 = arith.constant dense<0.000000e+00> : vector<640x32xf32>
    %dot_general3A_506 = tpu.matmul %add3A_501, %get3A_504, %dot_general3A_505 {dimension_numbers = #tpu.dot_dimension_numbers<[1], [0], [0], [1], [0, 0, 1, 1], [], []>, transpose_lhs_hint = false} : vector<640x32xf32>, vector<32x32xf32>, vector<640x32xf32> -> vector<640x32xf32>
    %add3A_507 = arith.addf %add3A_490, %dot_general3A_506 : vector<640x32xf32>
    %slice3A_508 = vector.extract_strided_slice %slice3A_9 {offsets = [0, 29], sizes = [640, 1], strides = [1, 1]} : vector<640x32xf32> to vector<640x1xf32>
    %mul3A_509 = vector.broadcast %slice3A_508 : vector<640x1xf32> to vector<640x32xf32>
    %mul3A_510 = arith.mulf %mul3A_509, %slice3A_9 : vector<640x32xf32>
    %slice3A_511 = vector.extract_strided_slice %slice3A_10 {offsets = [0, 29], sizes = [640, 1], strides = [1, 1]} : vector<640x32xf32> to vector<640x1xf32>
    %mul3A_512 = vector.broadcast %slice3A_511 : vector<640x1xf32> to vector<640x32xf32>
    %mul3A_513 = arith.mulf %mul3A_512, %slice3A_10 : vector<640x32xf32>
    %add3A_514 = arith.addf %mul3A_510, %mul3A_513 : vector<640x32xf32>
    %slice3A_515 = vector.extract_strided_slice %slice3A_11 {offsets = [0, 29], sizes = [640, 1], strides = [1, 1]} : vector<640x32xf32> to vector<640x1xf32>
    %mul3A_516 = vector.broadcast %slice3A_515 : vector<640x1xf32> to vector<640x32xf32>
    %mul3A_517 = arith.mulf %mul3A_516, %slice3A_11 : vector<640x32xf32>
    %add3A_518 = arith.addf %add3A_514, %mul3A_517 : vector<640x32xf32>
    %get3A_519 = arith.constant 960 : index
    %get3A_520 = arith.constant 0 : index
    %get3A_521 = vector.load %arg2[%get3A_519, %get3A_520] : memref<1056x32xf32, #tpu.memory_space<vmem>>, vector<32x32xf32>
    %dot_general3A_522 = arith.constant dense<0.000000e+00> : vector<640x32xf32>
    %dot_general3A_523 = tpu.matmul %add3A_518, %get3A_521, %dot_general3A_522 {dimension_numbers = #tpu.dot_dimension_numbers<[1], [0], [0], [1], [0, 0, 1, 1], [], []>, transpose_lhs_hint = false} : vector<640x32xf32>, vector<32x32xf32>, vector<640x32xf32> -> vector<640x32xf32>
    %add3A_524 = arith.addf %add3A_507, %dot_general3A_523 : vector<640x32xf32>
    %slice3A_525 = vector.extract_strided_slice %slice3A_9 {offsets = [0, 30], sizes = [640, 1], strides = [1, 1]} : vector<640x32xf32> to vector<640x1xf32>
    %mul3A_526 = vector.broadcast %slice3A_525 : vector<640x1xf32> to vector<640x32xf32>
    %mul3A_527 = arith.mulf %mul3A_526, %slice3A_9 : vector<640x32xf32>
    %slice3A_528 = vector.extract_strided_slice %slice3A_10 {offsets = [0, 30], sizes = [640, 1], strides = [1, 1]} : vector<640x32xf32> to vector<640x1xf32>
    %mul3A_529 = vector.broadcast %slice3A_528 : vector<640x1xf32> to vector<640x32xf32>
    %mul3A_530 = arith.mulf %mul3A_529, %slice3A_10 : vector<640x32xf32>
    %add3A_531 = arith.addf %mul3A_527, %mul3A_530 : vector<640x32xf32>
    %slice3A_532 = vector.extract_strided_slice %slice3A_11 {offsets = [0, 30], sizes = [640, 1], strides = [1, 1]} : vector<640x32xf32> to vector<640x1xf32>
    %mul3A_533 = vector.broadcast %slice3A_532 : vector<640x1xf32> to vector<640x32xf32>
    %mul3A_534 = arith.mulf %mul3A_533, %slice3A_11 : vector<640x32xf32>
    %add3A_535 = arith.addf %add3A_531, %mul3A_534 : vector<640x32xf32>
    %get3A_536 = arith.constant 992 : index
    %get3A_537 = arith.constant 0 : index
    %get3A_538 = vector.load %arg2[%get3A_536, %get3A_537] : memref<1056x32xf32, #tpu.memory_space<vmem>>, vector<32x32xf32>
    %dot_general3A_539 = arith.constant dense<0.000000e+00> : vector<640x32xf32>
    %dot_general3A_540 = tpu.matmul %add3A_535, %get3A_538, %dot_general3A_539 {dimension_numbers = #tpu.dot_dimension_numbers<[1], [0], [0], [1], [0, 0, 1, 1], [], []>, transpose_lhs_hint = false} : vector<640x32xf32>, vector<32x32xf32>, vector<640x32xf32> -> vector<640x32xf32>
    %add3A_541 = arith.addf %add3A_524, %dot_general3A_540 : vector<640x32xf32>
    %slice3A_542 = vector.extract_strided_slice %slice3A_9 {offsets = [0, 31], sizes = [640, 1], strides = [1, 1]} : vector<640x32xf32> to vector<640x1xf32>
    %mul3A_543 = vector.broadcast %slice3A_542 : vector<640x1xf32> to vector<640x32xf32>
    %mul3A_544 = arith.mulf %mul3A_543, %slice3A_9 : vector<640x32xf32>
    %slice3A_545 = vector.extract_strided_slice %slice3A_10 {offsets = [0, 31], sizes = [640, 1], strides = [1, 1]} : vector<640x32xf32> to vector<640x1xf32>
    %mul3A_546 = vector.broadcast %slice3A_545 : vector<640x1xf32> to vector<640x32xf32>
    %mul3A_547 = arith.mulf %mul3A_546, %slice3A_10 : vector<640x32xf32>
    %add3A_548 = arith.addf %mul3A_544, %mul3A_547 : vector<640x32xf32>
    %slice3A_549 = vector.extract_strided_slice %slice3A_11 {offsets = [0, 31], sizes = [640, 1], strides = [1, 1]} : vector<640x32xf32> to vector<640x1xf32>
    %mul3A_550 = vector.broadcast %slice3A_549 : vector<640x1xf32> to vector<640x32xf32>
    %mul3A_551 = arith.mulf %mul3A_550, %slice3A_11 : vector<640x32xf32>
    %add3A_552 = arith.addf %add3A_548, %mul3A_551 : vector<640x32xf32>
    %get3A_553 = arith.constant 1024 : index
    %get3A_554 = arith.constant 0 : index
    %get3A_555 = vector.load %arg2[%get3A_553, %get3A_554] : memref<1056x32xf32, #tpu.memory_space<vmem>>, vector<32x32xf32>
    %dot_general3A_556 = arith.constant dense<0.000000e+00> : vector<640x32xf32>
    %dot_general3A_557 = tpu.matmul %add3A_552, %get3A_555, %dot_general3A_556 {dimension_numbers = #tpu.dot_dimension_numbers<[1], [0], [0], [1], [0, 0, 1, 1], [], []>, transpose_lhs_hint = false} : vector<640x32xf32>, vector<32x32xf32>, vector<640x32xf32> -> vector<640x32xf32>
    %add3A_558 = arith.addf %add3A_541, %dot_general3A_557 : vector<640x32xf32>
    %broadcast_in_dim3A = arith.constant 0.000000e+00 : f32
    %broadcast_in_dim3A_559 = vector.broadcast %broadcast_in_dim3A : f32 to vector<640x96xf32>
    %concatenate3A = tpu.concatenate %add3A_558, %broadcast_in_dim3A_559 in 1 : vector<640x32xf32>, vector<640x96xf32> -> vector<640x128xf32>
    %swap3A = arith.constant 0 : index
    %swap3A_560 = arith.constant 0 : index
    %swap3A_561 = vector.load %arg3[%swap3A, %swap3A_560] : memref<640x128xf32, #tpu.memory_space<vmem>>, vector<640x128xf32>
    tpu.vector_store %arg3[%swap3A, %swap3A_560], %concatenate3A {strides = array<i32>} : memref<640x128xf32, #tpu.memory_space<vmem>>, vector<640x128xf32>,
    return
  }
  func.func @transform_0(%arg0: i32) -> (i32, i32, i32) {
    %c0_i32 = arith.constant 0 : i32
    %c0_i32_0 = arith.constant 0 : i32
    %c0_i32_1 = arith.constant 0 : i32
    return %c0_i32, %arg0, %c0_i32_0 : i32, i32, i32
  }
  func.func @transform_1(%arg0: i32) -> (i32, i32) {
    %c0_i32 = arith.constant 0 : i32
    %c0_i32_0 = arith.constant 0 : i32
    %c0_i32_1 = arith.constant 0 : i32
    return %c0_i32, %c0_i32_0 : i32, i32
  }
  func.func @transform_2(%arg0: i32) -> (i32, i32) {
    %c0_i32 = arith.constant 0 : i32
    %c0_i32_0 = arith.constant 0 : i32
    return %arg0, %c0_i32 : i32, i32
  }
}

module attributes {stable_mosaic.version = 14 : i64} {
  func.func @_post_out_body(%arg0: i32, %arg1: memref<2x640x128xf32, #tpu.memory_space<vmem>>, %arg2: memref<640x1056xf32, #tpu.memory_space<vmem>>) attributes {dimension_semantics = [#tpu.dimension_semantics<arbitrary>], iteration_bounds = array<i64: 16>, scalar_prefetch = 0 : i64, scratch_operands = 0 : i64, tpu.core_type = #tpu.core_type<tc>, window_params = [{transform_indices = @transform_0, window_bounds = array<i64: 2, 640, 128>}, {transform_indices = @transform_1, window_bounds = array<i64: 640, 1056>}]} {
    %get3A = arith.constant 0 : index
    %get3A_0 = arith.constant 0 : index
    %get3A_1 = arith.constant 0 : index
    %get3A_2 = vector.load %arg1[%get3A, %get3A_0, %get3A_1] : memref<2x640x128xf32, #tpu.memory_space<vmem>>, vector<1x640x128xf32>
    %get3A_3 = vector.shape_cast %get3A_2 : vector<1x640x128xf32> to vector<640x128xf32>
    %get3A_4 = arith.constant 1 : index
    %get3A_5 = arith.constant 0 : index
    %get3A_6 = arith.constant 0 : index
    %get3A_7 = vector.load %arg1[%get3A_4, %get3A_5, %get3A_6] : memref<2x640x128xf32, #tpu.memory_space<vmem>>, vector<1x640x128xf32>
    %get3A_8 = vector.shape_cast %get3A_7 : vector<1x640x128xf32> to vector<640x128xf32>
    %add3A = arith.addf %get3A_3, %get3A_8 : vector<640x128xf32>
    %slice3A = vector.extract_strided_slice %add3A {offsets = [0, 0], sizes = [640, 32], strides = [1, 1]} : vector<640x128xf32> to vector<640x32xf32>
    %slice3A_9 = vector.extract_strided_slice %add3A {offsets = [0, 32], sizes = [640, 32], strides = [1, 1]} : vector<640x128xf32> to vector<640x32xf32>
    %slice3A_10 = vector.extract_strided_slice %add3A {offsets = [0, 64], sizes = [640, 32], strides = [1, 1]} : vector<640x128xf32> to vector<640x32xf32>
    %slice3A_11 = vector.extract_strided_slice %add3A {offsets = [0, 96], sizes = [640, 32], strides = [1, 1]} : vector<640x128xf32> to vector<640x32xf32>
    %swap3A = arith.constant 0 : index
    %swap3A_12 = arith.constant 0 : index
    %swap3A_13 = vector.load %arg2[%swap3A, %swap3A_12] : memref<640x1056xf32, #tpu.memory_space<vmem>>, vector<640x32xf32>
    tpu.vector_store %arg2[%swap3A, %swap3A_12], %slice3A {strides = array<i32>} : memref<640x1056xf32, #tpu.memory_space<vmem>>, vector<640x32xf32>,
    %slice3A_14 = vector.extract_strided_slice %slice3A_9 {offsets = [0, 0], sizes = [640, 1], strides = [1, 1]} : vector<640x32xf32> to vector<640x1xf32>
    %mul3A = vector.broadcast %slice3A_14 : vector<640x1xf32> to vector<640x32xf32>
    %mul3A_15 = arith.mulf %mul3A, %slice3A_9 : vector<640x32xf32>
    %slice3A_16 = vector.extract_strided_slice %slice3A_10 {offsets = [0, 0], sizes = [640, 1], strides = [1, 1]} : vector<640x32xf32> to vector<640x1xf32>
    %mul3A_17 = vector.broadcast %slice3A_16 : vector<640x1xf32> to vector<640x32xf32>
    %mul3A_18 = arith.mulf %mul3A_17, %slice3A_10 : vector<640x32xf32>
    %add3A_19 = arith.addf %mul3A_15, %mul3A_18 : vector<640x32xf32>
    %slice3A_20 = vector.extract_strided_slice %slice3A_11 {offsets = [0, 0], sizes = [640, 1], strides = [1, 1]} : vector<640x32xf32> to vector<640x1xf32>
    %mul3A_21 = vector.broadcast %slice3A_20 : vector<640x1xf32> to vector<640x32xf32>
    %mul3A_22 = arith.mulf %mul3A_21, %slice3A_11 : vector<640x32xf32>
    %add3A_23 = arith.addf %add3A_19, %mul3A_22 : vector<640x32xf32>
    %swap3A_24 = arith.constant 0 : index
    %swap3A_25 = arith.constant 32 : index
    %swap3A_26 = vector.load %arg2[%swap3A_24, %swap3A_25] : memref<640x1056xf32, #tpu.memory_space<vmem>>, vector<640x32xf32>
    tpu.vector_store %arg2[%swap3A_24, %swap3A_25], %add3A_23 {strides = array<i32>} : memref<640x1056xf32, #tpu.memory_space<vmem>>, vector<640x32xf32>,
    %slice3A_27 = vector.extract_strided_slice %slice3A_9 {offsets = [0, 1], sizes = [640, 1], strides = [1, 1]} : vector<640x32xf32> to vector<640x1xf32>
    %mul3A_28 = vector.broadcast %slice3A_27 : vector<640x1xf32> to vector<640x32xf32>
    %mul3A_29 = arith.mulf %mul3A_28, %slice3A_9 : vector<640x32xf32>
    %slice3A_30 = vector.extract_strided_slice %slice3A_10 {offsets = [0, 1], sizes = [640, 1], strides = [1, 1]} : vector<640x32xf32> to vector<640x1xf32>
    %mul3A_31 = vector.broadcast %slice3A_30 : vector<640x1xf32> to vector<640x32xf32>
    %mul3A_32 = arith.mulf %mul3A_31, %slice3A_10 : vector<640x32xf32>
    %add3A_33 = arith.addf %mul3A_29, %mul3A_32 : vector<640x32xf32>
    %slice3A_34 = vector.extract_strided_slice %slice3A_11 {offsets = [0, 1], sizes = [640, 1], strides = [1, 1]} : vector<640x32xf32> to vector<640x1xf32>
    %mul3A_35 = vector.broadcast %slice3A_34 : vector<640x1xf32> to vector<640x32xf32>
    %mul3A_36 = arith.mulf %mul3A_35, %slice3A_11 : vector<640x32xf32>
    %add3A_37 = arith.addf %add3A_33, %mul3A_36 : vector<640x32xf32>
    %swap3A_38 = arith.constant 0 : index
    %swap3A_39 = arith.constant 64 : index
    %swap3A_40 = vector.load %arg2[%swap3A_38, %swap3A_39] : memref<640x1056xf32, #tpu.memory_space<vmem>>, vector<640x32xf32>
    tpu.vector_store %arg2[%swap3A_38, %swap3A_39], %add3A_37 {strides = array<i32>} : memref<640x1056xf32, #tpu.memory_space<vmem>>, vector<640x32xf32>,
    %slice3A_41 = vector.extract_strided_slice %slice3A_9 {offsets = [0, 2], sizes = [640, 1], strides = [1, 1]} : vector<640x32xf32> to vector<640x1xf32>
    %mul3A_42 = vector.broadcast %slice3A_41 : vector<640x1xf32> to vector<640x32xf32>
    %mul3A_43 = arith.mulf %mul3A_42, %slice3A_9 : vector<640x32xf32>
    %slice3A_44 = vector.extract_strided_slice %slice3A_10 {offsets = [0, 2], sizes = [640, 1], strides = [1, 1]} : vector<640x32xf32> to vector<640x1xf32>
    %mul3A_45 = vector.broadcast %slice3A_44 : vector<640x1xf32> to vector<640x32xf32>
    %mul3A_46 = arith.mulf %mul3A_45, %slice3A_10 : vector<640x32xf32>
    %add3A_47 = arith.addf %mul3A_43, %mul3A_46 : vector<640x32xf32>
    %slice3A_48 = vector.extract_strided_slice %slice3A_11 {offsets = [0, 2], sizes = [640, 1], strides = [1, 1]} : vector<640x32xf32> to vector<640x1xf32>
    %mul3A_49 = vector.broadcast %slice3A_48 : vector<640x1xf32> to vector<640x32xf32>
    %mul3A_50 = arith.mulf %mul3A_49, %slice3A_11 : vector<640x32xf32>
    %add3A_51 = arith.addf %add3A_47, %mul3A_50 : vector<640x32xf32>
    %swap3A_52 = arith.constant 0 : index
    %swap3A_53 = arith.constant 96 : index
    %swap3A_54 = vector.load %arg2[%swap3A_52, %swap3A_53] : memref<640x1056xf32, #tpu.memory_space<vmem>>, vector<640x32xf32>
    tpu.vector_store %arg2[%swap3A_52, %swap3A_53], %add3A_51 {strides = array<i32>} : memref<640x1056xf32, #tpu.memory_space<vmem>>, vector<640x32xf32>,
    %slice3A_55 = vector.extract_strided_slice %slice3A_9 {offsets = [0, 3], sizes = [640, 1], strides = [1, 1]} : vector<640x32xf32> to vector<640x1xf32>
    %mul3A_56 = vector.broadcast %slice3A_55 : vector<640x1xf32> to vector<640x32xf32>
    %mul3A_57 = arith.mulf %mul3A_56, %slice3A_9 : vector<640x32xf32>
    %slice3A_58 = vector.extract_strided_slice %slice3A_10 {offsets = [0, 3], sizes = [640, 1], strides = [1, 1]} : vector<640x32xf32> to vector<640x1xf32>
    %mul3A_59 = vector.broadcast %slice3A_58 : vector<640x1xf32> to vector<640x32xf32>
    %mul3A_60 = arith.mulf %mul3A_59, %slice3A_10 : vector<640x32xf32>
    %add3A_61 = arith.addf %mul3A_57, %mul3A_60 : vector<640x32xf32>
    %slice3A_62 = vector.extract_strided_slice %slice3A_11 {offsets = [0, 3], sizes = [640, 1], strides = [1, 1]} : vector<640x32xf32> to vector<640x1xf32>
    %mul3A_63 = vector.broadcast %slice3A_62 : vector<640x1xf32> to vector<640x32xf32>
    %mul3A_64 = arith.mulf %mul3A_63, %slice3A_11 : vector<640x32xf32>
    %add3A_65 = arith.addf %add3A_61, %mul3A_64 : vector<640x32xf32>
    %swap3A_66 = arith.constant 0 : index
    %swap3A_67 = arith.constant 128 : index
    %swap3A_68 = vector.load %arg2[%swap3A_66, %swap3A_67] : memref<640x1056xf32, #tpu.memory_space<vmem>>, vector<640x32xf32>
    tpu.vector_store %arg2[%swap3A_66, %swap3A_67], %add3A_65 {strides = array<i32>} : memref<640x1056xf32, #tpu.memory_space<vmem>>, vector<640x32xf32>,
    %slice3A_69 = vector.extract_strided_slice %slice3A_9 {offsets = [0, 4], sizes = [640, 1], strides = [1, 1]} : vector<640x32xf32> to vector<640x1xf32>
    %mul3A_70 = vector.broadcast %slice3A_69 : vector<640x1xf32> to vector<640x32xf32>
    %mul3A_71 = arith.mulf %mul3A_70, %slice3A_9 : vector<640x32xf32>
    %slice3A_72 = vector.extract_strided_slice %slice3A_10 {offsets = [0, 4], sizes = [640, 1], strides = [1, 1]} : vector<640x32xf32> to vector<640x1xf32>
    %mul3A_73 = vector.broadcast %slice3A_72 : vector<640x1xf32> to vector<640x32xf32>
    %mul3A_74 = arith.mulf %mul3A_73, %slice3A_10 : vector<640x32xf32>
    %add3A_75 = arith.addf %mul3A_71, %mul3A_74 : vector<640x32xf32>
    %slice3A_76 = vector.extract_strided_slice %slice3A_11 {offsets = [0, 4], sizes = [640, 1], strides = [1, 1]} : vector<640x32xf32> to vector<640x1xf32>
    %mul3A_77 = vector.broadcast %slice3A_76 : vector<640x1xf32> to vector<640x32xf32>
    %mul3A_78 = arith.mulf %mul3A_77, %slice3A_11 : vector<640x32xf32>
    %add3A_79 = arith.addf %add3A_75, %mul3A_78 : vector<640x32xf32>
    %swap3A_80 = arith.constant 0 : index
    %swap3A_81 = arith.constant 160 : index
    %swap3A_82 = vector.load %arg2[%swap3A_80, %swap3A_81] : memref<640x1056xf32, #tpu.memory_space<vmem>>, vector<640x32xf32>
    tpu.vector_store %arg2[%swap3A_80, %swap3A_81], %add3A_79 {strides = array<i32>} : memref<640x1056xf32, #tpu.memory_space<vmem>>, vector<640x32xf32>,
    %slice3A_83 = vector.extract_strided_slice %slice3A_9 {offsets = [0, 5], sizes = [640, 1], strides = [1, 1]} : vector<640x32xf32> to vector<640x1xf32>
    %mul3A_84 = vector.broadcast %slice3A_83 : vector<640x1xf32> to vector<640x32xf32>
    %mul3A_85 = arith.mulf %mul3A_84, %slice3A_9 : vector<640x32xf32>
    %slice3A_86 = vector.extract_strided_slice %slice3A_10 {offsets = [0, 5], sizes = [640, 1], strides = [1, 1]} : vector<640x32xf32> to vector<640x1xf32>
    %mul3A_87 = vector.broadcast %slice3A_86 : vector<640x1xf32> to vector<640x32xf32>
    %mul3A_88 = arith.mulf %mul3A_87, %slice3A_10 : vector<640x32xf32>
    %add3A_89 = arith.addf %mul3A_85, %mul3A_88 : vector<640x32xf32>
    %slice3A_90 = vector.extract_strided_slice %slice3A_11 {offsets = [0, 5], sizes = [640, 1], strides = [1, 1]} : vector<640x32xf32> to vector<640x1xf32>
    %mul3A_91 = vector.broadcast %slice3A_90 : vector<640x1xf32> to vector<640x32xf32>
    %mul3A_92 = arith.mulf %mul3A_91, %slice3A_11 : vector<640x32xf32>
    %add3A_93 = arith.addf %add3A_89, %mul3A_92 : vector<640x32xf32>
    %swap3A_94 = arith.constant 0 : index
    %swap3A_95 = arith.constant 192 : index
    %swap3A_96 = vector.load %arg2[%swap3A_94, %swap3A_95] : memref<640x1056xf32, #tpu.memory_space<vmem>>, vector<640x32xf32>
    tpu.vector_store %arg2[%swap3A_94, %swap3A_95], %add3A_93 {strides = array<i32>} : memref<640x1056xf32, #tpu.memory_space<vmem>>, vector<640x32xf32>,
    %slice3A_97 = vector.extract_strided_slice %slice3A_9 {offsets = [0, 6], sizes = [640, 1], strides = [1, 1]} : vector<640x32xf32> to vector<640x1xf32>
    %mul3A_98 = vector.broadcast %slice3A_97 : vector<640x1xf32> to vector<640x32xf32>
    %mul3A_99 = arith.mulf %mul3A_98, %slice3A_9 : vector<640x32xf32>
    %slice3A_100 = vector.extract_strided_slice %slice3A_10 {offsets = [0, 6], sizes = [640, 1], strides = [1, 1]} : vector<640x32xf32> to vector<640x1xf32>
    %mul3A_101 = vector.broadcast %slice3A_100 : vector<640x1xf32> to vector<640x32xf32>
    %mul3A_102 = arith.mulf %mul3A_101, %slice3A_10 : vector<640x32xf32>
    %add3A_103 = arith.addf %mul3A_99, %mul3A_102 : vector<640x32xf32>
    %slice3A_104 = vector.extract_strided_slice %slice3A_11 {offsets = [0, 6], sizes = [640, 1], strides = [1, 1]} : vector<640x32xf32> to vector<640x1xf32>
    %mul3A_105 = vector.broadcast %slice3A_104 : vector<640x1xf32> to vector<640x32xf32>
    %mul3A_106 = arith.mulf %mul3A_105, %slice3A_11 : vector<640x32xf32>
    %add3A_107 = arith.addf %add3A_103, %mul3A_106 : vector<640x32xf32>
    %swap3A_108 = arith.constant 0 : index
    %swap3A_109 = arith.constant 224 : index
    %swap3A_110 = vector.load %arg2[%swap3A_108, %swap3A_109] : memref<640x1056xf32, #tpu.memory_space<vmem>>, vector<640x32xf32>
    tpu.vector_store %arg2[%swap3A_108, %swap3A_109], %add3A_107 {strides = array<i32>} : memref<640x1056xf32, #tpu.memory_space<vmem>>, vector<640x32xf32>,
    %slice3A_111 = vector.extract_strided_slice %slice3A_9 {offsets = [0, 7], sizes = [640, 1], strides = [1, 1]} : vector<640x32xf32> to vector<640x1xf32>
    %mul3A_112 = vector.broadcast %slice3A_111 : vector<640x1xf32> to vector<640x32xf32>
    %mul3A_113 = arith.mulf %mul3A_112, %slice3A_9 : vector<640x32xf32>
    %slice3A_114 = vector.extract_strided_slice %slice3A_10 {offsets = [0, 7], sizes = [640, 1], strides = [1, 1]} : vector<640x32xf32> to vector<640x1xf32>
    %mul3A_115 = vector.broadcast %slice3A_114 : vector<640x1xf32> to vector<640x32xf32>
    %mul3A_116 = arith.mulf %mul3A_115, %slice3A_10 : vector<640x32xf32>
    %add3A_117 = arith.addf %mul3A_113, %mul3A_116 : vector<640x32xf32>
    %slice3A_118 = vector.extract_strided_slice %slice3A_11 {offsets = [0, 7], sizes = [640, 1], strides = [1, 1]} : vector<640x32xf32> to vector<640x1xf32>
    %mul3A_119 = vector.broadcast %slice3A_118 : vector<640x1xf32> to vector<640x32xf32>
    %mul3A_120 = arith.mulf %mul3A_119, %slice3A_11 : vector<640x32xf32>
    %add3A_121 = arith.addf %add3A_117, %mul3A_120 : vector<640x32xf32>
    %swap3A_122 = arith.constant 0 : index
    %swap3A_123 = arith.constant 256 : index
    %swap3A_124 = vector.load %arg2[%swap3A_122, %swap3A_123] : memref<640x1056xf32, #tpu.memory_space<vmem>>, vector<640x32xf32>
    tpu.vector_store %arg2[%swap3A_122, %swap3A_123], %add3A_121 {strides = array<i32>} : memref<640x1056xf32, #tpu.memory_space<vmem>>, vector<640x32xf32>,
    %slice3A_125 = vector.extract_strided_slice %slice3A_9 {offsets = [0, 8], sizes = [640, 1], strides = [1, 1]} : vector<640x32xf32> to vector<640x1xf32>
    %mul3A_126 = vector.broadcast %slice3A_125 : vector<640x1xf32> to vector<640x32xf32>
    %mul3A_127 = arith.mulf %mul3A_126, %slice3A_9 : vector<640x32xf32>
    %slice3A_128 = vector.extract_strided_slice %slice3A_10 {offsets = [0, 8], sizes = [640, 1], strides = [1, 1]} : vector<640x32xf32> to vector<640x1xf32>
    %mul3A_129 = vector.broadcast %slice3A_128 : vector<640x1xf32> to vector<640x32xf32>
    %mul3A_130 = arith.mulf %mul3A_129, %slice3A_10 : vector<640x32xf32>
    %add3A_131 = arith.addf %mul3A_127, %mul3A_130 : vector<640x32xf32>
    %slice3A_132 = vector.extract_strided_slice %slice3A_11 {offsets = [0, 8], sizes = [640, 1], strides = [1, 1]} : vector<640x32xf32> to vector<640x1xf32>
    %mul3A_133 = vector.broadcast %slice3A_132 : vector<640x1xf32> to vector<640x32xf32>
    %mul3A_134 = arith.mulf %mul3A_133, %slice3A_11 : vector<640x32xf32>
    %add3A_135 = arith.addf %add3A_131, %mul3A_134 : vector<640x32xf32>
    %swap3A_136 = arith.constant 0 : index
    %swap3A_137 = arith.constant 288 : index
    %swap3A_138 = vector.load %arg2[%swap3A_136, %swap3A_137] : memref<640x1056xf32, #tpu.memory_space<vmem>>, vector<640x32xf32>
    tpu.vector_store %arg2[%swap3A_136, %swap3A_137], %add3A_135 {strides = array<i32>} : memref<640x1056xf32, #tpu.memory_space<vmem>>, vector<640x32xf32>,
    %slice3A_139 = vector.extract_strided_slice %slice3A_9 {offsets = [0, 9], sizes = [640, 1], strides = [1, 1]} : vector<640x32xf32> to vector<640x1xf32>
    %mul3A_140 = vector.broadcast %slice3A_139 : vector<640x1xf32> to vector<640x32xf32>
    %mul3A_141 = arith.mulf %mul3A_140, %slice3A_9 : vector<640x32xf32>
    %slice3A_142 = vector.extract_strided_slice %slice3A_10 {offsets = [0, 9], sizes = [640, 1], strides = [1, 1]} : vector<640x32xf32> to vector<640x1xf32>
    %mul3A_143 = vector.broadcast %slice3A_142 : vector<640x1xf32> to vector<640x32xf32>
    %mul3A_144 = arith.mulf %mul3A_143, %slice3A_10 : vector<640x32xf32>
    %add3A_145 = arith.addf %mul3A_141, %mul3A_144 : vector<640x32xf32>
    %slice3A_146 = vector.extract_strided_slice %slice3A_11 {offsets = [0, 9], sizes = [640, 1], strides = [1, 1]} : vector<640x32xf32> to vector<640x1xf32>
    %mul3A_147 = vector.broadcast %slice3A_146 : vector<640x1xf32> to vector<640x32xf32>
    %mul3A_148 = arith.mulf %mul3A_147, %slice3A_11 : vector<640x32xf32>
    %add3A_149 = arith.addf %add3A_145, %mul3A_148 : vector<640x32xf32>
    %swap3A_150 = arith.constant 0 : index
    %swap3A_151 = arith.constant 320 : index
    %swap3A_152 = vector.load %arg2[%swap3A_150, %swap3A_151] : memref<640x1056xf32, #tpu.memory_space<vmem>>, vector<640x32xf32>
    tpu.vector_store %arg2[%swap3A_150, %swap3A_151], %add3A_149 {strides = array<i32>} : memref<640x1056xf32, #tpu.memory_space<vmem>>, vector<640x32xf32>,
    %slice3A_153 = vector.extract_strided_slice %slice3A_9 {offsets = [0, 10], sizes = [640, 1], strides = [1, 1]} : vector<640x32xf32> to vector<640x1xf32>
    %mul3A_154 = vector.broadcast %slice3A_153 : vector<640x1xf32> to vector<640x32xf32>
    %mul3A_155 = arith.mulf %mul3A_154, %slice3A_9 : vector<640x32xf32>
    %slice3A_156 = vector.extract_strided_slice %slice3A_10 {offsets = [0, 10], sizes = [640, 1], strides = [1, 1]} : vector<640x32xf32> to vector<640x1xf32>
    %mul3A_157 = vector.broadcast %slice3A_156 : vector<640x1xf32> to vector<640x32xf32>
    %mul3A_158 = arith.mulf %mul3A_157, %slice3A_10 : vector<640x32xf32>
    %add3A_159 = arith.addf %mul3A_155, %mul3A_158 : vector<640x32xf32>
    %slice3A_160 = vector.extract_strided_slice %slice3A_11 {offsets = [0, 10], sizes = [640, 1], strides = [1, 1]} : vector<640x32xf32> to vector<640x1xf32>
    %mul3A_161 = vector.broadcast %slice3A_160 : vector<640x1xf32> to vector<640x32xf32>
    %mul3A_162 = arith.mulf %mul3A_161, %slice3A_11 : vector<640x32xf32>
    %add3A_163 = arith.addf %add3A_159, %mul3A_162 : vector<640x32xf32>
    %swap3A_164 = arith.constant 0 : index
    %swap3A_165 = arith.constant 352 : index
    %swap3A_166 = vector.load %arg2[%swap3A_164, %swap3A_165] : memref<640x1056xf32, #tpu.memory_space<vmem>>, vector<640x32xf32>
    tpu.vector_store %arg2[%swap3A_164, %swap3A_165], %add3A_163 {strides = array<i32>} : memref<640x1056xf32, #tpu.memory_space<vmem>>, vector<640x32xf32>,
    %slice3A_167 = vector.extract_strided_slice %slice3A_9 {offsets = [0, 11], sizes = [640, 1], strides = [1, 1]} : vector<640x32xf32> to vector<640x1xf32>
    %mul3A_168 = vector.broadcast %slice3A_167 : vector<640x1xf32> to vector<640x32xf32>
    %mul3A_169 = arith.mulf %mul3A_168, %slice3A_9 : vector<640x32xf32>
    %slice3A_170 = vector.extract_strided_slice %slice3A_10 {offsets = [0, 11], sizes = [640, 1], strides = [1, 1]} : vector<640x32xf32> to vector<640x1xf32>
    %mul3A_171 = vector.broadcast %slice3A_170 : vector<640x1xf32> to vector<640x32xf32>
    %mul3A_172 = arith.mulf %mul3A_171, %slice3A_10 : vector<640x32xf32>
    %add3A_173 = arith.addf %mul3A_169, %mul3A_172 : vector<640x32xf32>
    %slice3A_174 = vector.extract_strided_slice %slice3A_11 {offsets = [0, 11], sizes = [640, 1], strides = [1, 1]} : vector<640x32xf32> to vector<640x1xf32>
    %mul3A_175 = vector.broadcast %slice3A_174 : vector<640x1xf32> to vector<640x32xf32>
    %mul3A_176 = arith.mulf %mul3A_175, %slice3A_11 : vector<640x32xf32>
    %add3A_177 = arith.addf %add3A_173, %mul3A_176 : vector<640x32xf32>
    %swap3A_178 = arith.constant 0 : index
    %swap3A_179 = arith.constant 384 : index
    %swap3A_180 = vector.load %arg2[%swap3A_178, %swap3A_179] : memref<640x1056xf32, #tpu.memory_space<vmem>>, vector<640x32xf32>
    tpu.vector_store %arg2[%swap3A_178, %swap3A_179], %add3A_177 {strides = array<i32>} : memref<640x1056xf32, #tpu.memory_space<vmem>>, vector<640x32xf32>,
    %slice3A_181 = vector.extract_strided_slice %slice3A_9 {offsets = [0, 12], sizes = [640, 1], strides = [1, 1]} : vector<640x32xf32> to vector<640x1xf32>
    %mul3A_182 = vector.broadcast %slice3A_181 : vector<640x1xf32> to vector<640x32xf32>
    %mul3A_183 = arith.mulf %mul3A_182, %slice3A_9 : vector<640x32xf32>
    %slice3A_184 = vector.extract_strided_slice %slice3A_10 {offsets = [0, 12], sizes = [640, 1], strides = [1, 1]} : vector<640x32xf32> to vector<640x1xf32>
    %mul3A_185 = vector.broadcast %slice3A_184 : vector<640x1xf32> to vector<640x32xf32>
    %mul3A_186 = arith.mulf %mul3A_185, %slice3A_10 : vector<640x32xf32>
    %add3A_187 = arith.addf %mul3A_183, %mul3A_186 : vector<640x32xf32>
    %slice3A_188 = vector.extract_strided_slice %slice3A_11 {offsets = [0, 12], sizes = [640, 1], strides = [1, 1]} : vector<640x32xf32> to vector<640x1xf32>
    %mul3A_189 = vector.broadcast %slice3A_188 : vector<640x1xf32> to vector<640x32xf32>
    %mul3A_190 = arith.mulf %mul3A_189, %slice3A_11 : vector<640x32xf32>
    %add3A_191 = arith.addf %add3A_187, %mul3A_190 : vector<640x32xf32>
    %swap3A_192 = arith.constant 0 : index
    %swap3A_193 = arith.constant 416 : index
    %swap3A_194 = vector.load %arg2[%swap3A_192, %swap3A_193] : memref<640x1056xf32, #tpu.memory_space<vmem>>, vector<640x32xf32>
    tpu.vector_store %arg2[%swap3A_192, %swap3A_193], %add3A_191 {strides = array<i32>} : memref<640x1056xf32, #tpu.memory_space<vmem>>, vector<640x32xf32>,
    %slice3A_195 = vector.extract_strided_slice %slice3A_9 {offsets = [0, 13], sizes = [640, 1], strides = [1, 1]} : vector<640x32xf32> to vector<640x1xf32>
    %mul3A_196 = vector.broadcast %slice3A_195 : vector<640x1xf32> to vector<640x32xf32>
    %mul3A_197 = arith.mulf %mul3A_196, %slice3A_9 : vector<640x32xf32>
    %slice3A_198 = vector.extract_strided_slice %slice3A_10 {offsets = [0, 13], sizes = [640, 1], strides = [1, 1]} : vector<640x32xf32> to vector<640x1xf32>
    %mul3A_199 = vector.broadcast %slice3A_198 : vector<640x1xf32> to vector<640x32xf32>
    %mul3A_200 = arith.mulf %mul3A_199, %slice3A_10 : vector<640x32xf32>
    %add3A_201 = arith.addf %mul3A_197, %mul3A_200 : vector<640x32xf32>
    %slice3A_202 = vector.extract_strided_slice %slice3A_11 {offsets = [0, 13], sizes = [640, 1], strides = [1, 1]} : vector<640x32xf32> to vector<640x1xf32>
    %mul3A_203 = vector.broadcast %slice3A_202 : vector<640x1xf32> to vector<640x32xf32>
    %mul3A_204 = arith.mulf %mul3A_203, %slice3A_11 : vector<640x32xf32>
    %add3A_205 = arith.addf %add3A_201, %mul3A_204 : vector<640x32xf32>
    %swap3A_206 = arith.constant 0 : index
    %swap3A_207 = arith.constant 448 : index
    %swap3A_208 = vector.load %arg2[%swap3A_206, %swap3A_207] : memref<640x1056xf32, #tpu.memory_space<vmem>>, vector<640x32xf32>
    tpu.vector_store %arg2[%swap3A_206, %swap3A_207], %add3A_205 {strides = array<i32>} : memref<640x1056xf32, #tpu.memory_space<vmem>>, vector<640x32xf32>,
    %slice3A_209 = vector.extract_strided_slice %slice3A_9 {offsets = [0, 14], sizes = [640, 1], strides = [1, 1]} : vector<640x32xf32> to vector<640x1xf32>
    %mul3A_210 = vector.broadcast %slice3A_209 : vector<640x1xf32> to vector<640x32xf32>
    %mul3A_211 = arith.mulf %mul3A_210, %slice3A_9 : vector<640x32xf32>
    %slice3A_212 = vector.extract_strided_slice %slice3A_10 {offsets = [0, 14], sizes = [640, 1], strides = [1, 1]} : vector<640x32xf32> to vector<640x1xf32>
    %mul3A_213 = vector.broadcast %slice3A_212 : vector<640x1xf32> to vector<640x32xf32>
    %mul3A_214 = arith.mulf %mul3A_213, %slice3A_10 : vector<640x32xf32>
    %add3A_215 = arith.addf %mul3A_211, %mul3A_214 : vector<640x32xf32>
    %slice3A_216 = vector.extract_strided_slice %slice3A_11 {offsets = [0, 14], sizes = [640, 1], strides = [1, 1]} : vector<640x32xf32> to vector<640x1xf32>
    %mul3A_217 = vector.broadcast %slice3A_216 : vector<640x1xf32> to vector<640x32xf32>
    %mul3A_218 = arith.mulf %mul3A_217, %slice3A_11 : vector<640x32xf32>
    %add3A_219 = arith.addf %add3A_215, %mul3A_218 : vector<640x32xf32>
    %swap3A_220 = arith.constant 0 : index
    %swap3A_221 = arith.constant 480 : index
    %swap3A_222 = vector.load %arg2[%swap3A_220, %swap3A_221] : memref<640x1056xf32, #tpu.memory_space<vmem>>, vector<640x32xf32>
    tpu.vector_store %arg2[%swap3A_220, %swap3A_221], %add3A_219 {strides = array<i32>} : memref<640x1056xf32, #tpu.memory_space<vmem>>, vector<640x32xf32>,
    %slice3A_223 = vector.extract_strided_slice %slice3A_9 {offsets = [0, 15], sizes = [640, 1], strides = [1, 1]} : vector<640x32xf32> to vector<640x1xf32>
    %mul3A_224 = vector.broadcast %slice3A_223 : vector<640x1xf32> to vector<640x32xf32>
    %mul3A_225 = arith.mulf %mul3A_224, %slice3A_9 : vector<640x32xf32>
    %slice3A_226 = vector.extract_strided_slice %slice3A_10 {offsets = [0, 15], sizes = [640, 1], strides = [1, 1]} : vector<640x32xf32> to vector<640x1xf32>
    %mul3A_227 = vector.broadcast %slice3A_226 : vector<640x1xf32> to vector<640x32xf32>
    %mul3A_228 = arith.mulf %mul3A_227, %slice3A_10 : vector<640x32xf32>
    %add3A_229 = arith.addf %mul3A_225, %mul3A_228 : vector<640x32xf32>
    %slice3A_230 = vector.extract_strided_slice %slice3A_11 {offsets = [0, 15], sizes = [640, 1], strides = [1, 1]} : vector<640x32xf32> to vector<640x1xf32>
    %mul3A_231 = vector.broadcast %slice3A_230 : vector<640x1xf32> to vector<640x32xf32>
    %mul3A_232 = arith.mulf %mul3A_231, %slice3A_11 : vector<640x32xf32>
    %add3A_233 = arith.addf %add3A_229, %mul3A_232 : vector<640x32xf32>
    %swap3A_234 = arith.constant 0 : index
    %swap3A_235 = arith.constant 512 : index
    %swap3A_236 = vector.load %arg2[%swap3A_234, %swap3A_235] : memref<640x1056xf32, #tpu.memory_space<vmem>>, vector<640x32xf32>
    tpu.vector_store %arg2[%swap3A_234, %swap3A_235], %add3A_233 {strides = array<i32>} : memref<640x1056xf32, #tpu.memory_space<vmem>>, vector<640x32xf32>,
    %slice3A_237 = vector.extract_strided_slice %slice3A_9 {offsets = [0, 16], sizes = [640, 1], strides = [1, 1]} : vector<640x32xf32> to vector<640x1xf32>
    %mul3A_238 = vector.broadcast %slice3A_237 : vector<640x1xf32> to vector<640x32xf32>
    %mul3A_239 = arith.mulf %mul3A_238, %slice3A_9 : vector<640x32xf32>
    %slice3A_240 = vector.extract_strided_slice %slice3A_10 {offsets = [0, 16], sizes = [640, 1], strides = [1, 1]} : vector<640x32xf32> to vector<640x1xf32>
    %mul3A_241 = vector.broadcast %slice3A_240 : vector<640x1xf32> to vector<640x32xf32>
    %mul3A_242 = arith.mulf %mul3A_241, %slice3A_10 : vector<640x32xf32>
    %add3A_243 = arith.addf %mul3A_239, %mul3A_242 : vector<640x32xf32>
    %slice3A_244 = vector.extract_strided_slice %slice3A_11 {offsets = [0, 16], sizes = [640, 1], strides = [1, 1]} : vector<640x32xf32> to vector<640x1xf32>
    %mul3A_245 = vector.broadcast %slice3A_244 : vector<640x1xf32> to vector<640x32xf32>
    %mul3A_246 = arith.mulf %mul3A_245, %slice3A_11 : vector<640x32xf32>
    %add3A_247 = arith.addf %add3A_243, %mul3A_246 : vector<640x32xf32>
    %swap3A_248 = arith.constant 0 : index
    %swap3A_249 = arith.constant 544 : index
    %swap3A_250 = vector.load %arg2[%swap3A_248, %swap3A_249] : memref<640x1056xf32, #tpu.memory_space<vmem>>, vector<640x32xf32>
    tpu.vector_store %arg2[%swap3A_248, %swap3A_249], %add3A_247 {strides = array<i32>} : memref<640x1056xf32, #tpu.memory_space<vmem>>, vector<640x32xf32>,
    %slice3A_251 = vector.extract_strided_slice %slice3A_9 {offsets = [0, 17], sizes = [640, 1], strides = [1, 1]} : vector<640x32xf32> to vector<640x1xf32>
    %mul3A_252 = vector.broadcast %slice3A_251 : vector<640x1xf32> to vector<640x32xf32>
    %mul3A_253 = arith.mulf %mul3A_252, %slice3A_9 : vector<640x32xf32>
    %slice3A_254 = vector.extract_strided_slice %slice3A_10 {offsets = [0, 17], sizes = [640, 1], strides = [1, 1]} : vector<640x32xf32> to vector<640x1xf32>
    %mul3A_255 = vector.broadcast %slice3A_254 : vector<640x1xf32> to vector<640x32xf32>
    %mul3A_256 = arith.mulf %mul3A_255, %slice3A_10 : vector<640x32xf32>
    %add3A_257 = arith.addf %mul3A_253, %mul3A_256 : vector<640x32xf32>
    %slice3A_258 = vector.extract_strided_slice %slice3A_11 {offsets = [0, 17], sizes = [640, 1], strides = [1, 1]} : vector<640x32xf32> to vector<640x1xf32>
    %mul3A_259 = vector.broadcast %slice3A_258 : vector<640x1xf32> to vector<640x32xf32>
    %mul3A_260 = arith.mulf %mul3A_259, %slice3A_11 : vector<640x32xf32>
    %add3A_261 = arith.addf %add3A_257, %mul3A_260 : vector<640x32xf32>
    %swap3A_262 = arith.constant 0 : index
    %swap3A_263 = arith.constant 576 : index
    %swap3A_264 = vector.load %arg2[%swap3A_262, %swap3A_263] : memref<640x1056xf32, #tpu.memory_space<vmem>>, vector<640x32xf32>
    tpu.vector_store %arg2[%swap3A_262, %swap3A_263], %add3A_261 {strides = array<i32>} : memref<640x1056xf32, #tpu.memory_space<vmem>>, vector<640x32xf32>,
    %slice3A_265 = vector.extract_strided_slice %slice3A_9 {offsets = [0, 18], sizes = [640, 1], strides = [1, 1]} : vector<640x32xf32> to vector<640x1xf32>
    %mul3A_266 = vector.broadcast %slice3A_265 : vector<640x1xf32> to vector<640x32xf32>
    %mul3A_267 = arith.mulf %mul3A_266, %slice3A_9 : vector<640x32xf32>
    %slice3A_268 = vector.extract_strided_slice %slice3A_10 {offsets = [0, 18], sizes = [640, 1], strides = [1, 1]} : vector<640x32xf32> to vector<640x1xf32>
    %mul3A_269 = vector.broadcast %slice3A_268 : vector<640x1xf32> to vector<640x32xf32>
    %mul3A_270 = arith.mulf %mul3A_269, %slice3A_10 : vector<640x32xf32>
    %add3A_271 = arith.addf %mul3A_267, %mul3A_270 : vector<640x32xf32>
    %slice3A_272 = vector.extract_strided_slice %slice3A_11 {offsets = [0, 18], sizes = [640, 1], strides = [1, 1]} : vector<640x32xf32> to vector<640x1xf32>
    %mul3A_273 = vector.broadcast %slice3A_272 : vector<640x1xf32> to vector<640x32xf32>
    %mul3A_274 = arith.mulf %mul3A_273, %slice3A_11 : vector<640x32xf32>
    %add3A_275 = arith.addf %add3A_271, %mul3A_274 : vector<640x32xf32>
    %swap3A_276 = arith.constant 0 : index
    %swap3A_277 = arith.constant 608 : index
    %swap3A_278 = vector.load %arg2[%swap3A_276, %swap3A_277] : memref<640x1056xf32, #tpu.memory_space<vmem>>, vector<640x32xf32>
    tpu.vector_store %arg2[%swap3A_276, %swap3A_277], %add3A_275 {strides = array<i32>} : memref<640x1056xf32, #tpu.memory_space<vmem>>, vector<640x32xf32>,
    %slice3A_279 = vector.extract_strided_slice %slice3A_9 {offsets = [0, 19], sizes = [640, 1], strides = [1, 1]} : vector<640x32xf32> to vector<640x1xf32>
    %mul3A_280 = vector.broadcast %slice3A_279 : vector<640x1xf32> to vector<640x32xf32>
    %mul3A_281 = arith.mulf %mul3A_280, %slice3A_9 : vector<640x32xf32>
    %slice3A_282 = vector.extract_strided_slice %slice3A_10 {offsets = [0, 19], sizes = [640, 1], strides = [1, 1]} : vector<640x32xf32> to vector<640x1xf32>
    %mul3A_283 = vector.broadcast %slice3A_282 : vector<640x1xf32> to vector<640x32xf32>
    %mul3A_284 = arith.mulf %mul3A_283, %slice3A_10 : vector<640x32xf32>
    %add3A_285 = arith.addf %mul3A_281, %mul3A_284 : vector<640x32xf32>
    %slice3A_286 = vector.extract_strided_slice %slice3A_11 {offsets = [0, 19], sizes = [640, 1], strides = [1, 1]} : vector<640x32xf32> to vector<640x1xf32>
    %mul3A_287 = vector.broadcast %slice3A_286 : vector<640x1xf32> to vector<640x32xf32>
    %mul3A_288 = arith.mulf %mul3A_287, %slice3A_11 : vector<640x32xf32>
    %add3A_289 = arith.addf %add3A_285, %mul3A_288 : vector<640x32xf32>
    %swap3A_290 = arith.constant 0 : index
    %swap3A_291 = arith.constant 640 : index
    %swap3A_292 = vector.load %arg2[%swap3A_290, %swap3A_291] : memref<640x1056xf32, #tpu.memory_space<vmem>>, vector<640x32xf32>
    tpu.vector_store %arg2[%swap3A_290, %swap3A_291], %add3A_289 {strides = array<i32>} : memref<640x1056xf32, #tpu.memory_space<vmem>>, vector<640x32xf32>,
    %slice3A_293 = vector.extract_strided_slice %slice3A_9 {offsets = [0, 20], sizes = [640, 1], strides = [1, 1]} : vector<640x32xf32> to vector<640x1xf32>
    %mul3A_294 = vector.broadcast %slice3A_293 : vector<640x1xf32> to vector<640x32xf32>
    %mul3A_295 = arith.mulf %mul3A_294, %slice3A_9 : vector<640x32xf32>
    %slice3A_296 = vector.extract_strided_slice %slice3A_10 {offsets = [0, 20], sizes = [640, 1], strides = [1, 1]} : vector<640x32xf32> to vector<640x1xf32>
    %mul3A_297 = vector.broadcast %slice3A_296 : vector<640x1xf32> to vector<640x32xf32>
    %mul3A_298 = arith.mulf %mul3A_297, %slice3A_10 : vector<640x32xf32>
    %add3A_299 = arith.addf %mul3A_295, %mul3A_298 : vector<640x32xf32>
    %slice3A_300 = vector.extract_strided_slice %slice3A_11 {offsets = [0, 20], sizes = [640, 1], strides = [1, 1]} : vector<640x32xf32> to vector<640x1xf32>
    %mul3A_301 = vector.broadcast %slice3A_300 : vector<640x1xf32> to vector<640x32xf32>
    %mul3A_302 = arith.mulf %mul3A_301, %slice3A_11 : vector<640x32xf32>
    %add3A_303 = arith.addf %add3A_299, %mul3A_302 : vector<640x32xf32>
    %swap3A_304 = arith.constant 0 : index
    %swap3A_305 = arith.constant 672 : index
    %swap3A_306 = vector.load %arg2[%swap3A_304, %swap3A_305] : memref<640x1056xf32, #tpu.memory_space<vmem>>, vector<640x32xf32>
    tpu.vector_store %arg2[%swap3A_304, %swap3A_305], %add3A_303 {strides = array<i32>} : memref<640x1056xf32, #tpu.memory_space<vmem>>, vector<640x32xf32>,
    %slice3A_307 = vector.extract_strided_slice %slice3A_9 {offsets = [0, 21], sizes = [640, 1], strides = [1, 1]} : vector<640x32xf32> to vector<640x1xf32>
    %mul3A_308 = vector.broadcast %slice3A_307 : vector<640x1xf32> to vector<640x32xf32>
    %mul3A_309 = arith.mulf %mul3A_308, %slice3A_9 : vector<640x32xf32>
    %slice3A_310 = vector.extract_strided_slice %slice3A_10 {offsets = [0, 21], sizes = [640, 1], strides = [1, 1]} : vector<640x32xf32> to vector<640x1xf32>
    %mul3A_311 = vector.broadcast %slice3A_310 : vector<640x1xf32> to vector<640x32xf32>
    %mul3A_312 = arith.mulf %mul3A_311, %slice3A_10 : vector<640x32xf32>
    %add3A_313 = arith.addf %mul3A_309, %mul3A_312 : vector<640x32xf32>
    %slice3A_314 = vector.extract_strided_slice %slice3A_11 {offsets = [0, 21], sizes = [640, 1], strides = [1, 1]} : vector<640x32xf32> to vector<640x1xf32>
    %mul3A_315 = vector.broadcast %slice3A_314 : vector<640x1xf32> to vector<640x32xf32>
    %mul3A_316 = arith.mulf %mul3A_315, %slice3A_11 : vector<640x32xf32>
    %add3A_317 = arith.addf %add3A_313, %mul3A_316 : vector<640x32xf32>
    %swap3A_318 = arith.constant 0 : index
    %swap3A_319 = arith.constant 704 : index
    %swap3A_320 = vector.load %arg2[%swap3A_318, %swap3A_319] : memref<640x1056xf32, #tpu.memory_space<vmem>>, vector<640x32xf32>
    tpu.vector_store %arg2[%swap3A_318, %swap3A_319], %add3A_317 {strides = array<i32>} : memref<640x1056xf32, #tpu.memory_space<vmem>>, vector<640x32xf32>,
    %slice3A_321 = vector.extract_strided_slice %slice3A_9 {offsets = [0, 22], sizes = [640, 1], strides = [1, 1]} : vector<640x32xf32> to vector<640x1xf32>
    %mul3A_322 = vector.broadcast %slice3A_321 : vector<640x1xf32> to vector<640x32xf32>
    %mul3A_323 = arith.mulf %mul3A_322, %slice3A_9 : vector<640x32xf32>
    %slice3A_324 = vector.extract_strided_slice %slice3A_10 {offsets = [0, 22], sizes = [640, 1], strides = [1, 1]} : vector<640x32xf32> to vector<640x1xf32>
    %mul3A_325 = vector.broadcast %slice3A_324 : vector<640x1xf32> to vector<640x32xf32>
    %mul3A_326 = arith.mulf %mul3A_325, %slice3A_10 : vector<640x32xf32>
    %add3A_327 = arith.addf %mul3A_323, %mul3A_326 : vector<640x32xf32>
    %slice3A_328 = vector.extract_strided_slice %slice3A_11 {offsets = [0, 22], sizes = [640, 1], strides = [1, 1]} : vector<640x32xf32> to vector<640x1xf32>
    %mul3A_329 = vector.broadcast %slice3A_328 : vector<640x1xf32> to vector<640x32xf32>
    %mul3A_330 = arith.mulf %mul3A_329, %slice3A_11 : vector<640x32xf32>
    %add3A_331 = arith.addf %add3A_327, %mul3A_330 : vector<640x32xf32>
    %swap3A_332 = arith.constant 0 : index
    %swap3A_333 = arith.constant 736 : index
    %swap3A_334 = vector.load %arg2[%swap3A_332, %swap3A_333] : memref<640x1056xf32, #tpu.memory_space<vmem>>, vector<640x32xf32>
    tpu.vector_store %arg2[%swap3A_332, %swap3A_333], %add3A_331 {strides = array<i32>} : memref<640x1056xf32, #tpu.memory_space<vmem>>, vector<640x32xf32>,
    %slice3A_335 = vector.extract_strided_slice %slice3A_9 {offsets = [0, 23], sizes = [640, 1], strides = [1, 1]} : vector<640x32xf32> to vector<640x1xf32>
    %mul3A_336 = vector.broadcast %slice3A_335 : vector<640x1xf32> to vector<640x32xf32>
    %mul3A_337 = arith.mulf %mul3A_336, %slice3A_9 : vector<640x32xf32>
    %slice3A_338 = vector.extract_strided_slice %slice3A_10 {offsets = [0, 23], sizes = [640, 1], strides = [1, 1]} : vector<640x32xf32> to vector<640x1xf32>
    %mul3A_339 = vector.broadcast %slice3A_338 : vector<640x1xf32> to vector<640x32xf32>
    %mul3A_340 = arith.mulf %mul3A_339, %slice3A_10 : vector<640x32xf32>
    %add3A_341 = arith.addf %mul3A_337, %mul3A_340 : vector<640x32xf32>
    %slice3A_342 = vector.extract_strided_slice %slice3A_11 {offsets = [0, 23], sizes = [640, 1], strides = [1, 1]} : vector<640x32xf32> to vector<640x1xf32>
    %mul3A_343 = vector.broadcast %slice3A_342 : vector<640x1xf32> to vector<640x32xf32>
    %mul3A_344 = arith.mulf %mul3A_343, %slice3A_11 : vector<640x32xf32>
    %add3A_345 = arith.addf %add3A_341, %mul3A_344 : vector<640x32xf32>
    %swap3A_346 = arith.constant 0 : index
    %swap3A_347 = arith.constant 768 : index
    %swap3A_348 = vector.load %arg2[%swap3A_346, %swap3A_347] : memref<640x1056xf32, #tpu.memory_space<vmem>>, vector<640x32xf32>
    tpu.vector_store %arg2[%swap3A_346, %swap3A_347], %add3A_345 {strides = array<i32>} : memref<640x1056xf32, #tpu.memory_space<vmem>>, vector<640x32xf32>,
    %slice3A_349 = vector.extract_strided_slice %slice3A_9 {offsets = [0, 24], sizes = [640, 1], strides = [1, 1]} : vector<640x32xf32> to vector<640x1xf32>
    %mul3A_350 = vector.broadcast %slice3A_349 : vector<640x1xf32> to vector<640x32xf32>
    %mul3A_351 = arith.mulf %mul3A_350, %slice3A_9 : vector<640x32xf32>
    %slice3A_352 = vector.extract_strided_slice %slice3A_10 {offsets = [0, 24], sizes = [640, 1], strides = [1, 1]} : vector<640x32xf32> to vector<640x1xf32>
    %mul3A_353 = vector.broadcast %slice3A_352 : vector<640x1xf32> to vector<640x32xf32>
    %mul3A_354 = arith.mulf %mul3A_353, %slice3A_10 : vector<640x32xf32>
    %add3A_355 = arith.addf %mul3A_351, %mul3A_354 : vector<640x32xf32>
    %slice3A_356 = vector.extract_strided_slice %slice3A_11 {offsets = [0, 24], sizes = [640, 1], strides = [1, 1]} : vector<640x32xf32> to vector<640x1xf32>
    %mul3A_357 = vector.broadcast %slice3A_356 : vector<640x1xf32> to vector<640x32xf32>
    %mul3A_358 = arith.mulf %mul3A_357, %slice3A_11 : vector<640x32xf32>
    %add3A_359 = arith.addf %add3A_355, %mul3A_358 : vector<640x32xf32>
    %swap3A_360 = arith.constant 0 : index
    %swap3A_361 = arith.constant 800 : index
    %swap3A_362 = vector.load %arg2[%swap3A_360, %swap3A_361] : memref<640x1056xf32, #tpu.memory_space<vmem>>, vector<640x32xf32>
    tpu.vector_store %arg2[%swap3A_360, %swap3A_361], %add3A_359 {strides = array<i32>} : memref<640x1056xf32, #tpu.memory_space<vmem>>, vector<640x32xf32>,
    %slice3A_363 = vector.extract_strided_slice %slice3A_9 {offsets = [0, 25], sizes = [640, 1], strides = [1, 1]} : vector<640x32xf32> to vector<640x1xf32>
    %mul3A_364 = vector.broadcast %slice3A_363 : vector<640x1xf32> to vector<640x32xf32>
    %mul3A_365 = arith.mulf %mul3A_364, %slice3A_9 : vector<640x32xf32>
    %slice3A_366 = vector.extract_strided_slice %slice3A_10 {offsets = [0, 25], sizes = [640, 1], strides = [1, 1]} : vector<640x32xf32> to vector<640x1xf32>
    %mul3A_367 = vector.broadcast %slice3A_366 : vector<640x1xf32> to vector<640x32xf32>
    %mul3A_368 = arith.mulf %mul3A_367, %slice3A_10 : vector<640x32xf32>
    %add3A_369 = arith.addf %mul3A_365, %mul3A_368 : vector<640x32xf32>
    %slice3A_370 = vector.extract_strided_slice %slice3A_11 {offsets = [0, 25], sizes = [640, 1], strides = [1, 1]} : vector<640x32xf32> to vector<640x1xf32>
    %mul3A_371 = vector.broadcast %slice3A_370 : vector<640x1xf32> to vector<640x32xf32>
    %mul3A_372 = arith.mulf %mul3A_371, %slice3A_11 : vector<640x32xf32>
    %add3A_373 = arith.addf %add3A_369, %mul3A_372 : vector<640x32xf32>
    %swap3A_374 = arith.constant 0 : index
    %swap3A_375 = arith.constant 832 : index
    %swap3A_376 = vector.load %arg2[%swap3A_374, %swap3A_375] : memref<640x1056xf32, #tpu.memory_space<vmem>>, vector<640x32xf32>
    tpu.vector_store %arg2[%swap3A_374, %swap3A_375], %add3A_373 {strides = array<i32>} : memref<640x1056xf32, #tpu.memory_space<vmem>>, vector<640x32xf32>,
    %slice3A_377 = vector.extract_strided_slice %slice3A_9 {offsets = [0, 26], sizes = [640, 1], strides = [1, 1]} : vector<640x32xf32> to vector<640x1xf32>
    %mul3A_378 = vector.broadcast %slice3A_377 : vector<640x1xf32> to vector<640x32xf32>
    %mul3A_379 = arith.mulf %mul3A_378, %slice3A_9 : vector<640x32xf32>
    %slice3A_380 = vector.extract_strided_slice %slice3A_10 {offsets = [0, 26], sizes = [640, 1], strides = [1, 1]} : vector<640x32xf32> to vector<640x1xf32>
    %mul3A_381 = vector.broadcast %slice3A_380 : vector<640x1xf32> to vector<640x32xf32>
    %mul3A_382 = arith.mulf %mul3A_381, %slice3A_10 : vector<640x32xf32>
    %add3A_383 = arith.addf %mul3A_379, %mul3A_382 : vector<640x32xf32>
    %slice3A_384 = vector.extract_strided_slice %slice3A_11 {offsets = [0, 26], sizes = [640, 1], strides = [1, 1]} : vector<640x32xf32> to vector<640x1xf32>
    %mul3A_385 = vector.broadcast %slice3A_384 : vector<640x1xf32> to vector<640x32xf32>
    %mul3A_386 = arith.mulf %mul3A_385, %slice3A_11 : vector<640x32xf32>
    %add3A_387 = arith.addf %add3A_383, %mul3A_386 : vector<640x32xf32>
    %swap3A_388 = arith.constant 0 : index
    %swap3A_389 = arith.constant 864 : index
    %swap3A_390 = vector.load %arg2[%swap3A_388, %swap3A_389] : memref<640x1056xf32, #tpu.memory_space<vmem>>, vector<640x32xf32>
    tpu.vector_store %arg2[%swap3A_388, %swap3A_389], %add3A_387 {strides = array<i32>} : memref<640x1056xf32, #tpu.memory_space<vmem>>, vector<640x32xf32>,
    %slice3A_391 = vector.extract_strided_slice %slice3A_9 {offsets = [0, 27], sizes = [640, 1], strides = [1, 1]} : vector<640x32xf32> to vector<640x1xf32>
    %mul3A_392 = vector.broadcast %slice3A_391 : vector<640x1xf32> to vector<640x32xf32>
    %mul3A_393 = arith.mulf %mul3A_392, %slice3A_9 : vector<640x32xf32>
    %slice3A_394 = vector.extract_strided_slice %slice3A_10 {offsets = [0, 27], sizes = [640, 1], strides = [1, 1]} : vector<640x32xf32> to vector<640x1xf32>
    %mul3A_395 = vector.broadcast %slice3A_394 : vector<640x1xf32> to vector<640x32xf32>
    %mul3A_396 = arith.mulf %mul3A_395, %slice3A_10 : vector<640x32xf32>
    %add3A_397 = arith.addf %mul3A_393, %mul3A_396 : vector<640x32xf32>
    %slice3A_398 = vector.extract_strided_slice %slice3A_11 {offsets = [0, 27], sizes = [640, 1], strides = [1, 1]} : vector<640x32xf32> to vector<640x1xf32>
    %mul3A_399 = vector.broadcast %slice3A_398 : vector<640x1xf32> to vector<640x32xf32>
    %mul3A_400 = arith.mulf %mul3A_399, %slice3A_11 : vector<640x32xf32>
    %add3A_401 = arith.addf %add3A_397, %mul3A_400 : vector<640x32xf32>
    %swap3A_402 = arith.constant 0 : index
    %swap3A_403 = arith.constant 896 : index
    %swap3A_404 = vector.load %arg2[%swap3A_402, %swap3A_403] : memref<640x1056xf32, #tpu.memory_space<vmem>>, vector<640x32xf32>
    tpu.vector_store %arg2[%swap3A_402, %swap3A_403], %add3A_401 {strides = array<i32>} : memref<640x1056xf32, #tpu.memory_space<vmem>>, vector<640x32xf32>,
    %slice3A_405 = vector.extract_strided_slice %slice3A_9 {offsets = [0, 28], sizes = [640, 1], strides = [1, 1]} : vector<640x32xf32> to vector<640x1xf32>
    %mul3A_406 = vector.broadcast %slice3A_405 : vector<640x1xf32> to vector<640x32xf32>
    %mul3A_407 = arith.mulf %mul3A_406, %slice3A_9 : vector<640x32xf32>
    %slice3A_408 = vector.extract_strided_slice %slice3A_10 {offsets = [0, 28], sizes = [640, 1], strides = [1, 1]} : vector<640x32xf32> to vector<640x1xf32>
    %mul3A_409 = vector.broadcast %slice3A_408 : vector<640x1xf32> to vector<640x32xf32>
    %mul3A_410 = arith.mulf %mul3A_409, %slice3A_10 : vector<640x32xf32>
    %add3A_411 = arith.addf %mul3A_407, %mul3A_410 : vector<640x32xf32>
    %slice3A_412 = vector.extract_strided_slice %slice3A_11 {offsets = [0, 28], sizes = [640, 1], strides = [1, 1]} : vector<640x32xf32> to vector<640x1xf32>
    %mul3A_413 = vector.broadcast %slice3A_412 : vector<640x1xf32> to vector<640x32xf32>
    %mul3A_414 = arith.mulf %mul3A_413, %slice3A_11 : vector<640x32xf32>
    %add3A_415 = arith.addf %add3A_411, %mul3A_414 : vector<640x32xf32>
    %swap3A_416 = arith.constant 0 : index
    %swap3A_417 = arith.constant 928 : index
    %swap3A_418 = vector.load %arg2[%swap3A_416, %swap3A_417] : memref<640x1056xf32, #tpu.memory_space<vmem>>, vector<640x32xf32>
    tpu.vector_store %arg2[%swap3A_416, %swap3A_417], %add3A_415 {strides = array<i32>} : memref<640x1056xf32, #tpu.memory_space<vmem>>, vector<640x32xf32>,
    %slice3A_419 = vector.extract_strided_slice %slice3A_9 {offsets = [0, 29], sizes = [640, 1], strides = [1, 1]} : vector<640x32xf32> to vector<640x1xf32>
    %mul3A_420 = vector.broadcast %slice3A_419 : vector<640x1xf32> to vector<640x32xf32>
    %mul3A_421 = arith.mulf %mul3A_420, %slice3A_9 : vector<640x32xf32>
    %slice3A_422 = vector.extract_strided_slice %slice3A_10 {offsets = [0, 29], sizes = [640, 1], strides = [1, 1]} : vector<640x32xf32> to vector<640x1xf32>
    %mul3A_423 = vector.broadcast %slice3A_422 : vector<640x1xf32> to vector<640x32xf32>
    %mul3A_424 = arith.mulf %mul3A_423, %slice3A_10 : vector<640x32xf32>
    %add3A_425 = arith.addf %mul3A_421, %mul3A_424 : vector<640x32xf32>
    %slice3A_426 = vector.extract_strided_slice %slice3A_11 {offsets = [0, 29], sizes = [640, 1], strides = [1, 1]} : vector<640x32xf32> to vector<640x1xf32>
    %mul3A_427 = vector.broadcast %slice3A_426 : vector<640x1xf32> to vector<640x32xf32>
    %mul3A_428 = arith.mulf %mul3A_427, %slice3A_11 : vector<640x32xf32>
    %add3A_429 = arith.addf %add3A_425, %mul3A_428 : vector<640x32xf32>
    %swap3A_430 = arith.constant 0 : index
    %swap3A_431 = arith.constant 960 : index
    %swap3A_432 = vector.load %arg2[%swap3A_430, %swap3A_431] : memref<640x1056xf32, #tpu.memory_space<vmem>>, vector<640x32xf32>
    tpu.vector_store %arg2[%swap3A_430, %swap3A_431], %add3A_429 {strides = array<i32>} : memref<640x1056xf32, #tpu.memory_space<vmem>>, vector<640x32xf32>,
    %slice3A_433 = vector.extract_strided_slice %slice3A_9 {offsets = [0, 30], sizes = [640, 1], strides = [1, 1]} : vector<640x32xf32> to vector<640x1xf32>
    %mul3A_434 = vector.broadcast %slice3A_433 : vector<640x1xf32> to vector<640x32xf32>
    %mul3A_435 = arith.mulf %mul3A_434, %slice3A_9 : vector<640x32xf32>
    %slice3A_436 = vector.extract_strided_slice %slice3A_10 {offsets = [0, 30], sizes = [640, 1], strides = [1, 1]} : vector<640x32xf32> to vector<640x1xf32>
    %mul3A_437 = vector.broadcast %slice3A_436 : vector<640x1xf32> to vector<640x32xf32>
    %mul3A_438 = arith.mulf %mul3A_437, %slice3A_10 : vector<640x32xf32>
    %add3A_439 = arith.addf %mul3A_435, %mul3A_438 : vector<640x32xf32>
    %slice3A_440 = vector.extract_strided_slice %slice3A_11 {offsets = [0, 30], sizes = [640, 1], strides = [1, 1]} : vector<640x32xf32> to vector<640x1xf32>
    %mul3A_441 = vector.broadcast %slice3A_440 : vector<640x1xf32> to vector<640x32xf32>
    %mul3A_442 = arith.mulf %mul3A_441, %slice3A_11 : vector<640x32xf32>
    %add3A_443 = arith.addf %add3A_439, %mul3A_442 : vector<640x32xf32>
    %swap3A_444 = arith.constant 0 : index
    %swap3A_445 = arith.constant 992 : index
    %swap3A_446 = vector.load %arg2[%swap3A_444, %swap3A_445] : memref<640x1056xf32, #tpu.memory_space<vmem>>, vector<640x32xf32>
    tpu.vector_store %arg2[%swap3A_444, %swap3A_445], %add3A_443 {strides = array<i32>} : memref<640x1056xf32, #tpu.memory_space<vmem>>, vector<640x32xf32>,
    %slice3A_447 = vector.extract_strided_slice %slice3A_9 {offsets = [0, 31], sizes = [640, 1], strides = [1, 1]} : vector<640x32xf32> to vector<640x1xf32>
    %mul3A_448 = vector.broadcast %slice3A_447 : vector<640x1xf32> to vector<640x32xf32>
    %mul3A_449 = arith.mulf %mul3A_448, %slice3A_9 : vector<640x32xf32>
    %slice3A_450 = vector.extract_strided_slice %slice3A_10 {offsets = [0, 31], sizes = [640, 1], strides = [1, 1]} : vector<640x32xf32> to vector<640x1xf32>
    %mul3A_451 = vector.broadcast %slice3A_450 : vector<640x1xf32> to vector<640x32xf32>
    %mul3A_452 = arith.mulf %mul3A_451, %slice3A_10 : vector<640x32xf32>
    %add3A_453 = arith.addf %mul3A_449, %mul3A_452 : vector<640x32xf32>
    %slice3A_454 = vector.extract_strided_slice %slice3A_11 {offsets = [0, 31], sizes = [640, 1], strides = [1, 1]} : vector<640x32xf32> to vector<640x1xf32>
    %mul3A_455 = vector.broadcast %slice3A_454 : vector<640x1xf32> to vector<640x32xf32>
    %mul3A_456 = arith.mulf %mul3A_455, %slice3A_11 : vector<640x32xf32>
    %add3A_457 = arith.addf %add3A_453, %mul3A_456 : vector<640x32xf32>
    %swap3A_458 = arith.constant 0 : index
    %swap3A_459 = arith.constant 1024 : index
    %swap3A_460 = vector.load %arg2[%swap3A_458, %swap3A_459] : memref<640x1056xf32, #tpu.memory_space<vmem>>, vector<640x32xf32>
    tpu.vector_store %arg2[%swap3A_458, %swap3A_459], %add3A_457 {strides = array<i32>} : memref<640x1056xf32, #tpu.memory_space<vmem>>, vector<640x32xf32>,
    return
  }
  func.func @transform_0(%arg0: i32) -> (i32, i32, i32) {
    %c0_i32 = arith.constant 0 : i32
    %c0_i32_0 = arith.constant 0 : i32
    %c0_i32_1 = arith.constant 0 : i32
    return %c0_i32, %arg0, %c0_i32_0 : i32, i32, i32
  }
  func.func @transform_1(%arg0: i32) -> (i32, i32) {
    %c0_i32 = arith.constant 0 : i32
    %c0_i32_0 = arith.constant 0 : i32
    return %arg0, %c0_i32 : i32, i32
  }
}

</mosaic_0001>

<sc_bundles>
// kernel: kernel.11.cloned.1.call-start
scs
__scs_entry_jumppad:
0x0: {  	(pc) =	sbr.rel $0x88, $3  }
0x1: {  	(tag) =	ssettag $0x0;
	lr =	simm.s32 $0x1  }
0x2: {  	[smem:$0x3F9A] =	sst lr;
	_ =	strace $0xD0000000  }
0x3: {  	_ = 	snop  }
0x4: {  	_ = 	snop  }
0x5: {  	_ = 	snop  }
0x6: {  	_ = 	snop  }
0x7: {  	_ = 	snop  }
__scs_overlays_trampoline_lowered:
0x8: {  	[smem:$0x3FA9] =	sst s0  }
0x9: {  	[smem:$0x3FAA] =	sst s1  }
0xa: {  	[smem:$0x3FAB] =	sst s2  }
0xb: {  	[smem:$0x3FAC] =	sst s3  }
0xc: {  	[smem:$0x3FAD] =	sst s4  }
0xd: {  	[smem:$0x3FAE] =	sst s5  }
0xe: {  	[smem:$0x3FAF] =	sst s6  }
0xf: {  	[smem:$0x3FB0] =	sst s7  }
0x10: {  	[smem:$0x3FB1] =	sst s8  }
0x11: {  	[smem:$0x3FB2] =	sst s9;
	s0 =	simm.s32 @!p0 $0x0  }
0x12: {  	s1 =	sld [smem:$0x3F98];
	s0 =	simm.s32 @p0 $0x1  }
0x13: {  	[smem:$0x3FB3] =	sst s0;
	s0 =	simm.s32 @!p1 $0x0  }
0x14: {  	s2 =	sld [smem:$0x3F97];
	s0 =	simm.s32 @p1 $0x1  }
0x15: {  	[smem:$0x3FB4] =	sst s0;
	s0 =	simm.s32 @!p2 $0x0  }
0x16: {  	s3 =	sld [smem:$0x3FDB];
	s0 =	simm.s32 @p2 $0x1  }
0x17: {  	s4 =	simm.s32 $0x1BF5;
	[smem:$0x3FB6] =	sst s0  }
0x18: {  	s0 =	sld [smem:$0x3F99];
	_ =	swait.ge [sflag:s4], $0x0  }
0x19: {  	s7 =	sld [smem:$0x3F9A]  }
0x1a: {  	s8 =	sadd.s32 $0xFFFFE003, lr  }
0x1b: {  	s9 =	sadd.s32 $0xFFFFFEF7, lr;
	s5 =	simm.s32 $0xFFFFFFFF;
	p2 =	slt.u32 s8, $0xFFFFF086  }
0x1c: {  	p1 =	slt.u32 s9, $0xF7A;
	s5 =	simm.s32 @!p2 $0x0  }
0x1d: {  	s5 =	simm.s32 @p1 $0x1;
	p0 =	seq.s32 s7, s2  }
0x1e: {  	s7 =	smul.u32 @!p0 $0xF7A, s2;
	p2 =	seq.s32 @!p0 s5, $0x0  }
0x1f: {  	s9 =	smul.u32 $0xF7A, s1;
	s8 =	simm.s32 @!p0 $0x1BF5;
	p2 =	por !p2, p0  }
0x20: {  	[sflag:s8] =	ssyncset.s32 @!p0 $0xFFFFF086;
	s6 =	sadd.s32 @!p0 s3, s7;
	s7 =	simm.s32 @!p0 $0x108  }
0x21: {  	s3 =	sadd.s32 s3, s9;
	s6 =	sadd.s32 @!p0 $0x88, s6;
	s7 =	simm.s32 @p2 $0x1082  }
0x22: {  	[simem:s7], [sflag:s8] =	dma.local @!p0 [hbm:s6], $0xF7A  }
0x23: {  	s9 =	sor.u32 $0xD0000000, s2;
	s6 =	simm.s32 $0x108;
	_ =	swait.ge @!p0 [sflag:s8], $0x0  }
0x24: {  	s3 =	sadd.s32 $0x88, s3;
	s6 =	simm.s32 @!p1 $0x1082;
	[sflag:s4] =	ssyncset.s32 $0xFFFFF086  }
0x25: {  	[simem:s6], [sflag:s4] =	dma.local [hbm:s3], $0xF7A  }
0x26: {  	[smem:$0x3F9A] =	sst s1;
	(tag) =	ssettag s2;
	_ =	strace s9  }
0x27: {  	s1 =	sld [smem:$0x3FAA]  }
0x28: {  	s2 =	sld [smem:$0x3FAB]  }
0x29: {  	s4 =	sld [smem:$0x3FAD]  }
0x2a: {  	p0 =	seq.s32 s5, $0x0;
	s5 =	sld [smem:$0x3FAE]  }
0x2b: {  	s6 =	sld [smem:$0x3FAF]  }
0x2c: {  	s7 =	sld [smem:$0x3FB0]  }
0x2d: {  	s3 =	simm.s32 $0x108;
	s8 =	sld [smem:$0x3FB1]  }
0x2e: {  	s3 =	simm.s32 @!p0 $0x1082;
	s9 =	sld [smem:$0x3FB2]  }
0x2f: {  	lr =	sadd.s32 s0, s3;
	s0 =	sld [smem:$0x3FA9]  }
0x30: {  	s3 =	sld [smem:$0x3FAC]  }
0x31: {  	[smem:$0x3FB5] =	sst s10  }
0x32: {  	s10 =	sld [smem:$0x3FB3];
	_ =	sdelay $0x3  }
0x33: {  	p0 =	seq.s32 s10, $0x1;
	s10 =	sld [smem:$0x3FB5];
	_ =	sdelay $0x3  }
0x34: {  	[smem:$0x3FB5] =	sst s10  }
0x35: {  	s10 =	sld [smem:$0x3FB4];
	_ =	sdelay $0x3  }
0x36: {  	p1 =	seq.s32 s10, $0x1;
	s10 =	sld [smem:$0x3FB5];
	_ =	sdelay $0x3  }
0x37: {  	[smem:$0x3FB5] =	sst s10  }
0x38: {  	s10 =	sld [smem:$0x3FB6]  }
0x39: {  	_ = 	snop;
	(pc) =	sbr.ind lr, $3  }
0x3a: {  	_ = 	snop  }
0x3b: {  	_ = 	snop  }
0x3c: {  	p2 =	seq.s32 s10, $0x1;
	s10 =	sld [smem:$0x3FB5]  }
0x3d: {  	_ =	shalt  }
0x3e: {  	_ =	shalt  }
0x3f: {  	_ =	shalt  }
0x40: {  	_ =	shalt  }
0x41: {  	_ =	shalt  }
0x42: {  	_ =	shalt  }
0x43: {  	_ =	shalt  }
0x44: {  	_ =	shalt  }
0x45: {  	_ =	shalt  }
0x46: {  	_ =	shalt  }
0x47: {  	_ =	shalt  }
0x48: {  	_ =	shalt  }
0x49: {  	_ =	shalt  }
0x4a: {  	_ =	shalt  }
0x4b: {  	_ =	shalt  }
0x4c: {  	_ =	shalt  }
0x4d: {  	_ =	shalt  }
0x4e: {  	_ =	shalt  }
0x4f: {  	_ =	shalt  }
0x50: {  	_ =	shalt  }
0x51: {  	_ =	shalt  }
0x52: {  	_ =	shalt  }
0x53: {  	_ =	shalt  }
0x54: {  	_ =	shalt  }
0x55: {  	_ =	shalt  }
0x56: {  	_ =	shalt  }
0x57: {  	_ =	shalt  }
0x58: {  	_ =	shalt  }
0x59: {  	_ =	shalt  }
0x5a: {  	_ =	shalt  }
0x5b: {  	_ =	shalt  }
0x5c: {  	_ =	shalt  }
0x5d: {  	_ =	shalt  }
0x5e: {  	_ =	shalt  }
0x5f: {  	_ =	shalt  }
0x60: {  	_ =	shalt  }
0x61: {  	_ =	shalt  }
0x62: {  	_ =	shalt  }
0x63: {  	_ =	shalt  }
0x64: {  	_ =	shalt  }
0x65: {  	_ =	shalt  }
0x66: {  	_ =	shalt  }
0x67: {  	_ =	shalt  }
0x68: {  	_ =	shalt  }
0x69: {  	_ =	shalt  }
0x6a: {  	_ =	shalt  }
0x6b: {  	_ =	shalt  }
0x6c: {  	_ =	shalt  }
0x6d: {  	_ =	shalt  }
0x6e: {  	_ =	shalt  }
0x6f: {  	_ =	shalt  }
0x70: {  	_ =	shalt  }
0x71: {  	_ =	shalt  }
0x72: {  	_ =	shalt  }
0x73: {  	_ =	shalt  }
0x74: {  	_ =	shalt  }
0x75: {  	_ =	shalt  }
0x76: {  	_ =	shalt  }
0x77: {  	_ =	shalt  }
0x78: {  	_ =	shalt  }
0x79: {  	_ =	shalt  }
0x7a: {  	_ =	shalt  }
0x7b: {  	_ =	shalt  }
0x7c: {  	_ =	shalt  }
0x7d: {  	_ =	shalt  }
0x7e: {  	_ =	shalt  }
0x7f: {  	_ =	shalt  }
0x80: {  	_ =	shalt  }
0x81: {  	_ =	shalt  }
0x82: {  	_ =	shalt  }
0x83: {  	_ =	shalt  }
0x84: {  	_ =	shalt  }
0x85: {  	_ =	shalt  }
0x86: {  	_ =	shalt  }
0x87: {  	_ =	shalt  }
.Lfunc_end0:
.L_simem_size_0:
called_computation.2_lowered:
.L_overlay_start_0:
0x88: {  	s2 =	sld [smem:$0x3FD9]  }
0x89: {  	s3 =	sld [smem:$0x3FFE];
	_ =	sdelay $0x1  }
0x8a: {  	s1 =	srdreg.scid  }
0x8b: {  	s0 =	sand.u32 $0x1, s1  }
0x8c: {  	s17 =	sshll.u32 s0, $0xA;
	s2 =	sadd.s32 s3, s2  }
0x8d: {  	s2 =	sadd.s32 s2, s17  }
0x8e: {  	[smem:$0x3FC1] =	sst s2  }
0x8f: {  	_ = 	snop  }
0x90: {  	s2 =	sld [smem:$0x3FD0];
	(tm) =	ssettm $0x1  }
0x91: {  	s18 =	sld [smem:$0x3FFB];
	_ =	sdelay $0x3  }
0x92: {  	_ =	strace s18  }
0x93: {  	s3 =	sld [smem:$0x3FFC];
	_ =	sdelay $0x3  }
0x94: {  	_ =	strace s3  }
0x95: {  	s3 =	sld [smem:$0x3FFD];
	_ =	sdelay $0x3  }
0x96: {  	_ =	strace s3  }
0x97: {  	_ =	strace $0x8FFFFFFF  }
0x98: {  	s19 =	sld [smem:$0x3FDB];
	_ =	sdelay $0x1  }
0x99: {  	s4 =	simm.s32 $_scs_section_size  }
0x9a: {  	s5 =	simm.s32 $_size__tile_overlayer_lowered;
	s6 =	simm.s32 $_tile_overlayer_lowered  }
0x9b: {  	s22 =	simm.s32 $0x1BFF;
	s21 =	sshll.u32 s6, $0x1;
	s3 =	sadd.s32 s4, s19  }
0x9c: {  	s7 =	simm.s32 $0x0;
	s20 =	sshll.u32 s5, $0x1;
	s5 =	sadd.s32 s21, s3  }
0x9d: {  	[timem:s7], [sflag:s22] =	dma.local [hbm:s5], s20  }
0x9e: {  	_ =	swait.ge [sflag:s22], s20  }
0x9f: {  	s4 =	ssub.s32 $0x0, s20;
	[sflag:s22] =	ssyncset.done $0x0  }
0xa0: {  	[sflag:s22] =	ssyncadd.s32 s4;
	_ =	sdelay $0x1  }
0xa1: {  	s23 =	simm.s32 $0x1B8B  }
0xa2: {  	_ =	swait.ge [sflag:s23], $0x1  }
0xa3: {  	[sflag:s23] =	ssyncset.done $0x0  }
0xa4: {  	s25 =	simm.s32 $0x1B8E;
	s24 =	sld [smem:$0x3FFE];
	[sflag:s23] =	ssyncadd.s32 $0xFFFFFFFF  }
0xa5: {  	s26 =	simm.s32 $execute0_lowered;
	[smem:$0x3FD2] =	sst s25  }
0xa6: {  	s5 =	sshll.u32 s26, $0x1;
	_ =	strace $0x80000049;
	[dreg:$0x1] =	wrdreg $0xFFFFFFFF  }
0xa7: {  	s28 =	simm.s32 $_size_execute0_lowered;
	s3 =	sadd.s32 s3, s5;
	[dreg:$0x0] =	wrdreg $0x0  }
0xa8: {  	s5 =	sshll.u32 s28, $0x1;
	[dreg:$0x2] =	wrdreg s3  }
0xa9: {  	[dreg:$0x3] =	wrdreg s5  }
0xaa: {  	[dreg:$0x4] =	wrdreg $0xC0  }
0xab: {  	_ =	task [dreg:s7], $0x5FFFF  }
0xac: {  	[dreg:$0x1] =	wrdreg $0xFFFFFFFF  }
0xad: {  	[dreg:$0x0] =	wrdreg $0x60  }
0xae: {  	[dreg:$0x2] =	wrdreg s24  }
0xaf: {  	[dreg:$0x3] =	wrdreg s2  }
0xb0: {  	[dreg:$0x4] =	wrdreg $0xB9000  }
0xb1: {  	[dreg:$0x5] =	wrdreg $0x9  }
0xb2: {  	_ =	task.clear_ibuf [dreg:s7], $0x6FFFF;
	_ =	strace $0x90000049  }
0xb3: {  	s29 =	simm.s32 $0x9;
	_ =	strace $0x8000004B  }
0xb4: {  	_ =	swait.ge [sflag:s29], $0x1  }
0xb5: {  	[sflag:s29] =	ssyncadd.s32 $0xFFFFFFFF  }
0xb6: {  	_ =	strace $0x9000004B  }
0xb7: {  	_ =	sfence  }
0xb8: {  	s30 =	sld [smem:$0x0];
	_ =	sdelay $0x2  }
0xb9: {  	s31 =	sshll.u32 s1, $0xD;
	s1 =	sshrl.u32 s1, $0x2  }
0xba: {  	s3 =	sand.u32 $0x4000, s31;
	s1 =	sadd.s32 s1, s30  }
0xbb: {  	s0 =	sor.u32 s3, s0;
	s1 =	sshll.u32 s1, $0x11  }
0xbc: {  	s0 =	sor.u32 s1, s0  }
0xbd: {  	s0 =	sadd.s32 $0x8F2B, s0  }
0xbe: {  	[sflag:s0] =	ssyncadd.remote.s32 $0x1  }
0xbf: {  	_ =	sfence.sel $0xFFFF  }
0xc0: {  	[dreg:$0x0] =	wrdreg $0xFFFFFFFF;
	(pc) =	sbr.abs _section_cstart, $3  }
0xc1: {  	[dreg:$0x1] =	wrdreg $0xFFFFFFFF  }
0xc2: {  	_ =	task.clear_ibuf [dreg:s7], $0x2FFFF;
	_ =	strace $0x9FFFFFFF  }
0xc3: {  	(tm) =	ssettm $0x7FFFFFFF  }
tec
execute0_lowered:
.L_overlay_start_1:
0x0: {  	(tag) =	ssettag $0x1  }
0x1: {  	s7 =	rddreg [dreg:$0x0]  }
0x2: {  	s10 =	rddreg [dreg:$0x1]  }
0x3: {  	s1 =	rddreg [dreg:$0x2]  }
0x4: {  	s0 =	rddreg [dreg:$0x3];
	s3 =	simm.s32 $0x0;
	s5 =	srdreg.scid  }
0x5: {  	s2 =	stileid.u32;
	s16 =	simm.s32 $0x7900;
	s17 =	simm.s32 $0x2  }
0x6: {  	s18 =	simm.s32 $0x80;
	s19 =	simm.s32 $0x50;
	s20 =	simm.s32 $0x100  }
0x7: {  	s21 =	simm.s32 $0x1;
	s22 =	simm.s32 $0x2900;
	s23 =	simm.s32 $0x5100  }
0x8: {  	s24 =	simm.s32 $0x0;
	[smem:$0x7FF] =	sst s3;
	s4 =	sadd.s32 $0x29600, s7  }
0x9: {  	s8 =	sand.u32 $0x1, s5;
	s9 =	smul.u32 $0x50000, s2;
	s5 =	sadd.s32 $0x1D9D600, s7  }
0xa: {  	s6 =	sadd.s32 $0x15C00, s7;
	s14 =	smul.u32 $0x14000, s2;
	s7 =	sadd.s32 $0x2200, s7  }
0xb: {  	s30 =	sshll.u32 s2, $0x1;
	s11 =	ssub.s32 $0x2, s8;
	s12 =	smul.u32 $0x140000, s8  }
0xc: {  	_ =	strace $0x8000004A;
	s13 =	sshrl.u32 s11, $0x1;
	s31 =	sshrl.u32 s9, $0x2  }
0xd: {  	s11 =	ssub.s32 s11, s13;
	s13 =	sor.u32 s8, s30;
	s12 =	sadd.s32 s14, s12  }
0xe: {  	s8 =	sadd.s32 s31, s1;
	s9 =	smul.u32 $0x4E20, s13;
	s12 =	sshrl.u32 s12, $0x3  }
0xf: {  	s11 =	smax.u32 s11, $0x1;
	s13 =	sadd.s32 $0x8000, s8;
	s14 =	sadd.s32 $0xC000, s8  }
0x10: {  	v0 =	vimm.f32 $0.0e+00;
	s15 =	sadd.s32 $0x10000, s8;
	s10 =	sadd.s32 s10, s12;
	s12 =	sadd.s32 $0x4000, s8  }
.LBB2_1:
0x11: {  	s25 =	simm.s32 $0x0;
	s26 =	simm.s32 $0x200  }
.LBB2_2:
0x12: {  	p0 =	sne.s32 s26, $0xFE00;
	[tilespmem:s25+$0x7970] =	vst v0  }
0x13: {  	[tilespmem:s25+$0x7900] =	vst v0  }
0x14: {  	[tilespmem:s25+$0x7910] =	vst v0  }
.Ltmp0:
0x15: {  	[tilespmem:s25+$0x7920] =	vst v0;
	(pc) =	sbr.rel @p0 .LBB2_2-.Ltmp0, $4  }
0x16: {  	[tilespmem:s25+$0x7930] =	vst v0  }
0x17: {  	[tilespmem:s25+$0x7940] =	vst v0  }
0x18: {  	[tilespmem:s25+$0x7950] =	vst v0  }
0x19: {  	[tilespmem:s25+$0x7960] =	vst v0;
	s25 =	sshra.s32 s26, $0x2;
	s26 =	sadd.s32 $0x200, s26  }
0x1a: {  	[tilespmem:s25+$0x7970] =	vst v0  }
0x1b: {  	[tilespmem:s25+$0x7900] =	vst v0  }
0x1c: {  	[tilespmem:s25+$0x7910] =	vst v0  }
0x1d: {  	[tilespmem:s25+$0x7920] =	vst v0  }
0x1e: {  	[tilespmem:s25+$0x7930] =	vst v0  }
0x1f: {  	[tilespmem:s25+$0x7940] =	vst v0  }
0x20: {  	[tilespmem:s25+$0x7950] =	vst v0  }
0x21: {  	[tilespmem:s25+$0x7960] =	vst v0  }
0x22: {  	[spmem:s8] =	stream.linear.scatter [tilespmem:s16], [sflag:$0x2], $0x4000, $0x38;
	[tilespmem:$0x1F900] =	vst v63  }
0x23: {  	_ =	swait.ge [sflag:s17], $0x4000  }
0x24: {  	[sflag:s17] =	ssyncset.done $0x0  }
0x25: {  	[sflag:s17] =	ssyncadd.s32 $0xFFFFC000  }
0x26: {  	[spmem:s12] =	stream.linear.scatter [tilespmem:s16], [sflag:$0x2], $0x4000, $0x38;
	[tilespmem:$0x1F900] =	vst v63  }
0x27: {  	_ =	swait.ge [sflag:s17], $0x4000  }
0x28: {  	[sflag:s17] =	ssyncset.done $0x0  }
0x29: {  	[sflag:s17] =	ssyncadd.s32 $0xFFFFC000  }
0x2a: {  	[spmem:s13] =	stream.linear.scatter [tilespmem:s16], [sflag:$0x2], $0x4000, $0x38;
	[tilespmem:$0x1F900] =	vst v63  }
0x2b: {  	_ =	swait.ge [sflag:s17], $0x4000  }
0x2c: {  	[sflag:s17] =	ssyncset.done $0x0  }
0x2d: {  	[sflag:s17] =	ssyncadd.s32 $0xFFFFC000  }
0x2e: {  	[spmem:s14] =	stream.linear.scatter [tilespmem:s16], [sflag:$0x2], $0x4000, $0x38;
	[tilespmem:$0x1F900] =	vst v63  }
0x2f: {  	_ =	swait.ge [sflag:s17], $0x4000  }
0x30: {  	[sflag:s17] =	ssyncset.done $0x0  }
0x31: {  	[sflag:s17] =	ssyncadd.s32 $0xFFFFC000  }
0x32: {  	[spmem:s15] =	stream.linear.scatter [tilespmem:s16], [sflag:$0x2], $0x4000, $0x38;
	[tilespmem:$0x1F900] =	vst v63  }
0x33: {  	_ =	swait.ge [sflag:s17], $0x4000  }
0x34: {  	[sflag:s17] =	ssyncset.done $0x0  }
0x35: {  	[sflag:s17] =	ssyncadd.s32 $0xFFFFC000  }
0x36: {  	s25 =	simm.s32 $0x0;
	s26 =	simm.s32 $0x0;
	[bflag:$0x0] =	sbarrier.arrive $0xFFFF  }
.LBB2_4:
0x37: {  	s28 =	smul.u32 $0x50, s26;
	_ =	sdelay $0x1  }
0x38: {  	s28 =	sadd.s32 s9, s28  }
0x39: {  	s29 =	sshrl.u32 s28, $0x3  }
0x3a: {  	s30 =	sadd.s32 s6, s29  }
0x3b: {  	[tilespmem:s25], [sflag:$0x2] =	stream.linear.gather [hbm4b:s30+s25], $0x50, $0x38;
	[tilespmem:$0x1F900] =	vst v63  }
0x3c: {  	_ =	swait.ge [sflag:s17], $0x50  }
0x3d: {  	[sflag:s17] =	ssyncset.done $0x0  }
0x3e: {  	s29 =	sadd.s32 s7, s29;
	[sflag:s17] =	ssyncadd.s32 $0xFFFFFFB0  }
0x3f: {  	[tilespmem:s18], [sflag:$0x2] =	stream.linear.gather [hbm4b:s29+s25], $0x50, $0x38;
	[tilespmem:$0x1F900] =	vst v63  }
0x40: {  	_ =	swait.ge [sflag:s17], $0x50  }
0x41: {  	[sflag:s17] =	ssyncset.done $0x0  }
0x42: {  	[sflag:s17] =	ssyncadd.s32 $0xFFFFFFB0  }
0x43: {  	[tilespmem:s20], [sflag:$0x1] =	stream.indirect.gather [hbm4b:s4+s19], $0x80, s18, s19, $0xb8;
	[tilespmem:$0x1F900] =	vst v63  }
0x44: {  	_ =	swait.ge [sflag:s21], $0x2800  }
0x45: {  	s28 =	sshll.u32 s28, $0x4;
	[sflag:s21] =	ssyncset.done $0x0  }
0x46: {  	s28 =	sadd.s32 s5, s28;
	[sflag:s21] =	ssyncadd.s32 $0xFFFFD800  }
0x47: {  	[tilespmem:s22], [sflag:$0x2] =	stream.linear.gather [hbm4b:s28+s25], $0x2800, $0x38;
	[tilespmem:$0x1F900] =	vst v63  }
0x48: {  	_ =	swait.ge [sflag:s17], $0x2800  }
0x49: {  	[sflag:s17] =	ssyncset.done $0x0  }
0x4a: {  	s28 =	simm.s32 $0x0;
	[sflag:s17] =	ssyncadd.s32 $0xFFFFD800  }
0x4b: {  	v1 =	vld [tilespmem:s28+$0x110]  }
0x4c: {  	v3 =	vld [tilespmem:s28+$0x2970]  }
0x4d: {  	v2 =	vld [tilespmem:s28+$0x100]  }
0x4e: {  	v7 =	vld [tilespmem:s28+$0x2900]  }
0x4f: {  	v8 =	vld [tilespmem:s28+$0x2910]  }
0x50: {  	v9 =	vld [tilespmem:s28+$0x2920]  }
0x51: {  	v5 =	vld [tilespmem:s28+$0x2930]  }
0x52: {  	v6 =	vld [tilespmem:s28+$0x2940];
	v3 =	vmul.f32 v3, v1  }
0x53: {  	v4 =	vld [tilespmem:s28+$0x2950];
	v10 =	vmul.f32 v7, v2  }
0x54: {  	s29 =	simm.s32 $0x80;
	v7 =	vld [tilespmem:s28+$0x2960];
	v8 =	vmul.f32 v8, v1;
	[tilespmem:s28+$0x5170] =	vst v3  }
0x55: {  	s30 =	simm.s32 $0x400;
	v9 =	vmul.f32 v9, v2;
	v3 =	vld [tilespmem:s29+$0x110];
	[tilespmem:s28+$0x5100] =	vst v10  }
.LBB2_5:
0x56: {  	p0 =	sne.s32 s30, $0x9E00;
	v10 =	vld [tilespmem:s29+$0x2970];
	[tilespmem:s28+$0x5110] =	vst v8;
	v5 =	vmul.f32 v5, v1  }
0x57: {  	v8 =	vld [tilespmem:s29+$0x100];
	[tilespmem:s28+$0x5120] =	vst v9;
	v6 =	vmul.f32 v6, v2  }
0x58: {  	v9 =	vld [tilespmem:s29+$0x2900];
	[tilespmem:s28+$0x5130] =	vst v5;
	v4 =	vmul.f32 v4, v1  }
0x59: {  	v11 =	vld [tilespmem:s29+$0x2910];
	[tilespmem:s28+$0x5140] =	vst v6;
	v7 =	vmul.f32 v7, v2  }
0x5a: {  	v12 =	vld [tilespmem:s29+$0x2920];
	[tilespmem:s28+$0x5150] =	vst v4;
	v1 =	vmov v3  }
.Ltmp1:
0x5b: {  	v5 =	vld [tilespmem:s29+$0x2930];
	v3 =	vmul.f32 v10, v1;
	[tilespmem:s28+$0x5160] =	vst v7;
	s28 =	smov.u32 s29;
	(pc) =	sbr.rel @p0 .LBB2_5-.Ltmp1, $4  }
0x5c: {  	v6 =	vld [tilespmem:s28+$0x2940];
	v2 =	vmov v8  }
0x5d: {  	v9 =	vmul.f32 v9, v2;
	v4 =	vld [tilespmem:s28+$0x2950];
	[tilespmem:s28+$0x5170] =	vst v3  }
0x5e: {  	s29 =	sshra.s32 s30, $0x2;
	v8 =	vmul.f32 v11, v1;
	v7 =	vld [tilespmem:s28+$0x2960]  }
0x5f: {  	s30 =	sadd.s32 $0x200, s30;
	v3 =	vld [tilespmem:s29+$0x110];
	[tilespmem:s28+$0x5100] =	vst v9;
	v9 =	vmul.f32 v12, v2  }
0x60: {  	v10 =	vld [tilespmem:s29+$0x2970];
	[tilespmem:s28+$0x5110] =	vst v8;
	v5 =	vmul.f32 v5, v1  }
0x61: {  	v8 =	vld [tilespmem:s29+$0x100];
	[tilespmem:s28+$0x5120] =	vst v9;
	v6 =	vmul.f32 v6, v2  }
0x62: {  	v9 =	vld [tilespmem:s29+$0x2900];
	[tilespmem:s28+$0x5130] =	vst v5;
	v1 =	vmul.f32 v4, v1  }
0x63: {  	v5 =	vld [tilespmem:s29+$0x2910];
	[tilespmem:s28+$0x5140] =	vst v6;
	v2 =	vmul.f32 v7, v2  }
0x64: {  	v61 =	vld [tilespmem:s29+$0x2920];
	[tilespmem:s28+$0x5150] =	vst v1  }
0x65: {  	v1 =	vld [tilespmem:s29+$0x2930];
	[tilespmem:s28+$0x5160] =	vst v2  }
0x66: {  	v2 =	vmul.f32 v10, v3;
	v6 =	vld [tilespmem:s29+$0x2940]  }
0x67: {  	v62 =	vld [tilespmem:s29+$0x2950];
	v9 =	vmul.f32 v9, v8  }
0x68: {  	v63 =	vld [tilespmem:s29+$0x2960];
	[tilespmem:s29+$0x5170] =	vst v2;
	v2 =	vmul.f32 v5, v3  }
0x69: {  	[tilespmem:s29+$0x5100] =	vst v9;
	v4 =	vmul.f32 v61, v8  }
0x6a: {  	[tilespmem:s29+$0x5110] =	vst v2;
	v1 =	vmul.f32 v1, v3  }
0x6b: {  	[tilespmem:s29+$0x5120] =	vst v4;
	v2 =	vmul.f32 v6, v8  }
0x6c: {  	[tilespmem:s29+$0x5130] =	vst v1;
	v1 =	vmul.f32 v62, v3  }
0x6d: {  	s26 =	sadd.s32 $0x1, s26;
	[tilespmem:s29+$0x5140] =	vst v2;
	v2 =	vmul.f32 v63, v8  }
0x6e: {  	p0 =	sne.s32 s26, $0xFA;
	[tilespmem:s29+$0x5150] =	vst v1  }
.Ltmp2:
0x6f: {  	[tilespmem:s29+$0x5160] =	vst v2;
	(pc) =	sbr.rel @p0 .LBB2_4-.Ltmp2, $4  }
0x70: {  	[spmem:s1] =	stream.indirect.scatter.add.f32 [tilespmem:s23], [sflag:$0x2], $0x80, s3, s19, $0xb8;
	[tilespmem:$0x1F900] =	vst v63  }
0x71: {  	_ =	swait.ge [sflag:s17], $0x2800  }
0x72: {  	[sflag:s17] =	ssyncset.done $0x0  }
0x73: {  	[sflag:s17] =	ssyncadd.s32 $0xFFFFD800  }
0x74: {  	s24 =	sadd.s32 $0x1, s24  }
0x75: {  	s25 =	sshll.u32 s2, $0x6;
	[bflag:$0x0] =	sbarrier.arrive $0xFFFF;
	p0 =	sne.s32 s24, s11  }
.Ltmp3:
0x76: {  	s26 =	sshrl.u32 s8, $0x3;
	s25 =	sor.u32 $0x1C02, s25;
	(pc) =	sbr.rel @p0 .LBB2_1-.Ltmp3, $4  }
0x77: {  	[hbm:s10], [sflag:s25] =	dma.local [spmem:s26], $0x2800  }
0x78: {  	_ =	swait.ge [sflag:s17], $0x2800  }
0x79: {  	[sflag:s17] =	ssyncset.done $0x0  }
0x7a: {  	[sflag:s17] =	ssyncadd.s32 $0xFFFFD800  }
0x7b: {  	_ =	sfence.sel $0x180000  }
0x7c: {  	[bflag:$0x0] =	sbarrier.arrive $0xFFFF  }
0x7d: {  	p0 =	sne.s32 s2, $0x0;
	_ =	strace $0x9000004A  }
0x7e: {  	s0 =	sadd.s32 @!p0 $0x100000, s0;
	[bflag:$0x2] =	sbarrier.arrive $0xFFFF  }
0x7f: {  	[sflag:s0] =	ssyncadd.tile.s32 @!p0 $0x1;
	_ =	shalt  }
.Lfunc_end2:
_tile_overlayer_lowered:
.L_overlay_start_2:
0x80: {  	(tag) =	ssettag $0x2  }
0x81: {  	s0 =	rddreg [dreg:$0x0];
	s2 =	stileid.u32  }
0x82: {  	s1 =	rddreg [dreg:$0x1];
	p0 =	sne.s32 s2, $0x0  }
0x83: {  	s3 =	rddreg [dreg:$0x2];
	[bflag:$0x3] =	sbarrier.arrive $0xFFFF;
	s2 =	simm.s32 @!p0 $0x1C02  }
0x84: {  	[timem:s3], [sflag:s2] =	dma.local @!p0 [hbm:s0], s1  }
0x85: {  	s0 =	simm.s32 @!p0 $0x2  }
0x86: {  	_ =	swait.ge @!p0 [sflag:s0], s1  }
0x87: {  	s1 =	ssub.s32 @!p0 $0x0, s1;
	[sflag:s0] =	ssyncset.done @!p0 $0x0  }
0x88: {  	[sflag:s0] =	ssyncadd.s32 @!p0 s1  }
0x89: {  	[bflag:$0x3] =	sbarrier.arrive $0xFFFF  }
0x8a: {  	_ =	shalt  }

// kernel: kernel.8.cloned.1.call-start
scs
__scs_entry_jumppad:
0x0: {  	(pc) =	sbr.rel $0x88, $3  }
0x1: {  	(tag) =	ssettag $0x0;
	lr =	simm.s32 $0x1  }
0x2: {  	[smem:$0x3F9A] =	sst lr;
	_ =	strace $0xD0000000  }
0x3: {  	_ = 	snop  }
0x4: {  	_ = 	snop  }
0x5: {  	_ = 	snop  }
0x6: {  	_ = 	snop  }
0x7: {  	_ = 	snop  }
__scs_overlays_trampoline_lowered:
0x8: {  	[smem:$0x3FA9] =	sst s0  }
0x9: {  	[smem:$0x3FAA] =	sst s1  }
0xa: {  	[smem:$0x3FAB] =	sst s2  }
0xb: {  	[smem:$0x3FAC] =	sst s3  }
0xc: {  	[smem:$0x3FAD] =	sst s4  }
0xd: {  	[smem:$0x3FAE] =	sst s5  }
0xe: {  	[smem:$0x3FAF] =	sst s6  }
0xf: {  	[smem:$0x3FB0] =	sst s7  }
0x10: {  	[smem:$0x3FB1] =	sst s8  }
0x11: {  	[smem:$0x3FB2] =	sst s9;
	s0 =	simm.s32 @!p0 $0x0  }
0x12: {  	s1 =	sld [smem:$0x3F98];
	s0 =	simm.s32 @p0 $0x1  }
0x13: {  	[smem:$0x3FB3] =	sst s0;
	s0 =	simm.s32 @!p1 $0x0  }
0x14: {  	s2 =	sld [smem:$0x3F97];
	s0 =	simm.s32 @p1 $0x1  }
0x15: {  	[smem:$0x3FB4] =	sst s0;
	s0 =	simm.s32 @!p2 $0x0  }
0x16: {  	s3 =	sld [smem:$0x3FDB];
	s0 =	simm.s32 @p2 $0x1  }
0x17: {  	s4 =	simm.s32 $0x1BF5;
	[smem:$0x3FB6] =	sst s0  }
0x18: {  	s0 =	sld [smem:$0x3F99];
	_ =	swait.ge [sflag:s4], $0x0  }
0x19: {  	s7 =	sld [smem:$0x3F9A]  }
0x1a: {  	s8 =	sadd.s32 $0xFFFFE003, lr  }
0x1b: {  	s9 =	sadd.s32 $0xFFFFFEF7, lr;
	s5 =	simm.s32 $0xFFFFFFFF;
	p2 =	slt.u32 s8, $0xFFFFF086  }
0x1c: {  	p1 =	slt.u32 s9, $0xF7A;
	s5 =	simm.s32 @!p2 $0x0  }
0x1d: {  	s5 =	simm.s32 @p1 $0x1;
	p0 =	seq.s32 s7, s2  }
0x1e: {  	s7 =	smul.u32 @!p0 $0xF7A, s2;
	p2 =	seq.s32 @!p0 s5, $0x0  }
0x1f: {  	s9 =	smul.u32 $0xF7A, s1;
	s8 =	simm.s32 @!p0 $0x1BF5;
	p2 =	por !p2, p0  }
0x20: {  	[sflag:s8] =	ssyncset.s32 @!p0 $0xFFFFF086;
	s6 =	sadd.s32 @!p0 s3, s7;
	s7 =	simm.s32 @!p0 $0x108  }
0x21: {  	s3 =	sadd.s32 s3, s9;
	s6 =	sadd.s32 @!p0 $0x88, s6;
	s7 =	simm.s32 @p2 $0x1082  }
0x22: {  	[simem:s7], [sflag:s8] =	dma.local @!p0 [hbm:s6], $0xF7A  }
0x23: {  	s9 =	sor.u32 $0xD0000000, s2;
	s6 =	simm.s32 $0x108;
	_ =	swait.ge @!p0 [sflag:s8], $0x0  }
0x24: {  	s3 =	sadd.s32 $0x88, s3;
	s6 =	simm.s32 @!p1 $0x1082;
	[sflag:s4] =	ssyncset.s32 $0xFFFFF086  }
0x25: {  	[simem:s6], [sflag:s4] =	dma.local [hbm:s3], $0xF7A  }
0x26: {  	[smem:$0x3F9A] =	sst s1;
	(tag) =	ssettag s2;
	_ =	strace s9  }
0x27: {  	s1 =	sld [smem:$0x3FAA]  }
0x28: {  	s2 =	sld [smem:$0x3FAB]  }
0x29: {  	s4 =	sld [smem:$0x3FAD]  }
0x2a: {  	p0 =	seq.s32 s5, $0x0;
	s5 =	sld [smem:$0x3FAE]  }
0x2b: {  	s6 =	sld [smem:$0x3FAF]  }
0x2c: {  	s7 =	sld [smem:$0x3FB0]  }
0x2d: {  	s3 =	simm.s32 $0x108;
	s8 =	sld [smem:$0x3FB1]  }
0x2e: {  	s3 =	simm.s32 @!p0 $0x1082;
	s9 =	sld [smem:$0x3FB2]  }
0x2f: {  	lr =	sadd.s32 s0, s3;
	s0 =	sld [smem:$0x3FA9]  }
0x30: {  	s3 =	sld [smem:$0x3FAC]  }
0x31: {  	[smem:$0x3FB5] =	sst s10  }
0x32: {  	s10 =	sld [smem:$0x3FB3];
	_ =	sdelay $0x3  }
0x33: {  	p0 =	seq.s32 s10, $0x1;
	s10 =	sld [smem:$0x3FB5];
	_ =	sdelay $0x3  }
0x34: {  	[smem:$0x3FB5] =	sst s10  }
0x35: {  	s10 =	sld [smem:$0x3FB4];
	_ =	sdelay $0x3  }
0x36: {  	p1 =	seq.s32 s10, $0x1;
	s10 =	sld [smem:$0x3FB5];
	_ =	sdelay $0x3  }
0x37: {  	[smem:$0x3FB5] =	sst s10  }
0x38: {  	s10 =	sld [smem:$0x3FB6]  }
0x39: {  	_ = 	snop;
	(pc) =	sbr.ind lr, $3  }
0x3a: {  	_ = 	snop  }
0x3b: {  	_ = 	snop  }
0x3c: {  	p2 =	seq.s32 s10, $0x1;
	s10 =	sld [smem:$0x3FB5]  }
0x3d: {  	_ =	shalt  }
0x3e: {  	_ =	shalt  }
0x3f: {  	_ =	shalt  }
0x40: {  	_ =	shalt  }
0x41: {  	_ =	shalt  }
0x42: {  	_ =	shalt  }
0x43: {  	_ =	shalt  }
0x44: {  	_ =	shalt  }
0x45: {  	_ =	shalt  }
0x46: {  	_ =	shalt  }
0x47: {  	_ =	shalt  }
0x48: {  	_ =	shalt  }
0x49: {  	_ =	shalt  }
0x4a: {  	_ =	shalt  }
0x4b: {  	_ =	shalt  }
0x4c: {  	_ =	shalt  }
0x4d: {  	_ =	shalt  }
0x4e: {  	_ =	shalt  }
0x4f: {  	_ =	shalt  }
0x50: {  	_ =	shalt  }
0x51: {  	_ =	shalt  }
0x52: {  	_ =	shalt  }
0x53: {  	_ =	shalt  }
0x54: {  	_ =	shalt  }
0x55: {  	_ =	shalt  }
0x56: {  	_ =	shalt  }
0x57: {  	_ =	shalt  }
0x58: {  	_ =	shalt  }
0x59: {  	_ =	shalt  }
0x5a: {  	_ =	shalt  }
0x5b: {  	_ =	shalt  }
0x5c: {  	_ =	shalt  }
0x5d: {  	_ =	shalt  }
0x5e: {  	_ =	shalt  }
0x5f: {  	_ =	shalt  }
0x60: {  	_ =	shalt  }
0x61: {  	_ =	shalt  }
0x62: {  	_ =	shalt  }
0x63: {  	_ =	shalt  }
0x64: {  	_ =	shalt  }
0x65: {  	_ =	shalt  }
0x66: {  	_ =	shalt  }
0x67: {  	_ =	shalt  }
0x68: {  	_ =	shalt  }
0x69: {  	_ =	shalt  }
0x6a: {  	_ =	shalt  }
0x6b: {  	_ =	shalt  }
0x6c: {  	_ =	shalt  }
0x6d: {  	_ =	shalt  }
0x6e: {  	_ =	shalt  }
0x6f: {  	_ =	shalt  }
0x70: {  	_ =	shalt  }
0x71: {  	_ =	shalt  }
0x72: {  	_ =	shalt  }
0x73: {  	_ =	shalt  }
0x74: {  	_ =	shalt  }
0x75: {  	_ =	shalt  }
0x76: {  	_ =	shalt  }
0x77: {  	_ =	shalt  }
0x78: {  	_ =	shalt  }
0x79: {  	_ =	shalt  }
0x7a: {  	_ =	shalt  }
0x7b: {  	_ =	shalt  }
0x7c: {  	_ =	shalt  }
0x7d: {  	_ =	shalt  }
0x7e: {  	_ =	shalt  }
0x7f: {  	_ =	shalt  }
0x80: {  	_ =	shalt  }
0x81: {  	_ =	shalt  }
0x82: {  	_ =	shalt  }
0x83: {  	_ =	shalt  }
0x84: {  	_ =	shalt  }
0x85: {  	_ =	shalt  }
0x86: {  	_ =	shalt  }
0x87: {  	_ =	shalt  }
.Lfunc_end0:
.L_simem_size_0:
called_computation.1_lowered:
.L_overlay_start_0:
0x88: {  	s2 =	sld [smem:$0x3FD9]  }
0x89: {  	s3 =	sld [smem:$0x3FFE];
	_ =	sdelay $0x1  }
0x8a: {  	s1 =	srdreg.scid  }
0x8b: {  	s0 =	sand.u32 $0x1, s1  }
0x8c: {  	s17 =	sshll.u32 s0, $0xA;
	s2 =	sadd.s32 s3, s2  }
0x8d: {  	s2 =	sadd.s32 s2, s17  }
0x8e: {  	[smem:$0x3FC1] =	sst s2  }
0x8f: {  	_ = 	snop  }
0x90: {  	s2 =	sld [smem:$0x3FD0];
	(tm) =	ssettm $0x1  }
0x91: {  	s18 =	sld [smem:$0x3FFB];
	_ =	sdelay $0x3  }
0x92: {  	_ =	strace s18  }
0x93: {  	s3 =	sld [smem:$0x3FFC];
	_ =	sdelay $0x3  }
0x94: {  	_ =	strace s3  }
0x95: {  	s3 =	sld [smem:$0x3FFD];
	_ =	sdelay $0x3  }
0x96: {  	_ =	strace s3  }
0x97: {  	_ =	strace $0x8FFFFFFF  }
0x98: {  	s19 =	sld [smem:$0x3FDB];
	_ =	sdelay $0x1  }
0x99: {  	s4 =	simm.s32 $_scs_section_size  }
0x9a: {  	s5 =	simm.s32 $_size__tile_overlayer_lowered;
	s6 =	simm.s32 $_tile_overlayer_lowered  }
0x9b: {  	s22 =	simm.s32 $0x1BFF;
	s21 =	sshll.u32 s6, $0x1;
	s3 =	sadd.s32 s4, s19  }
0x9c: {  	s7 =	simm.s32 $0x0;
	s20 =	sshll.u32 s5, $0x1;
	s5 =	sadd.s32 s21, s3  }
0x9d: {  	[timem:s7], [sflag:s22] =	dma.local [hbm:s5], s20  }
0x9e: {  	_ =	swait.ge [sflag:s22], s20  }
0x9f: {  	s4 =	ssub.s32 $0x0, s20;
	[sflag:s22] =	ssyncset.done $0x0  }
0xa0: {  	[sflag:s22] =	ssyncadd.s32 s4;
	_ =	sdelay $0x1  }
0xa1: {  	s23 =	simm.s32 $0x1B8B  }
0xa2: {  	_ =	swait.ge [sflag:s23], $0x1  }
0xa3: {  	[sflag:s23] =	ssyncset.done $0x0  }
0xa4: {  	s25 =	simm.s32 $0x1B8E;
	s24 =	sld [smem:$0x3FFE];
	[sflag:s23] =	ssyncadd.s32 $0xFFFFFFFF  }
0xa5: {  	s26 =	simm.s32 $execute0_lowered;
	[smem:$0x3FD2] =	sst s25  }
0xa6: {  	s5 =	sshll.u32 s26, $0x1;
	_ =	strace $0x80000046;
	[dreg:$0x1] =	wrdreg $0xFFFFFFFF  }
0xa7: {  	s28 =	simm.s32 $_size_execute0_lowered;
	s3 =	sadd.s32 s3, s5;
	[dreg:$0x0] =	wrdreg $0x0  }
0xa8: {  	s5 =	sshll.u32 s28, $0x1;
	[dreg:$0x2] =	wrdreg s3  }
0xa9: {  	[dreg:$0x3] =	wrdreg s5  }
0xaa: {  	[dreg:$0x4] =	wrdreg $0xC0  }
0xab: {  	_ =	task [dreg:s7], $0x5FFFF  }
0xac: {  	[dreg:$0x1] =	wrdreg $0xFFFFFFFF  }
0xad: {  	[dreg:$0x0] =	wrdreg $0x60  }
0xae: {  	[dreg:$0x2] =	wrdreg s24  }
0xaf: {  	[dreg:$0x3] =	wrdreg s2  }
0xb0: {  	[dreg:$0x4] =	wrdreg $0xB9000  }
0xb1: {  	[dreg:$0x5] =	wrdreg $0x9  }
0xb2: {  	_ =	task.clear_ibuf [dreg:s7], $0x6FFFF;
	_ =	strace $0x90000046  }
0xb3: {  	s29 =	simm.s32 $0x9;
	_ =	strace $0x80000048  }
0xb4: {  	_ =	swait.ge [sflag:s29], $0x1  }
0xb5: {  	[sflag:s29] =	ssyncadd.s32 $0xFFFFFFFF  }
0xb6: {  	_ =	strace $0x90000048  }
0xb7: {  	_ =	sfence  }
0xb8: {  	s30 =	sld [smem:$0x0];
	_ =	sdelay $0x2  }
0xb9: {  	s31 =	sshll.u32 s1, $0xD;
	s1 =	sshrl.u32 s1, $0x2  }
0xba: {  	s3 =	sand.u32 $0x4000, s31;
	s1 =	sadd.s32 s1, s30  }
0xbb: {  	s0 =	sor.u32 s3, s0;
	s1 =	sshll.u32 s1, $0x11  }
0xbc: {  	s0 =	sor.u32 s1, s0  }
0xbd: {  	s0 =	sadd.s32 $0x8F2B, s0  }
0xbe: {  	[sflag:s0] =	ssyncadd.remote.s32 $0x1  }
0xbf: {  	_ =	sfence.sel $0xFFFF  }
0xc0: {  	[dreg:$0x0] =	wrdreg $0xFFFFFFFF;
	(pc) =	sbr.abs _section_cstart, $3  }
0xc1: {  	[dreg:$0x1] =	wrdreg $0xFFFFFFFF  }
0xc2: {  	_ =	task.clear_ibuf [dreg:s7], $0x2FFFF;
	_ =	strace $0x9FFFFFFF  }
0xc3: {  	(tm) =	ssettm $0x7FFFFFFF  }
tec
execute0_lowered:
.L_overlay_start_1:
0x0: {  	(tag) =	ssettag $0x1  }
0x1: {  	s7 =	rddreg [dreg:$0x0]  }
0x2: {  	s10 =	rddreg [dreg:$0x1]  }
0x3: {  	s1 =	rddreg [dreg:$0x2]  }
0x4: {  	s0 =	rddreg [dreg:$0x3];
	s3 =	simm.s32 $0x0;
	s5 =	srdreg.scid  }
0x5: {  	s2 =	stileid.u32;
	s16 =	simm.s32 $0x7900;
	s17 =	simm.s32 $0x2  }
0x6: {  	s18 =	simm.s32 $0x80;
	s19 =	simm.s32 $0x50;
	s20 =	simm.s32 $0x100  }
0x7: {  	s21 =	simm.s32 $0x1;
	s22 =	simm.s32 $0x2900;
	s23 =	simm.s32 $0x5100  }
0x8: {  	s24 =	simm.s32 $0x0;
	[smem:$0x7FF] =	sst s3;
	s4 =	sadd.s32 $0x1D75600, s7  }
0x9: {  	s8 =	sand.u32 $0x1, s5;
	s9 =	smul.u32 $0x50000, s2;
	s5 =	sadd.s32 $0x1D9D600, s7  }
0xa: {  	s6 =	sadd.s32 $0x15C00, s7;
	s14 =	smul.u32 $0x14000, s2;
	s7 =	sadd.s32 $0x2200, s7  }
0xb: {  	s30 =	sshll.u32 s2, $0x1;
	s11 =	ssub.s32 $0x2, s8;
	s12 =	smul.u32 $0x140000, s8  }
0xc: {  	_ =	strace $0x80000047;
	s13 =	sshrl.u32 s11, $0x1;
	s31 =	sshrl.u32 s9, $0x2  }
0xd: {  	s11 =	ssub.s32 s11, s13;
	s13 =	sor.u32 s8, s30;
	s12 =	sadd.s32 s14, s12  }
0xe: {  	s8 =	sadd.s32 s31, s1;
	s9 =	smul.u32 $0x4E20, s13;
	s12 =	sshrl.u32 s12, $0x3  }
0xf: {  	s11 =	smax.u32 s11, $0x1;
	s13 =	sadd.s32 $0x8000, s8;
	s14 =	sadd.s32 $0xC000, s8  }
0x10: {  	v0 =	vimm.f32 $0.0e+00;
	s15 =	sadd.s32 $0x10000, s8;
	s10 =	sadd.s32 s10, s12;
	s12 =	sadd.s32 $0x4000, s8  }
.LBB2_1:
0x11: {  	s25 =	simm.s32 $0x0;
	s26 =	simm.s32 $0x200  }
.LBB2_2:
0x12: {  	p0 =	sne.s32 s26, $0xFE00;
	[tilespmem:s25+$0x7970] =	vst v0  }
0x13: {  	[tilespmem:s25+$0x7900] =	vst v0  }
0x14: {  	[tilespmem:s25+$0x7910] =	vst v0  }
.Ltmp0:
0x15: {  	[tilespmem:s25+$0x7920] =	vst v0;
	(pc) =	sbr.rel @p0 .LBB2_2-.Ltmp0, $4  }
0x16: {  	[tilespmem:s25+$0x7930] =	vst v0  }
0x17: {  	[tilespmem:s25+$0x7940] =	vst v0  }
0x18: {  	[tilespmem:s25+$0x7950] =	vst v0  }
0x19: {  	[tilespmem:s25+$0x7960] =	vst v0;
	s25 =	sshra.s32 s26, $0x2;
	s26 =	sadd.s32 $0x200, s26  }
0x1a: {  	[tilespmem:s25+$0x7970] =	vst v0  }
0x1b: {  	[tilespmem:s25+$0x7900] =	vst v0  }
0x1c: {  	[tilespmem:s25+$0x7910] =	vst v0  }
0x1d: {  	[tilespmem:s25+$0x7920] =	vst v0  }
0x1e: {  	[tilespmem:s25+$0x7930] =	vst v0  }
0x1f: {  	[tilespmem:s25+$0x7940] =	vst v0  }
0x20: {  	[tilespmem:s25+$0x7950] =	vst v0  }
0x21: {  	[tilespmem:s25+$0x7960] =	vst v0  }
0x22: {  	[spmem:s8] =	stream.linear.scatter [tilespmem:s16], [sflag:$0x2], $0x4000, $0x38;
	[tilespmem:$0x1F900] =	vst v63  }
0x23: {  	_ =	swait.ge [sflag:s17], $0x4000  }
0x24: {  	[sflag:s17] =	ssyncset.done $0x0  }
0x25: {  	[sflag:s17] =	ssyncadd.s32 $0xFFFFC000  }
0x26: {  	[spmem:s12] =	stream.linear.scatter [tilespmem:s16], [sflag:$0x2], $0x4000, $0x38;
	[tilespmem:$0x1F900] =	vst v63  }
0x27: {  	_ =	swait.ge [sflag:s17], $0x4000  }
0x28: {  	[sflag:s17] =	ssyncset.done $0x0  }
0x29: {  	[sflag:s17] =	ssyncadd.s32 $0xFFFFC000  }
0x2a: {  	[spmem:s13] =	stream.linear.scatter [tilespmem:s16], [sflag:$0x2], $0x4000, $0x38;
	[tilespmem:$0x1F900] =	vst v63  }
0x2b: {  	_ =	swait.ge [sflag:s17], $0x4000  }
0x2c: {  	[sflag:s17] =	ssyncset.done $0x0  }
0x2d: {  	[sflag:s17] =	ssyncadd.s32 $0xFFFFC000  }
0x2e: {  	[spmem:s14] =	stream.linear.scatter [tilespmem:s16], [sflag:$0x2], $0x4000, $0x38;
	[tilespmem:$0x1F900] =	vst v63  }
0x2f: {  	_ =	swait.ge [sflag:s17], $0x4000  }
0x30: {  	[sflag:s17] =	ssyncset.done $0x0  }
0x31: {  	[sflag:s17] =	ssyncadd.s32 $0xFFFFC000  }
0x32: {  	[spmem:s15] =	stream.linear.scatter [tilespmem:s16], [sflag:$0x2], $0x4000, $0x38;
	[tilespmem:$0x1F900] =	vst v63  }
0x33: {  	_ =	swait.ge [sflag:s17], $0x4000  }
0x34: {  	[sflag:s17] =	ssyncset.done $0x0  }
0x35: {  	[sflag:s17] =	ssyncadd.s32 $0xFFFFC000  }
0x36: {  	s25 =	simm.s32 $0x0;
	s26 =	simm.s32 $0x0;
	[bflag:$0x0] =	sbarrier.arrive $0xFFFF  }
.LBB2_4:
0x37: {  	s28 =	smul.u32 $0x50, s26;
	_ =	sdelay $0x1  }
0x38: {  	s28 =	sadd.s32 s9, s28  }
0x39: {  	s29 =	sshrl.u32 s28, $0x3  }
0x3a: {  	s30 =	sadd.s32 s6, s29  }
0x3b: {  	[tilespmem:s25], [sflag:$0x2] =	stream.linear.gather [hbm4b:s30+s25], $0x50, $0x38;
	[tilespmem:$0x1F900] =	vst v63  }
0x3c: {  	_ =	swait.ge [sflag:s17], $0x50  }
0x3d: {  	[sflag:s17] =	ssyncset.done $0x0  }
0x3e: {  	s29 =	sadd.s32 s7, s29;
	[sflag:s17] =	ssyncadd.s32 $0xFFFFFFB0  }
0x3f: {  	[tilespmem:s18], [sflag:$0x2] =	stream.linear.gather [hbm4b:s29+s25], $0x50, $0x38;
	[tilespmem:$0x1F900] =	vst v63  }
0x40: {  	_ =	swait.ge [sflag:s17], $0x50  }
0x41: {  	[sflag:s17] =	ssyncset.done $0x0  }
0x42: {  	[sflag:s17] =	ssyncadd.s32 $0xFFFFFFB0  }
0x43: {  	[tilespmem:s20], [sflag:$0x1] =	stream.indirect.gather [hbm4b:s4+s19], $0x80, s18, s19, $0xb8;
	[tilespmem:$0x1F900] =	vst v63  }
0x44: {  	_ =	swait.ge [sflag:s21], $0x2800  }
0x45: {  	s28 =	sshll.u32 s28, $0x4;
	[sflag:s21] =	ssyncset.done $0x0  }
0x46: {  	s28 =	sadd.s32 s5, s28;
	[sflag:s21] =	ssyncadd.s32 $0xFFFFD800  }
0x47: {  	[tilespmem:s22], [sflag:$0x2] =	stream.linear.gather [hbm4b:s28+s25], $0x2800, $0x38;
	[tilespmem:$0x1F900] =	vst v63  }
0x48: {  	_ =	swait.ge [sflag:s17], $0x2800  }
0x49: {  	[sflag:s17] =	ssyncset.done $0x0  }
0x4a: {  	s28 =	simm.s32 $0x0;
	[sflag:s17] =	ssyncadd.s32 $0xFFFFD800  }
0x4b: {  	v1 =	vld [tilespmem:s28+$0x110]  }
0x4c: {  	v3 =	vld [tilespmem:s28+$0x2970]  }
0x4d: {  	v2 =	vld [tilespmem:s28+$0x100]  }
0x4e: {  	v7 =	vld [tilespmem:s28+$0x2900]  }
0x4f: {  	v8 =	vld [tilespmem:s28+$0x2910]  }
0x50: {  	v9 =	vld [tilespmem:s28+$0x2920]  }
0x51: {  	v5 =	vld [tilespmem:s28+$0x2930]  }
0x52: {  	v6 =	vld [tilespmem:s28+$0x2940];
	v3 =	vmul.f32 v3, v1  }
0x53: {  	v4 =	vld [tilespmem:s28+$0x2950];
	v10 =	vmul.f32 v7, v2  }
0x54: {  	s29 =	simm.s32 $0x80;
	v7 =	vld [tilespmem:s28+$0x2960];
	v8 =	vmul.f32 v8, v1;
	[tilespmem:s28+$0x5170] =	vst v3  }
0x55: {  	s30 =	simm.s32 $0x400;
	v9 =	vmul.f32 v9, v2;
	v3 =	vld [tilespmem:s29+$0x110];
	[tilespmem:s28+$0x5100] =	vst v10  }
.LBB2_5:
0x56: {  	p0 =	sne.s32 s30, $0x9E00;
	v10 =	vld [tilespmem:s29+$0x2970];
	[tilespmem:s28+$0x5110] =	vst v8;
	v5 =	vmul.f32 v5, v1  }
0x57: {  	v8 =	vld [tilespmem:s29+$0x100];
	[tilespmem:s28+$0x5120] =	vst v9;
	v6 =	vmul.f32 v6, v2  }
0x58: {  	v9 =	vld [tilespmem:s29+$0x2900];
	[tilespmem:s28+$0x5130] =	vst v5;
	v4 =	vmul.f32 v4, v1  }
0x59: {  	v11 =	vld [tilespmem:s29+$0x2910];
	[tilespmem:s28+$0x5140] =	vst v6;
	v7 =	vmul.f32 v7, v2  }
0x5a: {  	v12 =	vld [tilespmem:s29+$0x2920];
	[tilespmem:s28+$0x5150] =	vst v4;
	v1 =	vmov v3  }
.Ltmp1:
0x5b: {  	v5 =	vld [tilespmem:s29+$0x2930];
	v3 =	vmul.f32 v10, v1;
	[tilespmem:s28+$0x5160] =	vst v7;
	s28 =	smov.u32 s29;
	(pc) =	sbr.rel @p0 .LBB2_5-.Ltmp1, $4  }
0x5c: {  	v6 =	vld [tilespmem:s28+$0x2940];
	v2 =	vmov v8  }
0x5d: {  	v9 =	vmul.f32 v9, v2;
	v4 =	vld [tilespmem:s28+$0x2950];
	[tilespmem:s28+$0x5170] =	vst v3  }
0x5e: {  	s29 =	sshra.s32 s30, $0x2;
	v8 =	vmul.f32 v11, v1;
	v7 =	vld [tilespmem:s28+$0x2960]  }
0x5f: {  	s30 =	sadd.s32 $0x200, s30;
	v3 =	vld [tilespmem:s29+$0x110];
	[tilespmem:s28+$0x5100] =	vst v9;
	v9 =	vmul.f32 v12, v2  }
0x60: {  	v10 =	vld [tilespmem:s29+$0x2970];
	[tilespmem:s28+$0x5110] =	vst v8;
	v5 =	vmul.f32 v5, v1  }
0x61: {  	v8 =	vld [tilespmem:s29+$0x100];
	[tilespmem:s28+$0x5120] =	vst v9;
	v6 =	vmul.f32 v6, v2  }
0x62: {  	v9 =	vld [tilespmem:s29+$0x2900];
	[tilespmem:s28+$0x5130] =	vst v5;
	v1 =	vmul.f32 v4, v1  }
0x63: {  	v5 =	vld [tilespmem:s29+$0x2910];
	[tilespmem:s28+$0x5140] =	vst v6;
	v2 =	vmul.f32 v7, v2  }
0x64: {  	v61 =	vld [tilespmem:s29+$0x2920];
	[tilespmem:s28+$0x5150] =	vst v1  }
0x65: {  	v1 =	vld [tilespmem:s29+$0x2930];
	[tilespmem:s28+$0x5160] =	vst v2  }
0x66: {  	v2 =	vmul.f32 v10, v3;
	v6 =	vld [tilespmem:s29+$0x2940]  }
0x67: {  	v62 =	vld [tilespmem:s29+$0x2950];
	v9 =	vmul.f32 v9, v8  }
0x68: {  	v63 =	vld [tilespmem:s29+$0x2960];
	[tilespmem:s29+$0x5170] =	vst v2;
	v2 =	vmul.f32 v5, v3  }
0x69: {  	[tilespmem:s29+$0x5100] =	vst v9;
	v4 =	vmul.f32 v61, v8  }
0x6a: {  	[tilespmem:s29+$0x5110] =	vst v2;
	v1 =	vmul.f32 v1, v3  }
0x6b: {  	[tilespmem:s29+$0x5120] =	vst v4;
	v2 =	vmul.f32 v6, v8  }
0x6c: {  	[tilespmem:s29+$0x5130] =	vst v1;
	v1 =	vmul.f32 v62, v3  }
0x6d: {  	s26 =	sadd.s32 $0x1, s26;
	[tilespmem:s29+$0x5140] =	vst v2;
	v2 =	vmul.f32 v63, v8  }
0x6e: {  	p0 =	sne.s32 s26, $0xFA;
	[tilespmem:s29+$0x5150] =	vst v1  }
.Ltmp2:
0x6f: {  	[tilespmem:s29+$0x5160] =	vst v2;
	(pc) =	sbr.rel @p0 .LBB2_4-.Ltmp2, $4  }
0x70: {  	[spmem:s1] =	stream.indirect.scatter.add.f32 [tilespmem:s23], [sflag:$0x2], $0x80, s3, s19, $0xb8;
	[tilespmem:$0x1F900] =	vst v63  }
0x71: {  	_ =	swait.ge [sflag:s17], $0x2800  }
0x72: {  	[sflag:s17] =	ssyncset.done $0x0  }
0x73: {  	[sflag:s17] =	ssyncadd.s32 $0xFFFFD800  }
0x74: {  	s24 =	sadd.s32 $0x1, s24  }
0x75: {  	s25 =	sshll.u32 s2, $0x6;
	[bflag:$0x0] =	sbarrier.arrive $0xFFFF;
	p0 =	sne.s32 s24, s11  }
.Ltmp3:
0x76: {  	s26 =	sshrl.u32 s8, $0x3;
	s25 =	sor.u32 $0x1C02, s25;
	(pc) =	sbr.rel @p0 .LBB2_1-.Ltmp3, $4  }
0x77: {  	[hbm:s10], [sflag:s25] =	dma.local [spmem:s26], $0x2800  }
0x78: {  	_ =	swait.ge [sflag:s17], $0x2800  }
0x79: {  	[sflag:s17] =	ssyncset.done $0x0  }
0x7a: {  	[sflag:s17] =	ssyncadd.s32 $0xFFFFD800  }
0x7b: {  	_ =	sfence.sel $0x180000  }
0x7c: {  	[bflag:$0x0] =	sbarrier.arrive $0xFFFF  }
0x7d: {  	p0 =	sne.s32 s2, $0x0;
	_ =	strace $0x90000047  }
0x7e: {  	s0 =	sadd.s32 @!p0 $0x100000, s0;
	[bflag:$0x2] =	sbarrier.arrive $0xFFFF  }
0x7f: {  	[sflag:s0] =	ssyncadd.tile.s32 @!p0 $0x1;
	_ =	shalt  }
.Lfunc_end2:
_tile_overlayer_lowered:
.L_overlay_start_2:
0x80: {  	(tag) =	ssettag $0x2  }
0x81: {  	s0 =	rddreg [dreg:$0x0];
	s2 =	stileid.u32  }
0x82: {  	s1 =	rddreg [dreg:$0x1];
	p0 =	sne.s32 s2, $0x0  }
0x83: {  	s3 =	rddreg [dreg:$0x2];
	[bflag:$0x3] =	sbarrier.arrive $0xFFFF;
	s2 =	simm.s32 @!p0 $0x1C02  }
0x84: {  	[timem:s3], [sflag:s2] =	dma.local @!p0 [hbm:s0], s1  }
0x85: {  	s0 =	simm.s32 @!p0 $0x2  }
0x86: {  	_ =	swait.ge @!p0 [sflag:s0], s1  }
0x87: {  	s1 =	ssub.s32 @!p0 $0x0, s1;
	[sflag:s0] =	ssyncset.done @!p0 $0x0  }
0x88: {  	[sflag:s0] =	ssyncadd.s32 @!p0 s1  }
0x89: {  	[bflag:$0x3] =	sbarrier.arrive $0xFFFF  }
0x8a: {  	_ =	shalt  }

// kernel: sparse-core-data-format-call.cloned.1.call-start
scs
called_computation_lowered:
.L_overlay_start_0:
0x0: {  	s2 =	sld [smem:$0x3FD9]  }
0x1: {  	s3 =	sld [smem:$0x3FFE];
	_ =	sdelay $0x1  }
0x2: {  	s1 =	srdreg.scid  }
0x3: {  	s0 =	sand.u32 $0x1, s1  }
0x4: {  	s18 =	sshll.u32 s0, $0xA;
	s2 =	sadd.s32 s3, s2  }
0x5: {  	s2 =	sadd.s32 s2, s18  }
0x6: {  	[smem:$0x3FC1] =	sst s2  }
0x7: {  	_ = 	snop  }
0x8: {  	s2 =	sld [smem:$0x3FD0];
	(tm) =	ssettm $0x1  }
0x9: {  	s19 =	sld [smem:$0x3FFB];
	_ =	sdelay $0x3  }
0xa: {  	_ =	strace s19  }
0xb: {  	s3 =	sld [smem:$0x3FFC];
	_ =	sdelay $0x3  }
0xc: {  	_ =	strace s3  }
0xd: {  	s3 =	sld [smem:$0x3FFD];
	_ =	sdelay $0x3  }
0xe: {  	_ =	strace s3  }
0xf: {  	_ =	strace $0x8FFFFFFF  }
0x10: {  	s20 =	sld [smem:$0x3FDB];
	_ =	sdelay $0x1  }
0x11: {  	s4 =	simm.s32 $_scs_section_size  }
0x12: {  	s5 =	simm.s32 $_size__tile_overlayer_lowered;
	s6 =	simm.s32 $_tile_overlayer_lowered  }
0x13: {  	s23 =	simm.s32 $0x1BFF;
	s22 =	sshll.u32 s6, $0x1;
	s3 =	sadd.s32 s4, s20  }
0x14: {  	s7 =	simm.s32 $0x0;
	s21 =	sshll.u32 s5, $0x1;
	s5 =	sadd.s32 s22, s3  }
0x15: {  	[timem:s7], [sflag:s23] =	dma.local [hbm:s5], s21  }
0x16: {  	_ =	swait.ge [sflag:s23], s21  }
0x17: {  	s4 =	ssub.s32 $0x0, s21;
	[sflag:s23] =	ssyncset.done $0x0  }
0x18: {  	[sflag:s23] =	ssyncadd.s32 s4;
	_ =	sdelay $0x1  }
0x19: {  	s24 =	simm.s32 $0x1B8B  }
0x1a: {  	_ =	swait.ge [sflag:s24], $0x1  }
0x1b: {  	[sflag:s24] =	ssyncset.done $0x0  }
0x1c: {  	s26 =	simm.s32 $0x1B8E;
	s25 =	sld [smem:$0x3FFE];
	[sflag:s24] =	ssyncadd.s32 $0xFFFFFFFF  }
0x1d: {  	s27 =	simm.s32 $execute0_lowered;
	[smem:$0x3FD2] =	sst s26  }
0x1e: {  	s5 =	sshll.u32 s27, $0x1;
	_ =	strace $0x8000004C;
	[dreg:$0x1] =	wrdreg $0xFFFFFFFF  }
0x1f: {  	s28 =	simm.s32 $_size_execute0_lowered;
	s3 =	sadd.s32 s3, s5;
	[dreg:$0x0] =	wrdreg $0x0  }
0x20: {  	s5 =	sshll.u32 s28, $0x1;
	[dreg:$0x2] =	wrdreg s3  }
0x21: {  	[dreg:$0x3] =	wrdreg s5  }
0x22: {  	[dreg:$0x4] =	wrdreg $0xC0  }
0x23: {  	_ =	task [dreg:s7], $0x5FFFF  }
0x24: {  	[dreg:$0x1] =	wrdreg $0xFFFFFFFF  }
0x25: {  	[dreg:$0x0] =	wrdreg $0x60  }
0x26: {  	[dreg:$0x2] =	wrdreg s25  }
0x27: {  	[dreg:$0x3] =	wrdreg s2  }
0x28: {  	[dreg:$0x4] =	wrdreg $0x9  }
0x29: {  	_ =	task.clear_ibuf [dreg:s7], $0x5FFFF;
	_ =	strace $0x9000004C  }
0x2a: {  	s29 =	simm.s32 $0x9;
	_ =	strace $0x8000004E  }
0x2b: {  	_ =	swait.ge [sflag:s29], $0x1  }
0x2c: {  	[sflag:s29] =	ssyncadd.s32 $0xFFFFFFFF  }
0x2d: {  	_ =	strace $0x9000004E  }
0x2e: {  	_ =	sfence  }
0x2f: {  	s30 =	sld [smem:$0x0];
	_ =	sdelay $0x2  }
0x30: {  	s31 =	sshll.u32 s1, $0xD;
	s1 =	sshrl.u32 s1, $0x2  }
0x31: {  	s3 =	sand.u32 $0x4000, s31;
	s1 =	sadd.s32 s1, s30  }
0x32: {  	s0 =	sor.u32 s3, s0;
	s1 =	sshll.u32 s1, $0x11  }
0x33: {  	s0 =	sor.u32 s1, s0  }
0x34: {  	s0 =	sadd.s32 $0x8F2B, s0  }
0x35: {  	[sflag:s0] =	ssyncadd.remote.s32 $0x1  }
0x36: {  	_ =	sfence.sel $0xFFFF  }
0x37: {  	[dreg:$0x0] =	wrdreg $0xFFFFFFFF;
	(pc) =	sbr.abs _section_cstart, $3  }
0x38: {  	[dreg:$0x1] =	wrdreg $0xFFFFFFFF  }
0x39: {  	_ =	task.clear_ibuf [dreg:s7], $0x2FFFF;
	_ =	strace $0x9FFFFFFF  }
0x3a: {  	(tm) =	ssettm $0x7FFFFFFF  }
0x3b: {  	_ =	shalt  }
tec
execute0_lowered:
.L_overlay_start_1:
0x0: {  	(tag) =	ssettag $0x1  }
0x1: {  	s0 =	srdreg.scid  }
0x2: {  	s0 =	sshll.u32 s0, $0x4  }
0x3: {  	s2 =	stileid.u32;
	s0 =	sand.u32 $0x10, s0  }
0x4: {  	s0 =	sor.u32 s2, s0  }
0x5: {  	s12 =	sshll.u32 s0, $0x7  }
0x6: {  	s1 =	rddreg [dreg:$0x0];
	s0 =	ssub.s32 $0x2700, s12  }
0x7: {  	_ =	strace $0x8000004D;
	s29 =	simm.s32 $0x1;
	s0 =	sshrl.u32 s0, $0xC  }
0x8: {  	s30 =	simm.s32 $0x2;
	s14 =	simm.s32 $0x0;
	s0 =	smul.u32 $0x9, s0  }
.Ltmp0:
0x9: {  	s9 =	simm.s32 $0x0;
	s1 =	sadd.s32 $0x16A200, s1;
	(pc) =	sbr.rel .LBB1_1-.Ltmp0, $4  }
0xa: {  	s8 =	simm.s32 $0x0;
	s11 =	simm.s32 $0x0;
	[dreg:$0x4] =	wrdreg s1  }
0xb: {  	s10 =	simm.s32 $0x0;
	[dreg:$0x3] =	wrdreg s12;
	s31 =	sadd.s32 $0x9, s0  }
0xc: {  	[sflag:s29] =	ssyncpa.u1 $0x0;
	s7 =	sadd.s32 $0xA, s0;
	[dreg:$0x5] =	wrdreg s31  }
0xd: {  	s13 =	simm.s32 $0x0;
	[sflag:s30] =	ssyncpa.u1 $0x0;
	[dreg:$0x6] =	wrdreg s7  }
.LBB1_12:
0xe: {  	s8 =	rddreg [dreg:$0x7]  }
0xf: {  	s1 =	sshll.u32 s11, $0x3;
	s25 =	sand.u32 $0x7F, s11;
	s5 =	rddreg [dreg:$0xb]  }
0x10: {  	p1 =	sgt.s32 s11, $0x2700;
	s26 =	rddreg [dreg:$0xa];
	s0 =	sshrl.u32 s8, $0x3  }
0x11: {  	s4 =	smov.u32 s11;
	s30 =	rddreg [dreg:$0x1];
	s0 =	smul.u32 $0x13C00, s0  }
0x12: {  	s31 =	simm.s32 $0x13C00;
	s1 =	sand.u32 $0xFFFFFC00, s1;
	s2 =	sshll.u32 s8, $0x7  }
0x13: {  	s9 =	rddreg [dreg:$0x8];
	s24 =	sand.u32 $0x380, s2;
	s0 =	sadd.s32 s1, s0  }
0x14: {  	p0 =	sgt.s32 s8, $0x3A0;
	s3 =	smov.u32 s8;
	s0 =	sor.u32 s24, s0  }
0x15: {  	s4 =	simm.s32 @!p1 $0x2700;
	s1 =	sor.u32 s25, s0;
	s0 =	smulhi.u32 $0xCF6474A9, s0  }
0x16: {  	s3 =	simm.s32 @!p0 $0x3A0;
	s4 =	sadd.s32 s26, s4;
	s2 =	smulhi.u32 $0xCF6474A9, s1  }
0x17: {  	s3 =	sadd.s32 s5, s3;
	s7 =	sadd.s32 $0xFFFFD900, s4;
	s0 =	sshrl.u32 s0, $0xD  }
0x18: {  	s4 =	ssub.s32 $0x2780, s4;
	s2 =	sshrl.u32 s2, $0xD;
	s27 =	smulhi.u32 $0x3E0F84, s0  }
0x19: {  	s6 =	sadd.s32 $0xFFFFFC60, s3;
	p1 =	sgt.s32 s7, $0x7F;
	s2 =	smul.u32 $0x2780, s2  }
0x1a: {  	s3 =	ssub.s32 $0x420, s3;
	p0 =	sgt.s32 s6, $0x7F;
	s5 =	smul.u32 $0x420, s27  }
0x1b: {  	s14 =	rddreg [dreg:$0x9];
	s4 =	simm.s32 @p1 $0x0;
	s3 =	simm.s32 @p0 $0x0  }
0x1c: {  	s28 =	smul.u32 s4, s3;
	s1 =	ssub.s32 s1, s2;
	s0 =	ssub.s32 s0, s5  }
0x1d: {  	s29 =	sshrl.u32 s1, $0x3;
	s1 =	sand.u32 $0x7, s1;
	s0 =	smul.u32 $0x4F0, s0  }
0x1e: {  	s7 =	rddreg [dreg:$0x6];
	s3 =	sadd.s32 s30, s29;
	s1 =	sshll.u32 s1, $0x12  }
0x1f: {  	s2 =	sand.u32 $0x3FFFFFFF, s28;
	s1 =	sor.u32 $0x400, s1;
	s0 =	sadd.s32 s0, s3  }
0x20: {  	[hbm4b:s0+s1] =	stream.strided.scatter [tilespmem:s18], [sflag:$0x2], s2, s31, s1, $0x20;
	[tilespmem:$0x10100] =	vst v63  }
.LBB1_13:
0x21: {  	p0 =	slt.u32 s13, $0x2  }
0x22: {  	s1 =	smov.u32 s14;
	s2 =	smov.u32 s9;
	p1 =	sgt.s32 @!p0 s14, $0x3A0  }
0x23: {  	s0 =	sshra.s32 @!p0 s14, $0x1F;
	p2 =	sgt.s32 @!p0 s9, $0x2700;
	s3 =	sshra.s32 @!p0 s9, $0x1F  }
0x24: {  	p1 =	por !p1, p0;
	s0 =	sand.u32 @!p0 s0, s14;
	p2 =	por !p2, p0  }
0x25: {  	s3 =	sand.u32 @!p0 s3, s9;
	s1 =	simm.s32 @p1 $0x3A0;
	s2 =	simm.s32 @p2 $0x2700  }
0x26: {  	s0 =	ssub.s32 @!p0 s1, s0;
	s1 =	ssub.s32 @!p0 s2, s3  }
0x27: {  	s2 =	sadd.s32 @!p0 $0xFFFFFC60, s0;
	s3 =	sadd.s32 @!p0 $0xFFFFD900, s1  }
0x28: {  	s0 =	ssub.s32 @!p0 $0x420, s0;
	p1 =	sgt.s32 @!p0 s2, $0x7F;
	p2 =	sgt.s32 @!p0 s3, $0x7F  }
0x29: {  	s1 =	ssub.s32 @!p0 $0x2780, s1;
	p1 =	por !p1, p0;
	p2 =	por !p2, p0  }
0x2a: {  	s0 =	simm.s32 @!p1 $0x0;
	s1 =	simm.s32 @!p2 $0x0  }
0x2b: {  	s0 =	smul.u32 @!p0 s1, s0  }
0x2c: {  	s4 =	smov.u32 s12;
	s2 =	simm.s32 @!p0 $0x2;
	s1 =	sadd.s32 $0x80, s10  }
0x2d: {  	s3 =	sadd.s32 $0x1000, s12;
	p1 =	sgt.s32 s1, $0x41F;
	s0 =	sand.u32 @!p0 $0x3FFFFFFF, s0  }
0x2e: {  	s4 =	smov.u32 @p1 s3;
	_ =	swait.ge @!p0 [sflag:s2], s0  }
0x2f: {  	s1 =	simm.s32 @p1 $0x0;
	p1 =	sgt.s32 s4, $0x270F;
	s3 =	rddreg [dreg:$0x3]  }
0x30: {  	s4 =	smov.u32 @p1 s3;
	p1 =	sne.s32 s13, s7  }
.Ltmp1:
0x31: {  	_ = 	snop;
	(pc) =	sbr.rel @!p1 .LBB1_14-.Ltmp1, $4  }
0x32: {  	s14 =	smov.u32 s8  }
0x33: {  	s9 =	smov.u32 s11;
	s8 =	smov.u32 s10;
	s11 =	smov.u32 s12  }
0x34: {  	s0 =	ssub.s32 @!p0 $0x0, s0;
	s10 =	smov.u32 s1;
	[sflag:s2] =	ssyncset.done @!p0 $0x0  }
0x35: {  	s13 =	sadd.s32 $0x1, s13;
	[sflag:s2] =	ssyncadd.s32 @!p0 s0;
	s12 =	smov.u32 s4  }
.LBB1_1:
0x36: {  	s0 =	rddreg [dreg:$0x5]  }
0x37: {  	s3 =	smov.u32 s12;
	p0 =	sge.u32 s13, s0  }
0x38: {  	s5 =	smov.u32 s10;
	s0 =	sshrl.u32 @!p0 s12, $0x3;
	s1 =	sshll.u32 @!p0 s10, $0x3  }
0x39: {  	s2 =	sshll.u32 @!p0 s12, $0x7;
	p1 =	sgt.s32 @!p0 s12, $0x2690;
	s0 =	smul.u32 @!p0 $0x2400, s0  }
0x3a: {  	s4 =	sshra.s32 @!p0 s12, $0x1F;
	s1 =	sand.u32 @!p0 $0xFFFFFC00, s1;
	p1 =	por !p1, p0  }
0x3b: {  	s3 =	simm.s32 @p1 $0x2690;
	s0 =	sadd.s32 @!p0 s0, s1;
	s1 =	sand.u32 @!p0 $0x380, s2  }
0x3c: {  	p1 =	sgt.s32 @!p0 s10, $0x400;
	s2 =	sand.u32 @!p0 $0x7F, s10;
	s0 =	sor.u32 @!p0 s1, s0  }
0x3d: {  	s6 =	sshra.s32 @!p0 s10, $0x1F;
	p1 =	por !p1, p0;
	s1 =	sor.u32 @!p0 s2, s0  }
0x3e: {  	s6 =	sand.u32 @!p0 s6, s10;
	s5 =	simm.s32 @p1 $0x400;
	s2 =	smulhi.u32 @!p0 $0x38E38E39, s1  }
0x3f: {  	s4 =	sand.u32 @!p0 s4, s12;
	s0 =	smulhi.u32 @!p0 $0x38E38E39, s0;
	s5 =	ssub.s32 @!p0 s5, s6  }
0x40: {  	s3 =	ssub.s32 @!p0 s3, s4;
	s6 =	sadd.s32 @!p0 $0xFFFFFC00, s5;
	s2 =	sshrl.u32 @!p0 s2, $0x8  }
0x41: {  	s0 =	sshrl.u32 @!p0 s0, $0x8;
	p2 =	sgt.s32 @!p0 s6, $0x7F;
	s2 =	smul.u32 @!p0 $0x480, s2  }
0x42: {  	s5 =	ssub.s32 @!p0 $0x480, s5;
	s4 =	smulhi.u32 @!p0 $0x1A36E3, s0;
	p2 =	por !p2, p0  }
0x43: {  	s1 =	ssub.s32 @!p0 s1, s2;
	s2 =	sadd.s32 @!p0 $0xFFFFD970, s3;
	s3 =	ssub.s32 @!p0 $0x2710, s3  }
0x44: {  	p1 =	sgt.s32 @!p0 s2, $0x7F;
	s2 =	sshrl.u32 @!p0 s4, $0x2;
	s4 =	sxor.u32 @!p0 $0xFFFFFFFF, s13  }
0x45: {  	s2 =	smul.u32 @!p0 $0x2710, s2;
	p1 =	por !p1, p0;
	s4 =	sshll.u32 @!p0 s4, $0xE  }
0x46: {  	s5 =	simm.s32 @!p2 $0x0;
	s3 =	simm.s32 @!p1 $0x0;
	s4 =	sand.u32 @!p0 $0x4000, s4  }
0x47: {  	s0 =	ssub.s32 @!p0 s0, s2;
	s2 =	smul.u32 @!p0 s3, s5;
	s3 =	sshrl.u32 @!p0 s1, $0x3  }
0x48: {  	s1 =	sand.u32 @!p0 $0x7, s1;
	s5 =	rddreg [dreg:$0x4];
	s0 =	smul.u32 @!p0 $0x90, s0  }
0x49: {  	s3 =	sadd.s32 @!p0 s5, s3;
	s1 =	sshll.u32 @!p0 s1, $0x12;
	s2 =	sand.u32 @!p0 $0x3FFFFFFF, s2  }
0x4a: {  	s1 =	sor.u32 @!p0 $0x400, s1;
	s0 =	sadd.s32 @!p0 s0, s3;
	s3 =	simm.s32 @!p0 $0x2400  }
0x4b: {  	[tilespmem:s4], [sflag:$0x1] =	stream.strided.gather @!p0 [hbm4b:s0+s1], s2, s3, s1, $0x38;
	[tilespmem:$0x10100] =	vst v63  }
0x4c: {  	p0 =	seq.s32 s13, $0x0  }
0x4d: {  	p1 =	sge.u32 @!p0 s13, s7  }
0x4e: {  	p0 =	por p0, p1  }
.Ltmp2:
0x4f: {  	_ = 	snop;
	(pc) =	sbr.rel @p0 .LBB1_13-.Ltmp2, $1  }
0x50: {  	_ =	sdelay $0x3  }
0x51: {  	s0 =	ssub.s32 $0x0, s11;
	s1 =	sshra.s32 s11, $0x1F;
	p0 =	sgt.s32 s11, $0x2690  }
0x52: {  	s2 =	smov.u32 s11;
	s25 =	ssub.s32 $0x0, s8;
	s26 =	sshra.s32 s8, $0x1F  }
0x53: {  	s3 =	smov.u32 s8;
	s2 =	simm.s32 @!p0 $0x2690;
	p0 =	sgt.s32 s8, $0x400  }
0x54: {  	s4 =	sand.u32 s0, s1;
	s1 =	sand.u32 s25, s26;
	s3 =	simm.s32 @!p0 $0x400  }
0x55: {  	s2 =	sadd.s32 s4, s2;
	[dreg:$0xb] =	wrdreg s1;
	s1 =	sadd.s32 s1, s3  }
0x56: {  	s27 =	sadd.s32 $0xFFFFD970, s2;
	s2 =	ssub.s32 $0x2710, s2;
	s28 =	sadd.s32 $0xFFFFFC00, s1  }
0x57: {  	p0 =	sgt.s32 s27, $0x7F;
	s0 =	ssub.s32 $0x480, s1;
	p1 =	sgt.s32 s28, $0x7F  }
0x58: {  	s2 =	simm.s32 @p0 $0x0;
	s0 =	simm.s32 @p1 $0x0  }
0x59: {  	s29 =	smul.u32 s2, s0;
	s2 =	sadd.s32 $0x80, s11  }
0x5a: {  	p0 =	slt.s32 s2, $0x2710  }
0x5b: {  	s2 =	simm.s32 @!p0 $0x2710  }
0x5c: {  	[dreg:$0x9] =	wrdreg s14;
	s19 =	ssub.s32 s2, s11  }
0x5d: {  	[dreg:$0x8] =	wrdreg s9;
	p0 =	slt.s32 s19, $0x1  }
.Ltmp3:
0x5e: {  	[dreg:$0x7] =	wrdreg s8;
	s30 =	simm.s32 $0x1;
	(pc) =	sbr.rel @p0 .LBB1_12-.Ltmp3, $4  }
0x5f: {  	[dreg:$0xa] =	wrdreg s4;
	s0 =	sand.u32 $0x1, s13;
	s1 =	sand.u32 $0x3FFFFFFF, s29  }
0x60: {  	s31 =	smul.u32 $0x4080, s0;
	_ =	swait.ge [sflag:s30], s1  }
0x61: {  	s1 =	ssub.s32 $0x0, s1;
	[sflag:s30] =	ssyncset.done $0x0  }
0x62: {  	s18 =	sor.u32 $0x8000, s31;
	[sflag:s30] =	ssyncadd.s32 s1  }
0x63: {  	s2 =	rddreg [dreg:$0x7]  }
0x64: {  	s1 =	sadd.s32 $0x80, s2  }
0x65: {  	p0 =	slt.s32 s1, $0x420  }
.Ltmp4:
0x66: {  	s1 =	simm.s32 @!p0 $0x420;
	(pc) =	sbr.rel .LBB1_4-.Ltmp4, $4  }
0x67: {  	s22 =	sshll.u32 s0, $0xE;
	s1 =	ssub.s32 s1, s2  }
0x68: {  	s24 =	simm.s32 $0x0;
	s25 =	simm.s32 $0x400;
	s1 =	sadd.s32 $0xF, s1  }
0x69: {  	s20 =	sand.u32 $0xFFFFFFF0, s1;
	s21 =	sand.u32 $0xFFFFFF00, s1;
	s31 =	sshll.u32 s1, $0x3  }
0x6a: {  	p0 =	slt.s32 s1, $0x100;
	s23 =	sand.u32 $0xFFFFF800, s31;
	p1 =	sge.s32 s21, s20  }
.LBB1_11:
0x6b: {  	s24 =	sadd.s32 $0x1, s24  }
0x6c: {  	p2 =	sne.s32 s24, s19  }
.Ltmp5:
0x6d: {  	_ = 	snop;
	(pc) =	sbr.rel @!p2 .LBB1_12-.Ltmp5, $2  }
0x6e: {  	_ =	sdelay $0x2  }
0x6f: {  	s25 =	sadd.s32 $0x80, s25  }
.LBB1_4:
.Ltmp6:
0x70: {  	(pc) =	sbr.rel @p0 .LBB1_8-.Ltmp6, $2  }
0x71: {  	_ =	sdelay $0x2  }
0x72: {  	s26 =	sshll.u32 s24, $0x7;
	s27 =	sand.u32 $0x7F, s24  }
0x73: {  	s0 =	sshll.u32 s24, $0x3  }
0x74: {  	s5 =	sand.u32 $0x380, s26;
	s3 =	sshrl.u32 s0, $0x7;
	s2 =	sadd.s32 $0x800, s0  }
0x75: {  	s6 =	sadd.s32 $0x1000, s0;
	s17 =	sadd.s32 s5, s22;
	s16 =	sadd.s32 $0x1800, s0  }
0x76: {  	s9 =	sadd.s32 $0x2800, s0;
	s1 =	sand.u32 $0x78, s3;
	s2 =	sshrl.u32 s2, $0x7  }
0x77: {  	s15 =	sshrl.u32 s6, $0x7;
	s6 =	sshrl.u32 s16, $0x7;
	s14 =	sshrl.u32 s9, $0x7  }
0x78: {  	s16 =	sadd.s32 $0x3000, s0;
	s4 =	smul.u32 $0x204, s1;
	s2 =	sand.u32 $0x78, s2  }
0x79: {  	s0 =	sadd.s32 $0x3800, s0;
	s5 =	sand.u32 $0x78, s15;
	s2 =	smul.u32 $0x204, s2  }
0x7a: {  	v0 =	vmov s17;
	s17 =	sand.u32 $0x3C00, s25;
	s1 =	sxor.u32 $0x40, s1;
	s5 =	smul.u32 $0x204, s5  }
0x7b: {  	s7 =	sand.u32 $0x78, s6;
	s1 =	smul.u32 $0x204, s1;
	s4 =	sshrl.u32 s4, $0x2  }
0x7c: {  	s4 =	sadd.s32 s4, s18;
	s2 =	sshrl.u32 s2, $0x2;
	s8 =	sshrl.u32 s5, $0x2  }
0x7d: {  	s1 =	sshrl.u32 s1, $0x2;
	s2 =	sadd.s32 s2, s18;
	s28 =	sadd.s32 s27, s4  }
0x7e: {  	s4 =	sadd.s32 s8, s18;
	s15 =	sadd.s32 s1, s18;
	s8 =	sshrl.u32 s0, $0x7  }
0x7f: {  	s29 =	sadd.s32 s27, s2;
	s2 =	smul.u32 $0x204, s7;
	s30 =	sadd.s32 s27, s4  }
0x80: {  	s4 =	sand.u32 $0x78, s14;
	s31 =	sadd.s32 s27, s15;
	s7 =	sshrl.u32 s16, $0x7  }
0x81: {  	s9 =	sand.u32 $0x78, s8;
	s14 =	sadd.s32 $0x10, s3;
	s15 =	sadd.s32 $0x20, s3  }
0x82: {  	s4 =	smul.u32 $0x204, s4;
	s5 =	sand.u32 $0x78, s14;
	s6 =	sand.u32 $0x78, s15  }
0x83: {  	s14 =	sadd.s32 $0x60, s3;
	s2 =	sshrl.u32 s2, $0x2;
	s5 =	smul.u32 $0x204, s5  }
0x84: {  	s6 =	smul.u32 $0x204, s6;
	s14 =	sand.u32 $0x78, s14;
	s2 =	sadd.s32 s2, s18  }
0x85: {  	s4 =	sshrl.u32 s4, $0x2;
	s14 =	smul.u32 $0x204, s14;
	s1 =	sadd.s32 s27, s2  }
0x86: {  	s2 =	sand.u32 $0x78, s7;
	s4 =	sadd.s32 s4, s18;
	s5 =	sshrl.u32 s5, $0x2  }
0x87: {  	s7 =	sadd.s32 $0x30, s3;
	s0 =	sadd.s32 s27, s4;
	s4 =	smul.u32 $0x204, s9  }
0x88: {  	s16 =	sadd.s32 s5, s18;
	s5 =	sand.u32 $0x78, s7;
	s7 =	sadd.s32 $0x50, s3  }
0x89: {  	s6 =	sshrl.u32 s6, $0x2;
	s3 =	sadd.s32 $0x70, s3;
	s7 =	sand.u32 $0x78, s7  }
0x8a: {  	v1 =	vld.idx.msk [tilespmem:v0+s17+$0x0 ss:$0x1], $0xffff;
	s3 =	sand.u32 $0x78, s3;
	s4 =	sshrl.u32 s4, $0x2;
	s7 =	smul.u32 $0x204, s7  }
0x8b: {  	s14 =	sshrl.u32 s14, $0x2;
	s3 =	smul.u32 $0x204, s3;
	s4 =	sadd.s32 s4, s18  }
0x8c: {  	s15 =	sadd.s32 s6, s18;
	s14 =	sadd.s32 s14, s18;
	s8 =	sadd.s32 s27, s4  }
0x8d: {  	s4 =	sadd.s32 s27, s15;
	s7 =	sshrl.u32 s7, $0x2;
	s3 =	sshrl.u32 s3, $0x2  }
0x8e: {  	s15 =	sadd.s32 $0xFFFFFC00, s25;
	s7 =	sadd.s32 s7, s18;
	s9 =	sadd.s32 s3, s18  }
0x8f: {  	[tilespmem:s28+$0x0 ss:$0x81] =	vst.msk $0xffff, v1;
	v1 =	vld.idx.msk [tilespmem:v0+s17+$0x20 ss:$0x1], $0xffff;
	s3 =	sadd.s32 s27, s7;
	s7 =	sadd.s32 s27, s14;
	s14 =	sand.u32 $0x3C00, s15  }
0x90: {  	v2 =	vld.idx.msk [tilespmem:v0+s14+$0x70 ss:$0x1], $0xffff  }
0x91: {  	v3 =	vld.idx.msk [tilespmem:v0+s14+$0x0 ss:$0x1], $0xffff  }
0x92: {  	v4 =	vld.idx.msk [tilespmem:v0+s14+$0x10 ss:$0x1], $0xffff  }
0x93: {  	v5 =	vld.idx.msk [tilespmem:v0+s14+$0x20 ss:$0x1], $0xffff  }
0x94: {  	v6 =	vld.idx.msk [tilespmem:v0+s14+$0x30 ss:$0x1], $0xffff  }
0x95: {  	v7 =	vld.idx.msk [tilespmem:v0+s14+$0x40 ss:$0x1], $0xffff;
	[tilespmem:s8+$0x0 ss:$0x81] =	vst.msk $0xffff, v2  }
0x96: {  	s2 =	smul.u32 $0x204, s2;
	v8 =	vld.idx.msk [tilespmem:v0+s14+$0x50 ss:$0x1], $0xffff;
	[tilespmem:s28+$0x0 ss:$0x81] =	vst.msk $0xffff, v3  }
0x97: {  	p2 =	sgt.s32 s21, $0x100;
	s5 =	smul.u32 $0x204, s5;
	v9 =	vld.idx.msk [tilespmem:v0+s14+$0x60 ss:$0x1], $0xffff;
	[tilespmem:s29+$0x0 ss:$0x81] =	vst.msk $0xffff, v4  }
.Ltmp7:
0x98: {  	v4 =	vld.idx.msk [tilespmem:v0+s17+$0x10 ss:$0x1], $0xffff;
	[tilespmem:s30+$0x0 ss:$0x81] =	vst.msk $0xffff, v5;
	(pc) =	sbr.rel @!p2 .LBB1_7-.Ltmp7, $4  }
0x99: {  	s2 =	sshrl.u32 s2, $0x2;
	s5 =	sshrl.u32 s5, $0x2;
	[tilespmem:s1+$0x0 ss:$0x81] =	vst.msk $0xffff, v6;
	v2 =	vld.idx.msk [tilespmem:v0+s17+$0x30 ss:$0x1], $0xffff  }
0x9a: {  	s2 =	sadd.s32 s2, s18;
	s5 =	sadd.s32 s5, s18;
	[tilespmem:s31+$0x0 ss:$0x81] =	vst.msk $0xffff, v7;
	v3 =	vld.idx.msk [tilespmem:v0+s17+$0x40 ss:$0x1], $0xffff  }
0x9b: {  	s6 =	sadd.s32 s27, s16;
	s2 =	sadd.s32 s27, s2;
	s5 =	sadd.s32 s27, s5;
	[tilespmem:s0+$0x0 ss:$0x81] =	vst.msk $0xffff, v8;
	v5 =	vld.idx.msk [tilespmem:v0+s17+$0x50 ss:$0x1], $0xffff  }
0x9c: {  	s16 =	sadd.s32 s27, s9;
	s15 =	sadd.s32 $0x800, s25;
	s14 =	simm.s32 $0x100;
	[tilespmem:s2+$0x0 ss:$0x81] =	vst.msk $0xffff, v9;
	v6 =	vld.idx.msk [tilespmem:v0+s17+$0x60 ss:$0x1], $0xffff  }
.LBB1_6:
0x9d: {  	s9 =	sadd.s32 $0xFFFFFC00, s15;
	s14 =	sadd.s32 $0x100, s14;
	[tilespmem:s6+$0x0 ss:$0x81] =	vst.msk $0xffff, v4;
	v4 =	vld.idx.msk [tilespmem:v0+s17+$0x70 ss:$0x1], $0xffff;
	s17 =	sand.u32 $0x3C00, s15  }
0x9e: {  	s9 =	sand.u32 $0x3C00, s9;
	v7 =	vld.idx.msk [tilespmem:v0+s17+$0x0 ss:$0x1], $0xffff;
	p2 =	slt.s32 s14, s21;
	[tilespmem:s4+$0x0 ss:$0x81] =	vst.msk $0xffff, v1  }
0x9f: {  	v1 =	vld.idx.msk [tilespmem:v0+s9+$0x70 ss:$0x1], $0xffff;
	[tilespmem:s5+$0x0 ss:$0x81] =	vst.msk $0xffff, v2  }
0xa0: {  	v2 =	vld.idx.msk [tilespmem:v0+s9+$0x0 ss:$0x1], $0xffff;
	[tilespmem:s31+$0x0 ss:$0x81] =	vst.msk $0xffff, v3  }
0xa1: {  	v3 =	vld.idx.msk [tilespmem:v0+s9+$0x10 ss:$0x1], $0xffff;
	[tilespmem:s3+$0x0 ss:$0x81] =	vst.msk $0xffff, v5  }
0xa2: {  	v5 =	vld.idx.msk [tilespmem:v0+s9+$0x20 ss:$0x1], $0xffff;
	[tilespmem:s7+$0x0 ss:$0x81] =	vst.msk $0xffff, v6  }
0xa3: {  	v6 =	vld.idx.msk [tilespmem:v0+s9+$0x30 ss:$0x1], $0xffff;
	[tilespmem:s16+$0x0 ss:$0x81] =	vst.msk $0xffff, v4  }
0xa4: {  	v8 =	vld.idx.msk [tilespmem:v0+s9+$0x40 ss:$0x1], $0xffff;
	[tilespmem:s28+$0x0 ss:$0x81] =	vst.msk $0xffff, v7  }
0xa5: {  	v7 =	vld.idx.msk [tilespmem:v0+s9+$0x50 ss:$0x1], $0xffff;
	[tilespmem:s8+$0x0 ss:$0x81] =	vst.msk $0xffff, v1  }
0xa6: {  	[tilespmem:s28+$0x0 ss:$0x81] =	vst.msk $0xffff, v2;
	v9 =	vld.idx.msk [tilespmem:v0+s9+$0x60 ss:$0x1], $0xffff  }
0xa7: {  	[tilespmem:s29+$0x0 ss:$0x81] =	vst.msk $0xffff, v3;
	v4 =	vld.idx.msk [tilespmem:v0+s17+$0x10 ss:$0x1], $0xffff  }
.Ltmp8:
0xa8: {  	[tilespmem:s30+$0x0 ss:$0x81] =	vst.msk $0xffff, v5;
	v1 =	vld.idx.msk [tilespmem:v0+s17+$0x20 ss:$0x1], $0xffff;
	(pc) =	sbr.rel @p2 .LBB1_6-.Ltmp8, $4  }
0xa9: {  	[tilespmem:s1+$0x0 ss:$0x81] =	vst.msk $0xffff, v6;
	v2 =	vld.idx.msk [tilespmem:v0+s17+$0x30 ss:$0x1], $0xffff  }
0xaa: {  	[tilespmem:s31+$0x0 ss:$0x81] =	vst.msk $0xffff, v8;
	v3 =	vld.idx.msk [tilespmem:v0+s17+$0x40 ss:$0x1], $0xffff  }
0xab: {  	[tilespmem:s0+$0x0 ss:$0x81] =	vst.msk $0xffff, v7;
	v5 =	vld.idx.msk [tilespmem:v0+s17+$0x50 ss:$0x1], $0xffff  }
0xac: {  	s15 =	sadd.s32 $0x800, s15;
	[tilespmem:s2+$0x0 ss:$0x81] =	vst.msk $0xffff, v9;
	v6 =	vld.idx.msk [tilespmem:v0+s17+$0x60 ss:$0x1], $0xffff  }
.LBB1_7:
0xad: {  	_ =	sdelay $0x2  }
0xae: {  	[tilespmem:s6+$0x0 ss:$0x81] =	vst.msk $0xffff, v4  }
0xaf: {  	v0 =	vld.idx.msk [tilespmem:v0+s17+$0x70 ss:$0x1], $0xffff;
	[tilespmem:s4+$0x0 ss:$0x81] =	vst.msk $0xffff, v1  }
0xb0: {  	[tilespmem:s5+$0x0 ss:$0x81] =	vst.msk $0xffff, v2  }
0xb1: {  	[tilespmem:s31+$0x0 ss:$0x81] =	vst.msk $0xffff, v3  }
0xb2: {  	[tilespmem:s3+$0x0 ss:$0x81] =	vst.msk $0xffff, v5  }
0xb3: {  	[tilespmem:s7+$0x0 ss:$0x81] =	vst.msk $0xffff, v6  }
0xb4: {  	[tilespmem:s16+$0x0 ss:$0x81] =	vst.msk $0xffff, v0  }
.LBB1_8:
.Ltmp9:
0xb5: {  	(pc) =	sbr.rel @p1 .LBB1_11-.Ltmp9, $1  }
0xb6: {  	_ =	sdelay $0x3  }
0xb7: {  	s1 =	sand.u32 $0x380, s26;
	s0 =	sshrl.u32 s24, $0x4;
	s2 =	sadd.s32 s27, s18  }
0xb8: {  	s3 =	smov.u32 s23;
	s4 =	smov.u32 s21;
	s1 =	sadd.s32 s1, s22  }
.LBB1_10:
0xb9: {  	s5 =	sand.u32 $0x3C00, s3  }
0xba: {  	s5 =	sadd.s32 s26, s5  }
0xbb: {  	s5 =	sand.u32 $0x3C00, s5  }
0xbc: {  	s6 =	sand.u32 $0x70, s4;
	s30 =	sadd.s32 s4, s0;
	s5 =	sadd.s32 s5, s1  }
0xbd: {  	s4 =	sadd.s32 $0x10, s4;
	s31 =	sand.u32 $0x78, s30;
	s5 =	sadd.s32 s6, s5  }
0xbe: {  	p2 =	slt.s32 s4, s20;
	v0 =	vld [tilespmem:s5+$0x0];
	s5 =	smul.u32 $0x204, s31  }
.Ltmp10:
0xbf: {  	_ = 	snop;
	(pc) =	sbr.rel @p2 .LBB1_10-.Ltmp10, $4  }
0xc0: {  	_ = 	snop  }
0xc1: {  	s5 =	sshrl.u32 s5, $0x2  }
0xc2: {  	s5 =	sadd.s32 s5, s2  }
0xc3: {  	s3 =	sadd.s32 $0x80, s3;
	[tilespmem:s5+$0x0 ss:$0x81] =	vst.msk $0xffff, v0  }
.Ltmp11:
0xc4: {  	_ = 	snop;
	(pc) =	sbr.rel .LBB1_11-.Ltmp11, $1  }
0xc5: {  	_ =	sdelay $0x3  }
.LBB1_14:
0xc6: {  	_ =	sfence.sel $0x180000  }
0xc7: {  	s0 =	simm.s32 $0x1;
	[bflag:$0x0] =	sbarrier.arrive $0xFFFF  }
0xc8: {  	s30 =	simm.s32 $0x2;
	[sflag:s0] =	ssyncpa.u1 $0x1  }
0xc9: {  	[sflag:s30] =	ssyncpa.u1 $0x1  }
0xca: {  	_ =	strace $0x9000004D  }
0xcb: {  	s31 =	stileid.u32;
	[bflag:$0x2] =	sbarrier.arrive $0xFFFF  }
0xcc: {  	p0 =	sne.s32 s31, $0x0;
	s0 =	rddreg [dreg:$0x2]  }
0xcd: {  	s0 =	sadd.s32 @!p0 $0x100000, s0  }
0xce: {  	[sflag:s0] =	ssyncadd.tile.s32 @!p0 $0x1;
	_ =	shalt  }
.Lfunc_end1:
_tile_overlayer_lowered:
.L_overlay_start_2:
0xcf: {  	(tag) =	ssettag $0x2  }
0xd0: {  	s0 =	rddreg [dreg:$0x0];
	s2 =	stileid.u32  }
0xd1: {  	s1 =	rddreg [dreg:$0x1];
	p0 =	sne.s32 s2, $0x0  }
0xd2: {  	s3 =	rddreg [dreg:$0x2];
	[bflag:$0x3] =	sbarrier.arrive $0xFFFF;
	s2 =	simm.s32 @!p0 $0x1C01  }
0xd3: {  	[timem:s3], [sflag:s2] =	dma.local @!p0 [hbm:s0], s1  }
0xd4: {  	s0 =	simm.s32 @!p0 $0x1  }
0xd5: {  	_ =	swait.ge @!p0 [sflag:s0], s1  }
0xd6: {  	s1 =	ssub.s32 @!p0 $0x0, s1;
	[sflag:s0] =	ssyncset.done @!p0 $0x0  }
0xd7: {  	[sflag:s0] =	ssyncadd.s32 @!p0 s1  }
0xd8: {  	[bflag:$0x3] =	sbarrier.arrive $0xFFFF  }
0xd9: {  	_ =	shalt  }

</sc_bundles>
